<compile_context>
chip_gen: v7x
topology: tpu7x:2x2x1
jax: 0.10.2.dev20260603
libtpu: 0.0.44.dev20260713+nightly
codegen_flags: <defaults>
</compile_context>

<pallas_src>
import functools

import jax
import jax.numpy as jnp
from jax import lax
from jax.experimental import pallas as pl
from jax.experimental.pallas import tpu as pltpu
from jax.experimental.pallas import tpu_sc as plsc

N = 10000
NP = 10240
D = 128
F = 64
NC = 2
NS = 16
NT = NC * NS
K = 128
E = 320000
E_TOT = E + NP
CH = -(-E_TOT // (NT * K))
E_PAD = NT * CH * K
RPT = NP // NS

_mesh = plsc.VectorSubcoreMesh(core_axis_name="c", subcore_axis_name="s")


@functools.partial(
    pl.kernel,
    out_type=jax.ShapeDtypeStruct((NC, NP), jnp.float32),
    mesh=_mesh,
    compiler_params=pltpu.CompilerParams(needs_layout_passes=False, use_tc_tiling_on_sc=False),
    scratch_types=[
        pltpu.VMEM((CH, K), jnp.int32),
        pltpu.VMEM((CH, K), jnp.float32),
        pltpu.VMEM_SHARED((NP,), jnp.float32),
    ],
)
def _deg_kernel(col_hbm, w_hbm, z1_hbm, deg_out, col_v, w_v, deg_sh):
    c = lax.axis_index("c")
    s = lax.axis_index("s")
    wid = s * NC + c
    pltpu.sync_copy(col_hbm.at[wid], col_v)
    pltpu.sync_copy(w_hbm.at[wid], w_v)
    pltpu.sync_copy(z1_hbm, deg_sh.at[pl.ds(s * RPT, RPT)])
    plsc.subcore_barrier()

    def body(i, carry):
        pltpu.sync_copy(w_v.at[i], deg_sh.at[col_v.at[i]], add=True)
        return carry

    lax.fori_loop(0, CH, body, 0)
    plsc.subcore_barrier()
    pltpu.sync_copy(deg_sh.at[pl.ds(s * RPT, RPT)],
                    deg_out.at[c, pl.ds(s * RPT, RPT)])


@functools.partial(
    pl.kernel,
    out_type=jax.ShapeDtypeStruct((NC, NP, F), jnp.float32),
    mesh=_mesh,
    compiler_params=pltpu.CompilerParams(needs_layout_passes=False, use_tc_tiling_on_sc=False),
    scratch_types=[
        pltpu.VMEM((CH, K), jnp.int32),
        pltpu.VMEM((CH, K), jnp.int32),
        pltpu.VMEM((CH, K), jnp.float32),
        pltpu.VMEM((NP,), jnp.float32),
        pltpu.VMEM((K, F), jnp.float32),
        pltpu.VMEM((K,), jnp.float32),
        pltpu.VMEM_SHARED((NP, F), jnp.float32),
        pltpu.SemaphoreType.DMA,
    ],
)
def _edge_kernel(xw_hbm, row_hbm, col_hbm, w_hbm, dis_hbm, z64_hbm, acc_out,
                 row_v, col_v, w_v, dis_v, gbuf, nbuf, acc_sh, sem):
    c = lax.axis_index("c")
    s = lax.axis_index("s")
    wid = s * NC + c
    pltpu.sync_copy(row_hbm.at[wid], row_v)
    pltpu.sync_copy(col_hbm.at[wid], col_v)
    pltpu.sync_copy(w_hbm.at[wid], w_v)
    pltpu.sync_copy(dis_hbm, dis_v)
    pltpu.sync_copy(z64_hbm, acc_sh.at[pl.ds(s * RPT, RPT)])
    plsc.subcore_barrier()

    def chunk(i, carry):
        for j in range(K // 16):
            r16 = row_v[i, pl.ds(j * 16, 16)]
            c16 = col_v[i, pl.ds(j * 16, 16)]
            w16 = w_v[i, pl.ds(j * 16, 16)]
            n16 = plsc.load_gather(dis_v, [r16]) * w16 \
                * plsc.load_gather(dis_v, [c16])
            nbuf[pl.ds(j * 16, 16)] = n16
        pltpu.async_copy(xw_hbm.at[row_v.at[i]], gbuf, sem).wait()

        def scale(g, carry2):
            n16 = nbuf[pl.ds(g * 16, 16)]
            base = g * 16
            for u in range(16):
                sc = n16[u]
                for j in range(F // 16):
                    gbuf[base + u, pl.ds(j * 16, 16)] = (
                        gbuf[base + u, pl.ds(j * 16, 16)] * sc)
            return carry2

        lax.fori_loop(0, K // 16, scale, 0)
        pltpu.sync_copy(gbuf, acc_sh.at[col_v.at[i]], add=True)
        return carry

    lax.fori_loop(0, CH, chunk, 0)
    plsc.subcore_barrier()
    pltpu.sync_copy(acc_sh.at[pl.ds(s * RPT, RPT)],
                    acc_out.at[c, pl.ds(s * RPT, RPT)])


def _dis_body(degp_ref, dis_ref):
    d = degp_ref[0] + degp_ref[1]
    dis_ref[...] = jax.lax.rsqrt(d)


def _dis_kernel(degp):
    return pl.pallas_call(
        _dis_body,
        out_shape=jax.ShapeDtypeStruct((NP // 128, 128), jnp.float32),
    )(degp.reshape(NC, NP // 128, 128))


def _mm_body(x_ref, w_ref, o_ref):
    o_ref[...] = jnp.dot(x_ref[...], w_ref[...],
                         preferred_element_type=jnp.float32)


def _mm(x, w):
    br = 1024
    din, dout = w.shape
    return pl.pallas_call(
        _mm_body,
        grid=(NP // br,),
        in_specs=[
            pl.BlockSpec((br, din), lambda i: (i, 0)),
            pl.BlockSpec((din, dout), lambda i: (0, 0)),
        ],
        out_specs=pl.BlockSpec((br, dout), lambda i: (i, 0)),
        out_shape=jax.ShapeDtypeStruct((NP, dout), jnp.float32),
    )(x, w)


def _mid_body(acc_ref, b_ref, w2_ref, o_ref):
    h = jax.nn.relu(acc_ref[0] + acc_ref[1] + b_ref[...])
    o_ref[...] = jnp.dot(h, w2_ref[...], preferred_element_type=jnp.float32)


def _mid(acc, b1, w2):
    br = 1024
    return pl.pallas_call(
        _mid_body,
        grid=(NP // br,),
        in_specs=[
            pl.BlockSpec((NC, br, F), lambda i: (0, i, 0)),
            pl.BlockSpec((1, F), lambda i: (0, 0)),
            pl.BlockSpec((F, F), lambda i: (0, 0)),
        ],
        out_specs=pl.BlockSpec((br, F), lambda i: (i, 0)),
        out_shape=jax.ShapeDtypeStruct((NP, F), jnp.float32),
    )(acc, b1.reshape(1, F), w2)


def _fin_body(acc_ref, b_ref, o_ref):
    o_ref[...] = acc_ref[0] + acc_ref[1] + b_ref[...]


def _fin(acc, b2):
    br = 1024
    return pl.pallas_call(
        _fin_body,
        grid=(NP // br,),
        in_specs=[
            pl.BlockSpec((NC, br, F), lambda i: (0, i, 0)),
            pl.BlockSpec((1, F), lambda i: (0, 0)),
        ],
        out_specs=pl.BlockSpec((br, F), lambda i: (i, 0)),
        out_shape=jax.ShapeDtypeStruct((NP, F), jnp.float32),
    )(acc, b2.reshape(1, F))


def kernel(data, edge_idx, edge_weight, W1, b1, W2, b2):
    pad = E_PAD - E_TOT
    loop = jnp.arange(NP, dtype=jnp.int32)
    row = jnp.concatenate([edge_idx[0].astype(jnp.int32), loop,
                           jnp.zeros((pad,), jnp.int32)])
    col = jnp.concatenate([edge_idx[1].astype(jnp.int32), loop,
                           jnp.zeros((pad,), jnp.int32)])
    w = jnp.concatenate([edge_weight, jnp.ones((NP,), jnp.float32),
                         jnp.zeros((pad,), jnp.float32)])
    row3 = row.reshape(NT, CH, K)
    col3 = col.reshape(NT, CH, K)
    w3 = w.reshape(NT, CH, K)
    z1 = jnp.zeros((RPT,), jnp.float32)
    z64 = jnp.zeros((RPT, F), jnp.float32)
    data_p = jnp.pad(data, ((0, NP - N), (0, 0)))

    degp = _deg_kernel(col3, w3, z1)
    dis = _dis_kernel(degp).reshape(NP)

    xw1 = _mm(data_p, W1)
    acc1 = _edge_kernel(xw1, row3, col3, w3, dis, z64)
    xw2 = _mid(acc1, b1, W2)
    acc2 = _edge_kernel(xw2, row3, col3, w3, dis, z64)
    out = _fin(acc2, b2)
    return out[:N]

# --- scband reference (transcript-rebuilt; emitter-appended) ---
"""Pipeline reference for scband-gcn-83545703842127 (READ-ONLY COPY).

The authoritative reference and input builder live on the scoring server;
editing this copy changes nothing except your own understanding.
"""

import jax, jax.numpy as jnp
import numpy as np

N = 10000
E = 320000
D = 128
H = 64
C = 64


def gcn_layer(x, edge_index, edge_weight, W, b):
    # GCNConv with add_self_loops=True, normalize=True (symmetric gcn_norm)
    n = x.shape[0]
    xw = x @ W
    loop = jnp.arange(n, dtype=edge_index.dtype)
    row = jnp.concatenate([edge_index[0], loop])
    col = jnp.concatenate([edge_index[1], loop])
    w = jnp.concatenate([edge_weight, jnp.ones((n,), dtype=edge_weight.dtype)])
    deg = jax.ops.segment_sum(w, col, num_segments=n)
    deg_inv_sqrt = jnp.where(deg > 0, 1.0 / jnp.sqrt(deg), 0.0)
    norm = deg_inv_sqrt[row] * w * deg_inv_sqrt[col]
    msg = xw[row] * norm[:, None]
    out = jax.ops.segment_sum(msg, col, num_segments=n)
    return out + b


def setup_inputs(seed: int = 0) -> dict:
    key = jax.random.key(seed)
    k1, k2, k3, k4, k5, k6, k7 = jax.random.split(key, 7)
    data = jax.random.normal(k1, (N, D), dtype=jnp.float32)
    edge_idx = jax.random.randint(k2, (2, E), 0, N)
    edge_weight = jax.random.uniform(k3, (E,), dtype=jnp.float32)
    W1 = jax.random.normal(k4, (D, H), dtype=jnp.float32) * (1.0 / np.sqrt(D))
    b1 = jnp.zeros((H,), dtype=jnp.float32)
    W2 = jax.random.normal(k5, (H, C), dtype=jnp.float32) * (1.0 / np.sqrt(H))
    b2 = jnp.zeros((C,), dtype=jnp.float32)
    return {"data": data, "edge_idx": edge_idx, "edge_weight": edge_weight, "W1": W1, "b1": b1, "W2": W2, "b2": b2}


def reference(data, edge_idx, edge_weight, W1, b1, W2, b2):
    # layer 0: GCNConv(128->64) + ReLU (+ Dropout: identity in eval)
    h = jax.nn.relu(gcn_layer(data, edge_idx, edge_weight, W1, b1))
    # layer 1: GCNConv(64->n_classes) + Identity (do_omit_softmax=False)
    out = gcn_layer(h, edge_idx, edge_weight, W2, b2)
    return out

if __name__ == "__main__":
    import jax
    _d = setup_inputs()
    print(jax.jit(kernel)(*tuple(_d.values())))

</pallas_src>

<mosaic_0001>
#map = affine_map<(d0, d1) -> (0, 0, 0)>
#map1 = affine_map<(d0, d1) -> (0)>
#map2 = affine_map<(d0, d1) -> (0, 0)>
module attributes {stable_mosaic.version = 14 : i64} {
  func.func @_deg_kernel(%arg0: i32, %arg1: i32, %arg2: memref<32x81x128xi32, #tpu.memory_space<hbm>>, %arg3: memref<32x81x128xf32, #tpu.memory_space<hbm>>, %arg4: memref<640xf32, #tpu.memory_space<hbm>>, %arg5: memref<2x10240xf32, #tpu.memory_space<hbm>>, %arg6: memref<81x128xi32, #tpu.memory_space<vmem>>, %arg7: memref<81x128xf32, #tpu.memory_space<vmem>>, %arg8: memref<10240xf32, #tpu.memory_space<vmem_shared>>) attributes {dimension_semantics = [#tpu.dimension_semantics<core_parallel>, #tpu.dimension_semantics<subcore_parallel>], iteration_bounds = array<i64: 2, 16>, scalar_prefetch = 0 : i64, scratch_operands = 3 : i64, tpu.core_type = #tpu.core_type<sc_vector_subcore>, window_params = [{transform_indices = #map}, {transform_indices = #map}, {transform_indices = #map1}, {transform_indices = #map2}]} {
    %mul3A = arith.constant 2 : i32
    %mul3A_0 = arith.muli %arg1, %mul3A : i32
    %add3A = arith.addi %mul3A_0, %arg0 : i32
    "tpu.region"() ({
      %run_scoped3A = tpu.sem_alloc : memref<!tpu.dma_semaphore, #tpu.memory_space<semaphore_mem>>
      %dma_start3A = arith.constant 0 : i32
      %dma_start3A_13 = arith.constant 0 : i32
      %dma_start3A_14 = tpu.memref_slice %arg2[%add3A, %dma_start3A, %dma_start3A_13] : memref<32x81x128xi32, #tpu.memory_space<hbm>> -> memref<1x81x128xi32, #tpu.memory_space<hbm>>
      %dma_start3A_15 = tpu.memref_squeeze %dma_start3A_14 : memref<1x81x128xi32, #tpu.memory_space<hbm>> -> memref<81x128xi32, #tpu.memory_space<hbm>>
      %dma_start3A_16 = arith.constant 0 : i32
      %dma_start3A_17 = arith.constant 0 : i32
      %dma_start3A_18 = tpu.memref_slice %arg2[%add3A, %dma_start3A_16, %dma_start3A_17] : memref<32x81x128xi32, #tpu.memory_space<hbm>> -> memref<1x81x128xi32, #tpu.memory_space<hbm>>
      %dma_start3A_19 = tpu.memref_squeeze %dma_start3A_18 : memref<1x81x128xi32, #tpu.memory_space<hbm>> -> memref<81x128xi32, #tpu.memory_space<hbm>>
      tpu.enqueue_dma source(%dma_start3A_19 : memref<81x128xi32, #tpu.memory_space<hbm>>) target(%arg6 : memref<81x128xi32, #tpu.memory_space<vmem>>) target_semaphore(%run_scoped3A : memref<!tpu.dma_semaphore, #tpu.memory_space<semaphore_mem>>)
      %dma_wait3A = arith.constant 0 : i32
      %dma_wait3A_20 = arith.constant 0 : i32
      %dma_wait3A_21 = tpu.memref_slice %arg2[%add3A, %dma_wait3A, %dma_wait3A_20] : memref<32x81x128xi32, #tpu.memory_space<hbm>> -> memref<1x81x128xi32, #tpu.memory_space<hbm>>
      %dma_wait3A_22 = tpu.memref_squeeze %dma_wait3A_21 : memref<1x81x128xi32, #tpu.memory_space<hbm>> -> memref<81x128xi32, #tpu.memory_space<hbm>>
      %dma_wait3A_23 = arith.constant 0 : i32
      %dma_wait3A_24 = arith.constant 0 : i32
      %dma_wait3A_25 = tpu.memref_slice %arg2[%add3A, %dma_wait3A_23, %dma_wait3A_24] : memref<32x81x128xi32, #tpu.memory_space<hbm>> -> memref<1x81x128xi32, #tpu.memory_space<hbm>>
      %dma_wait3A_26 = tpu.memref_squeeze %dma_wait3A_25 : memref<1x81x128xi32, #tpu.memory_space<hbm>> -> memref<81x128xi32, #tpu.memory_space<hbm>>
      tpu.wait_dma2 semaphore(%run_scoped3A : memref<!tpu.dma_semaphore, #tpu.memory_space<semaphore_mem>>) src(%dma_wait3A_26 : memref<81x128xi32, #tpu.memory_space<hbm>>) dst(%arg6 : memref<81x128xi32, #tpu.memory_space<vmem>>)
      tpu.yield
    }) : () -> ()
    "tpu.region"() ({
      %run_scoped3A = tpu.sem_alloc : memref<!tpu.dma_semaphore, #tpu.memory_space<semaphore_mem>>
      %dma_start3A = arith.constant 0 : i32
      %dma_start3A_13 = arith.constant 0 : i32
      %dma_start3A_14 = tpu.memref_slice %arg3[%add3A, %dma_start3A, %dma_start3A_13] : memref<32x81x128xf32, #tpu.memory_space<hbm>> -> memref<1x81x128xf32, #tpu.memory_space<hbm>>
      %dma_start3A_15 = tpu.memref_squeeze %dma_start3A_14 : memref<1x81x128xf32, #tpu.memory_space<hbm>> -> memref<81x128xf32, #tpu.memory_space<hbm>>
      %dma_start3A_16 = arith.constant 0 : i32
      %dma_start3A_17 = arith.constant 0 : i32
      %dma_start3A_18 = tpu.memref_slice %arg3[%add3A, %dma_start3A_16, %dma_start3A_17] : memref<32x81x128xf32, #tpu.memory_space<hbm>> -> memref<1x81x128xf32, #tpu.memory_space<hbm>>
      %dma_start3A_19 = tpu.memref_squeeze %dma_start3A_18 : memref<1x81x128xf32, #tpu.memory_space<hbm>> -> memref<81x128xf32, #tpu.memory_space<hbm>>
      tpu.enqueue_dma source(%dma_start3A_19 : memref<81x128xf32, #tpu.memory_space<hbm>>) target(%arg7 : memref<81x128xf32, #tpu.memory_space<vmem>>) target_semaphore(%run_scoped3A : memref<!tpu.dma_semaphore, #tpu.memory_space<semaphore_mem>>)
      %dma_wait3A = arith.constant 0 : i32
      %dma_wait3A_20 = arith.constant 0 : i32
      %dma_wait3A_21 = tpu.memref_slice %arg3[%add3A, %dma_wait3A, %dma_wait3A_20] : memref<32x81x128xf32, #tpu.memory_space<hbm>> -> memref<1x81x128xf32, #tpu.memory_space<hbm>>
      %dma_wait3A_22 = tpu.memref_squeeze %dma_wait3A_21 : memref<1x81x128xf32, #tpu.memory_space<hbm>> -> memref<81x128xf32, #tpu.memory_space<hbm>>
      %dma_wait3A_23 = arith.constant 0 : i32
      %dma_wait3A_24 = arith.constant 0 : i32
      %dma_wait3A_25 = tpu.memref_slice %arg3[%add3A, %dma_wait3A_23, %dma_wait3A_24] : memref<32x81x128xf32, #tpu.memory_space<hbm>> -> memref<1x81x128xf32, #tpu.memory_space<hbm>>
      %dma_wait3A_26 = tpu.memref_squeeze %dma_wait3A_25 : memref<1x81x128xf32, #tpu.memory_space<hbm>> -> memref<81x128xf32, #tpu.memory_space<hbm>>
      tpu.wait_dma2 semaphore(%run_scoped3A : memref<!tpu.dma_semaphore, #tpu.memory_space<semaphore_mem>>) src(%dma_wait3A_26 : memref<81x128xf32, #tpu.memory_space<hbm>>) dst(%arg7 : memref<81x128xf32, #tpu.memory_space<vmem>>)
      tpu.yield
    }) : () -> ()
    %mul3A_1 = arith.constant 640 : i32
    %mul3A_2 = arith.muli %arg1, %mul3A_1 : i32
    "tpu.region"() ({
      %run_scoped3A = tpu.sem_alloc : memref<!tpu.dma_semaphore, #tpu.memory_space<semaphore_mem>>
      %dma_start3A = tpu.memref_slice %arg8[%mul3A_2] : memref<10240xf32, #tpu.memory_space<vmem_shared>> -> memref<640xf32, #tpu.memory_space<vmem_shared>>
      tpu.enqueue_dma source(%arg4 : memref<640xf32, #tpu.memory_space<hbm>>) target(%dma_start3A : memref<640xf32, #tpu.memory_space<vmem_shared>>) target_semaphore(%run_scoped3A : memref<!tpu.dma_semaphore, #tpu.memory_space<semaphore_mem>>)
      %dma_wait3A = tpu.memref_slice %arg8[%mul3A_2] : memref<10240xf32, #tpu.memory_space<vmem_shared>> -> memref<640xf32, #tpu.memory_space<vmem_shared>>
      tpu.wait_dma2 semaphore(%run_scoped3A : memref<!tpu.dma_semaphore, #tpu.memory_space<semaphore_mem>>) src(%arg4 : memref<640xf32, #tpu.memory_space<hbm>>) dst(%dma_wait3A : memref<640xf32, #tpu.memory_space<vmem_shared>>)
      tpu.yield
    }) : () -> ()
    %barrier3A = arith.constant 0 : index
    tpu.barrier barrier_id(%barrier3A)
    %scan3A = arith.constant 0 : i32
    %scan3A_3 = arith.constant 0 : i32
    %scan3A_4 = arith.constant 81 : i32
    %scan3A_5 = arith.addi %scan3A_3, %scan3A_4 : i32
    %scan3A_6 = arith.constant 1 : i32
    scf.for %scan3A_13 = %scan3A_3 to %scan3A_5 step %scan3A_6  : i32 {
      "tpu.region"() ({
        %run_scoped3A = tpu.sem_alloc : memref<!tpu.dma_semaphore, #tpu.memory_space<semaphore_mem>>
        %dma_start3A = arith.constant 0 : i32
        %dma_start3A_14 = tpu.memref_slice %arg7[%scan3A_13, %dma_start3A] : memref<81x128xf32, #tpu.memory_space<vmem>> -> memref<1x128xf32, #tpu.memory_space<vmem>>
        %dma_start3A_15 = tpu.memref_squeeze %dma_start3A_14 : memref<1x128xf32, #tpu.memory_space<vmem>> -> memref<128xf32, #tpu.memory_space<vmem>>
        %dma_start3A_16 = arith.constant 0 : i32
        %dma_start3A_17 = tpu.memref_slice %arg6[%scan3A_13, %dma_start3A_16] : memref<81x128xi32, #tpu.memory_space<vmem>> -> memref<1x128xi32, #tpu.memory_space<vmem>>
        %dma_start3A_18 = tpu.memref_squeeze %dma_start3A_17 : memref<1x128xi32, #tpu.memory_space<vmem>> -> memref<128xi32, #tpu.memory_space<vmem>>
        %dma_start3A_19 = arith.constant 0 : i32
        %dma_start3A_20 = tpu.memref_slice %arg8[%dma_start3A_19] : memref<10240xf32, #tpu.memory_space<vmem_shared>> -> memref<10240xf32, #tpu.memory_space<vmem_shared>>
        tpu.enqueue_indirect_dma source(%dma_start3A_15 : memref<128xf32, #tpu.memory_space<vmem>>) target(%dma_start3A_20 : memref<10240xf32, #tpu.memory_space<vmem_shared>>) offsets(%dma_start3A_18 : memref<128xi32, #tpu.memory_space<vmem>>) semaphore(%run_scoped3A : memref<!tpu.dma_semaphore, #tpu.memory_space<semaphore_mem>>) {add = true}
        %dma_wait3A = arith.constant 0 : i32
        %dma_wait3A_21 = tpu.memref_slice %arg7[%scan3A_13, %dma_wait3A] : memref<81x128xf32, #tpu.memory_space<vmem>> -> memref<1x128xf32, #tpu.memory_space<vmem>>
        %dma_wait3A_22 = tpu.memref_squeeze %dma_wait3A_21 : memref<1x128xf32, #tpu.memory_space<vmem>> -> memref<128xf32, #tpu.memory_space<vmem>>
        %dma_wait3A_23 = arith.constant 0 : i32
        %dma_wait3A_24 = tpu.memref_slice %arg6[%scan3A_13, %dma_wait3A_23] : memref<81x128xi32, #tpu.memory_space<vmem>> -> memref<1x128xi32, #tpu.memory_space<vmem>>
        %dma_wait3A_25 = tpu.memref_squeeze %dma_wait3A_24 : memref<1x128xi32, #tpu.memory_space<vmem>> -> memref<128xi32, #tpu.memory_space<vmem>>
        %dma_wait3A_26 = arith.constant 0 : i32
        %dma_wait3A_27 = tpu.memref_slice %arg8[%dma_wait3A_26] : memref<10240xf32, #tpu.memory_space<vmem_shared>> -> memref<10240xf32, #tpu.memory_space<vmem_shared>>
        tpu.wait_indirect_dma semaphore(%run_scoped3A : memref<!tpu.dma_semaphore, #tpu.memory_space<semaphore_mem>>) src(%dma_wait3A_22 : memref<128xf32, #tpu.memory_space<vmem>>) dst(%dma_wait3A_27 : memref<10240xf32, #tpu.memory_space<vmem_shared>>)
        tpu.yield
      }) : () -> ()
    }
    %scan3A_7 = arith.constant 81 : i32
    %barrier3A_8 = arith.constant 0 : index
    tpu.barrier barrier_id(%barrier3A_8)
    %mul3A_9 = arith.constant 640 : i32
    %mul3A_10 = arith.muli %arg1, %mul3A_9 : i32
    %mul3A_11 = arith.constant 640 : i32
    %mul3A_12 = arith.muli %arg1, %mul3A_11 : i32
    "tpu.region"() ({
      %run_scoped3A = tpu.sem_alloc : memref<!tpu.dma_semaphore, #tpu.memory_space<semaphore_mem>>
      %dma_start3A = tpu.memref_slice %arg5[%arg0, %mul3A_12] : memref<2x10240xf32, #tpu.memory_space<hbm>> -> memref<1x640xf32, #tpu.memory_space<hbm>>
      %dma_start3A_13 = tpu.memref_squeeze %dma_start3A : memref<1x640xf32, #tpu.memory_space<hbm>> -> memref<640xf32, #tpu.memory_space<hbm>>
      %dma_start3A_14 = tpu.memref_slice %arg8[%mul3A_10] : memref<10240xf32, #tpu.memory_space<vmem_shared>> -> memref<640xf32, #tpu.memory_space<vmem_shared>>
      tpu.enqueue_dma source(%dma_start3A_14 : memref<640xf32, #tpu.memory_space<vmem_shared>>) target(%dma_start3A_13 : memref<640xf32, #tpu.memory_space<hbm>>) target_semaphore(%run_scoped3A : memref<!tpu.dma_semaphore, #tpu.memory_space<semaphore_mem>>)
      %dma_wait3A = tpu.memref_slice %arg5[%arg0, %mul3A_12] : memref<2x10240xf32, #tpu.memory_space<hbm>> -> memref<1x640xf32, #tpu.memory_space<hbm>>
      %dma_wait3A_15 = tpu.memref_squeeze %dma_wait3A : memref<1x640xf32, #tpu.memory_space<hbm>> -> memref<640xf32, #tpu.memory_space<hbm>>
      %dma_wait3A_16 = tpu.memref_slice %arg8[%mul3A_10] : memref<10240xf32, #tpu.memory_space<vmem_shared>> -> memref<640xf32, #tpu.memory_space<vmem_shared>>
      tpu.wait_dma2 semaphore(%run_scoped3A : memref<!tpu.dma_semaphore, #tpu.memory_space<semaphore_mem>>) src(%dma_wait3A_16 : memref<640xf32, #tpu.memory_space<vmem_shared>>) dst(%dma_wait3A_15 : memref<640xf32, #tpu.memory_space<hbm>>)
      tpu.yield
    }) : () -> ()
    return
  }
}

#map = affine_map<(d0, d1) -> (0, 0)>
#map1 = affine_map<(d0, d1) -> (0, 0, 0)>
#map2 = affine_map<(d0, d1) -> (0)>
module attributes {stable_mosaic.version = 14 : i64} {
  func.func @_edge_kernel(%arg0: i32, %arg1: i32, %arg2: memref<10240x64xf32, #tpu.memory_space<hbm>>, %arg3: memref<32x81x128xi32, #tpu.memory_space<hbm>>, %arg4: memref<32x81x128xi32, #tpu.memory_space<hbm>>, %arg5: memref<32x81x128xf32, #tpu.memory_space<hbm>>, %arg6: memref<10240xf32, #tpu.memory_space<hbm>>, %arg7: memref<640x64xf32, #tpu.memory_space<hbm>>, %arg8: memref<2x10240x64xf32, #tpu.memory_space<hbm>>, %arg9: memref<81x128xi32, #tpu.memory_space<vmem>>, %arg10: memref<81x128xi32, #tpu.memory_space<vmem>>, %arg11: memref<81x128xf32, #tpu.memory_space<vmem>>, %arg12: memref<10240xf32, #tpu.memory_space<vmem>>, %arg13: memref<128x64xf32, #tpu.memory_space<vmem>>, %arg14: memref<128xf32, #tpu.memory_space<vmem>>, %arg15: memref<10240x64xf32, #tpu.memory_space<vmem_shared>>, %arg16: memref<!tpu.dma_semaphore, #tpu.memory_space<semaphore_mem>>) attributes {dimension_semantics = [#tpu.dimension_semantics<core_parallel>, #tpu.dimension_semantics<subcore_parallel>], iteration_bounds = array<i64: 2, 16>, scalar_prefetch = 0 : i64, scratch_operands = 8 : i64, tpu.core_type = #tpu.core_type<sc_vector_subcore>, window_params = [{transform_indices = #map}, {transform_indices = #map1}, {transform_indices = #map1}, {transform_indices = #map1}, {transform_indices = #map2}, {transform_indices = #map}, {transform_indices = #map1}]} {
    %mul3A = arith.constant 2 : i32
    %mul3A_0 = arith.muli %arg1, %mul3A : i32
    %add3A = arith.addi %mul3A_0, %arg0 : i32
    "tpu.region"() ({
      %run_scoped3A = tpu.sem_alloc : memref<!tpu.dma_semaphore, #tpu.memory_space<semaphore_mem>>
      %dma_start3A = arith.constant 0 : i32
      %dma_start3A_13 = arith.constant 0 : i32
      %dma_start3A_14 = tpu.memref_slice %arg3[%add3A, %dma_start3A, %dma_start3A_13] : memref<32x81x128xi32, #tpu.memory_space<hbm>> -> memref<1x81x128xi32, #tpu.memory_space<hbm>>
      %dma_start3A_15 = tpu.memref_squeeze %dma_start3A_14 : memref<1x81x128xi32, #tpu.memory_space<hbm>> -> memref<81x128xi32, #tpu.memory_space<hbm>>
      %dma_start3A_16 = arith.constant 0 : i32
      %dma_start3A_17 = arith.constant 0 : i32
      %dma_start3A_18 = tpu.memref_slice %arg3[%add3A, %dma_start3A_16, %dma_start3A_17] : memref<32x81x128xi32, #tpu.memory_space<hbm>> -> memref<1x81x128xi32, #tpu.memory_space<hbm>>
      %dma_start3A_19 = tpu.memref_squeeze %dma_start3A_18 : memref<1x81x128xi32, #tpu.memory_space<hbm>> -> memref<81x128xi32, #tpu.memory_space<hbm>>
      tpu.enqueue_dma source(%dma_start3A_19 : memref<81x128xi32, #tpu.memory_space<hbm>>) target(%arg9 : memref<81x128xi32, #tpu.memory_space<vmem>>) target_semaphore(%run_scoped3A : memref<!tpu.dma_semaphore, #tpu.memory_space<semaphore_mem>>)
      %dma_wait3A = arith.constant 0 : i32
      %dma_wait3A_20 = arith.constant 0 : i32
      %dma_wait3A_21 = tpu.memref_slice %arg3[%add3A, %dma_wait3A, %dma_wait3A_20] : memref<32x81x128xi32, #tpu.memory_space<hbm>> -> memref<1x81x128xi32, #tpu.memory_space<hbm>>
      %dma_wait3A_22 = tpu.memref_squeeze %dma_wait3A_21 : memref<1x81x128xi32, #tpu.memory_space<hbm>> -> memref<81x128xi32, #tpu.memory_space<hbm>>
      %dma_wait3A_23 = arith.constant 0 : i32
      %dma_wait3A_24 = arith.constant 0 : i32
      %dma_wait3A_25 = tpu.memref_slice %arg3[%add3A, %dma_wait3A_23, %dma_wait3A_24] : memref<32x81x128xi32, #tpu.memory_space<hbm>> -> memref<1x81x128xi32, #tpu.memory_space<hbm>>
      %dma_wait3A_26 = tpu.memref_squeeze %dma_wait3A_25 : memref<1x81x128xi32, #tpu.memory_space<hbm>> -> memref<81x128xi32, #tpu.memory_space<hbm>>
      tpu.wait_dma2 semaphore(%run_scoped3A : memref<!tpu.dma_semaphore, #tpu.memory_space<semaphore_mem>>) src(%dma_wait3A_26 : memref<81x128xi32, #tpu.memory_space<hbm>>) dst(%arg9 : memref<81x128xi32, #tpu.memory_space<vmem>>)
      tpu.yield
    }) : () -> ()
    "tpu.region"() ({
      %run_scoped3A = tpu.sem_alloc : memref<!tpu.dma_semaphore, #tpu.memory_space<semaphore_mem>>
      %dma_start3A = arith.constant 0 : i32
      %dma_start3A_13 = arith.constant 0 : i32
      %dma_start3A_14 = tpu.memref_slice %arg4[%add3A, %dma_start3A, %dma_start3A_13] : memref<32x81x128xi32, #tpu.memory_space<hbm>> -> memref<1x81x128xi32, #tpu.memory_space<hbm>>
      %dma_start3A_15 = tpu.memref_squeeze %dma_start3A_14 : memref<1x81x128xi32, #tpu.memory_space<hbm>> -> memref<81x128xi32, #tpu.memory_space<hbm>>
      %dma_start3A_16 = arith.constant 0 : i32
      %dma_start3A_17 = arith.constant 0 : i32
      %dma_start3A_18 = tpu.memref_slice %arg4[%add3A, %dma_start3A_16, %dma_start3A_17] : memref<32x81x128xi32, #tpu.memory_space<hbm>> -> memref<1x81x128xi32, #tpu.memory_space<hbm>>
      %dma_start3A_19 = tpu.memref_squeeze %dma_start3A_18 : memref<1x81x128xi32, #tpu.memory_space<hbm>> -> memref<81x128xi32, #tpu.memory_space<hbm>>
      tpu.enqueue_dma source(%dma_start3A_19 : memref<81x128xi32, #tpu.memory_space<hbm>>) target(%arg10 : memref<81x128xi32, #tpu.memory_space<vmem>>) target_semaphore(%run_scoped3A : memref<!tpu.dma_semaphore, #tpu.memory_space<semaphore_mem>>)
      %dma_wait3A = arith.constant 0 : i32
      %dma_wait3A_20 = arith.constant 0 : i32
      %dma_wait3A_21 = tpu.memref_slice %arg4[%add3A, %dma_wait3A, %dma_wait3A_20] : memref<32x81x128xi32, #tpu.memory_space<hbm>> -> memref<1x81x128xi32, #tpu.memory_space<hbm>>
      %dma_wait3A_22 = tpu.memref_squeeze %dma_wait3A_21 : memref<1x81x128xi32, #tpu.memory_space<hbm>> -> memref<81x128xi32, #tpu.memory_space<hbm>>
      %dma_wait3A_23 = arith.constant 0 : i32
      %dma_wait3A_24 = arith.constant 0 : i32
      %dma_wait3A_25 = tpu.memref_slice %arg4[%add3A, %dma_wait3A_23, %dma_wait3A_24] : memref<32x81x128xi32, #tpu.memory_space<hbm>> -> memref<1x81x128xi32, #tpu.memory_space<hbm>>
      %dma_wait3A_26 = tpu.memref_squeeze %dma_wait3A_25 : memref<1x81x128xi32, #tpu.memory_space<hbm>> -> memref<81x128xi32, #tpu.memory_space<hbm>>
      tpu.wait_dma2 semaphore(%run_scoped3A : memref<!tpu.dma_semaphore, #tpu.memory_space<semaphore_mem>>) src(%dma_wait3A_26 : memref<81x128xi32, #tpu.memory_space<hbm>>) dst(%arg10 : memref<81x128xi32, #tpu.memory_space<vmem>>)
      tpu.yield
    }) : () -> ()
    "tpu.region"() ({
      %run_scoped3A = tpu.sem_alloc : memref<!tpu.dma_semaphore, #tpu.memory_space<semaphore_mem>>
      %dma_start3A = arith.constant 0 : i32
      %dma_start3A_13 = arith.constant 0 : i32
      %dma_start3A_14 = tpu.memref_slice %arg5[%add3A, %dma_start3A, %dma_start3A_13] : memref<32x81x128xf32, #tpu.memory_space<hbm>> -> memref<1x81x128xf32, #tpu.memory_space<hbm>>
      %dma_start3A_15 = tpu.memref_squeeze %dma_start3A_14 : memref<1x81x128xf32, #tpu.memory_space<hbm>> -> memref<81x128xf32, #tpu.memory_space<hbm>>
      %dma_start3A_16 = arith.constant 0 : i32
      %dma_start3A_17 = arith.constant 0 : i32
      %dma_start3A_18 = tpu.memref_slice %arg5[%add3A, %dma_start3A_16, %dma_start3A_17] : memref<32x81x128xf32, #tpu.memory_space<hbm>> -> memref<1x81x128xf32, #tpu.memory_space<hbm>>
      %dma_start3A_19 = tpu.memref_squeeze %dma_start3A_18 : memref<1x81x128xf32, #tpu.memory_space<hbm>> -> memref<81x128xf32, #tpu.memory_space<hbm>>
      tpu.enqueue_dma source(%dma_start3A_19 : memref<81x128xf32, #tpu.memory_space<hbm>>) target(%arg11 : memref<81x128xf32, #tpu.memory_space<vmem>>) target_semaphore(%run_scoped3A : memref<!tpu.dma_semaphore, #tpu.memory_space<semaphore_mem>>)
      %dma_wait3A = arith.constant 0 : i32
      %dma_wait3A_20 = arith.constant 0 : i32
      %dma_wait3A_21 = tpu.memref_slice %arg5[%add3A, %dma_wait3A, %dma_wait3A_20] : memref<32x81x128xf32, #tpu.memory_space<hbm>> -> memref<1x81x128xf32, #tpu.memory_space<hbm>>
      %dma_wait3A_22 = tpu.memref_squeeze %dma_wait3A_21 : memref<1x81x128xf32, #tpu.memory_space<hbm>> -> memref<81x128xf32, #tpu.memory_space<hbm>>
      %dma_wait3A_23 = arith.constant 0 : i32
      %dma_wait3A_24 = arith.constant 0 : i32
      %dma_wait3A_25 = tpu.memref_slice %arg5[%add3A, %dma_wait3A_23, %dma_wait3A_24] : memref<32x81x128xf32, #tpu.memory_space<hbm>> -> memref<1x81x128xf32, #tpu.memory_space<hbm>>
      %dma_wait3A_26 = tpu.memref_squeeze %dma_wait3A_25 : memref<1x81x128xf32, #tpu.memory_space<hbm>> -> memref<81x128xf32, #tpu.memory_space<hbm>>
      tpu.wait_dma2 semaphore(%run_scoped3A : memref<!tpu.dma_semaphore, #tpu.memory_space<semaphore_mem>>) src(%dma_wait3A_26 : memref<81x128xf32, #tpu.memory_space<hbm>>) dst(%arg11 : memref<81x128xf32, #tpu.memory_space<vmem>>)
      tpu.yield
    }) : () -> ()
    "tpu.region"() ({
      %run_scoped3A = tpu.sem_alloc : memref<!tpu.dma_semaphore, #tpu.memory_space<semaphore_mem>>
      tpu.enqueue_dma source(%arg6 : memref<10240xf32, #tpu.memory_space<hbm>>) target(%arg12 : memref<10240xf32, #tpu.memory_space<vmem>>) target_semaphore(%run_scoped3A : memref<!tpu.dma_semaphore, #tpu.memory_space<semaphore_mem>>)
      tpu.wait_dma2 semaphore(%run_scoped3A : memref<!tpu.dma_semaphore, #tpu.memory_space<semaphore_mem>>) src(%arg6 : memref<10240xf32, #tpu.memory_space<hbm>>) dst(%arg12 : memref<10240xf32, #tpu.memory_space<vmem>>)
      tpu.yield
    }) : () -> ()
    %mul3A_1 = arith.constant 640 : i32
    %mul3A_2 = arith.muli %arg1, %mul3A_1 : i32
    "tpu.region"() ({
      %run_scoped3A = tpu.sem_alloc : memref<!tpu.dma_semaphore, #tpu.memory_space<semaphore_mem>>
      %dma_start3A = arith.constant 0 : i32
      %dma_start3A_13 = tpu.memref_slice %arg15[%mul3A_2, %dma_start3A] : memref<10240x64xf32, #tpu.memory_space<vmem_shared>> -> memref<640x64xf32, #tpu.memory_space<vmem_shared>>
      tpu.enqueue_dma source(%arg7 : memref<640x64xf32, #tpu.memory_space<hbm>>) target(%dma_start3A_13 : memref<640x64xf32, #tpu.memory_space<vmem_shared>>) target_semaphore(%run_scoped3A : memref<!tpu.dma_semaphore, #tpu.memory_space<semaphore_mem>>)
      %dma_wait3A = arith.constant 0 : i32
      %dma_wait3A_14 = tpu.memref_slice %arg15[%mul3A_2, %dma_wait3A] : memref<10240x64xf32, #tpu.memory_space<vmem_shared>> -> memref<640x64xf32, #tpu.memory_space<vmem_shared>>
      tpu.wait_dma2 semaphore(%run_scoped3A : memref<!tpu.dma_semaphore, #tpu.memory_space<semaphore_mem>>) src(%arg7 : memref<640x64xf32, #tpu.memory_space<hbm>>) dst(%dma_wait3A_14 : memref<640x64xf32, #tpu.memory_space<vmem_shared>>)
      tpu.yield
    }) : () -> ()
    %barrier3A = arith.constant 0 : index
    tpu.barrier barrier_id(%barrier3A)
    %scan3A = arith.constant 0 : i32
    %scan3A_3 = arith.constant 0 : i32
    %scan3A_4 = arith.constant 81 : i32
    %scan3A_5 = arith.addi %scan3A_3, %scan3A_4 : i32
    %scan3A_6 = arith.constant 1 : i32
    scf.for %scan3A_13 = %scan3A_3 to %scan3A_5 step %scan3A_6  : i32 {
      %get3A = arith.index_cast %scan3A_13 : i32 to index
      %get3A_14 = arith.constant 0 : index
      %get3A_15 = tpu.vector_load %arg9[%get3A, %get3A_14] {strides = array<i32>} : memref<81x128xi32, #tpu.memory_space<vmem>>, vector<16xi32>,
      %get3A_16 = arith.index_cast %scan3A_13 : i32 to index
      %get3A_17 = arith.constant 0 : index
      %get3A_18 = tpu.vector_load %arg10[%get3A_16, %get3A_17] {strides = array<i32>} : memref<81x128xi32, #tpu.memory_space<vmem>>, vector<16xi32>,
      %get3A_19 = arith.index_cast %scan3A_13 : i32 to index
      %get3A_20 = arith.constant 0 : index
      %get3A_21 = tpu.vector_load %arg11[%get3A_19, %get3A_20] {strides = array<i32>} : memref<81x128xf32, #tpu.memory_space<vmem>>, vector<16xf32>,
      %gather3A = tpu.vector_load_idx %arg12[%get3A_15] : memref<10240xf32, #tpu.memory_space<vmem>>[vector<16xi32>], vector<16xf32>,
      %mul3A_22 = arith.mulf %gather3A, %get3A_21 : vector<16xf32>
      %gather3A_23 = tpu.vector_load_idx %arg12[%get3A_18] : memref<10240xf32, #tpu.memory_space<vmem>>[vector<16xi32>], vector<16xf32>,
      %mul3A_24 = arith.mulf %mul3A_22, %gather3A_23 : vector<16xf32>
      %swap3A = arith.constant 0 : index
      %swap3A_25 = tpu.vector_load %arg14[%swap3A] {strides = array<i32>} : memref<128xf32, #tpu.memory_space<vmem>>, vector<16xf32>,
      tpu.vector_store %arg14[%swap3A], %mul3A_24 {strides = array<i32>} : memref<128xf32, #tpu.memory_space<vmem>>, vector<16xf32>,
      %get3A_26 = arith.index_cast %scan3A_13 : i32 to index
      %get3A_27 = arith.constant 16 : index
      %get3A_28 = tpu.vector_load %arg9[%get3A_26, %get3A_27] {strides = array<i32>} : memref<81x128xi32, #tpu.memory_space<vmem>>, vector<16xi32>,
      %get3A_29 = arith.index_cast %scan3A_13 : i32 to index
      %get3A_30 = arith.constant 16 : index
      %get3A_31 = tpu.vector_load %arg10[%get3A_29, %get3A_30] {strides = array<i32>} : memref<81x128xi32, #tpu.memory_space<vmem>>, vector<16xi32>,
      %get3A_32 = arith.index_cast %scan3A_13 : i32 to index
      %get3A_33 = arith.constant 16 : index
      %get3A_34 = tpu.vector_load %arg11[%get3A_32, %get3A_33] {strides = array<i32>} : memref<81x128xf32, #tpu.memory_space<vmem>>, vector<16xf32>,
      %gather3A_35 = tpu.vector_load_idx %arg12[%get3A_28] : memref<10240xf32, #tpu.memory_space<vmem>>[vector<16xi32>], vector<16xf32>,
      %mul3A_36 = arith.mulf %gather3A_35, %get3A_34 : vector<16xf32>
      %gather3A_37 = tpu.vector_load_idx %arg12[%get3A_31] : memref<10240xf32, #tpu.memory_space<vmem>>[vector<16xi32>], vector<16xf32>,
      %mul3A_38 = arith.mulf %mul3A_36, %gather3A_37 : vector<16xf32>
      %swap3A_39 = arith.constant 16 : index
      %swap3A_40 = tpu.vector_load %arg14[%swap3A_39] {strides = array<i32>} : memref<128xf32, #tpu.memory_space<vmem>>, vector<16xf32>,
      tpu.vector_store %arg14[%swap3A_39], %mul3A_38 {strides = array<i32>} : memref<128xf32, #tpu.memory_space<vmem>>, vector<16xf32>,
      %get3A_41 = arith.index_cast %scan3A_13 : i32 to index
      %get3A_42 = arith.constant 32 : index
      %get3A_43 = tpu.vector_load %arg9[%get3A_41, %get3A_42] {strides = array<i32>} : memref<81x128xi32, #tpu.memory_space<vmem>>, vector<16xi32>,
      %get3A_44 = arith.index_cast %scan3A_13 : i32 to index
      %get3A_45 = arith.constant 32 : index
      %get3A_46 = tpu.vector_load %arg10[%get3A_44, %get3A_45] {strides = array<i32>} : memref<81x128xi32, #tpu.memory_space<vmem>>, vector<16xi32>,
      %get3A_47 = arith.index_cast %scan3A_13 : i32 to index
      %get3A_48 = arith.constant 32 : index
      %get3A_49 = tpu.vector_load %arg11[%get3A_47, %get3A_48] {strides = array<i32>} : memref<81x128xf32, #tpu.memory_space<vmem>>, vector<16xf32>,
      %gather3A_50 = tpu.vector_load_idx %arg12[%get3A_43] : memref<10240xf32, #tpu.memory_space<vmem>>[vector<16xi32>], vector<16xf32>,
      %mul3A_51 = arith.mulf %gather3A_50, %get3A_49 : vector<16xf32>
      %gather3A_52 = tpu.vector_load_idx %arg12[%get3A_46] : memref<10240xf32, #tpu.memory_space<vmem>>[vector<16xi32>], vector<16xf32>,
      %mul3A_53 = arith.mulf %mul3A_51, %gather3A_52 : vector<16xf32>
      %swap3A_54 = arith.constant 32 : index
      %swap3A_55 = tpu.vector_load %arg14[%swap3A_54] {strides = array<i32>} : memref<128xf32, #tpu.memory_space<vmem>>, vector<16xf32>,
      tpu.vector_store %arg14[%swap3A_54], %mul3A_53 {strides = array<i32>} : memref<128xf32, #tpu.memory_space<vmem>>, vector<16xf32>,
      %get3A_56 = arith.index_cast %scan3A_13 : i32 to index
      %get3A_57 = arith.constant 48 : index
      %get3A_58 = tpu.vector_load %arg9[%get3A_56, %get3A_57] {strides = array<i32>} : memref<81x128xi32, #tpu.memory_space<vmem>>, vector<16xi32>,
      %get3A_59 = arith.index_cast %scan3A_13 : i32 to index
      %get3A_60 = arith.constant 48 : index
      %get3A_61 = tpu.vector_load %arg10[%get3A_59, %get3A_60] {strides = array<i32>} : memref<81x128xi32, #tpu.memory_space<vmem>>, vector<16xi32>,
      %get3A_62 = arith.index_cast %scan3A_13 : i32 to index
      %get3A_63 = arith.constant 48 : index
      %get3A_64 = tpu.vector_load %arg11[%get3A_62, %get3A_63] {strides = array<i32>} : memref<81x128xf32, #tpu.memory_space<vmem>>, vector<16xf32>,
      %gather3A_65 = tpu.vector_load_idx %arg12[%get3A_58] : memref<10240xf32, #tpu.memory_space<vmem>>[vector<16xi32>], vector<16xf32>,
      %mul3A_66 = arith.mulf %gather3A_65, %get3A_64 : vector<16xf32>
      %gather3A_67 = tpu.vector_load_idx %arg12[%get3A_61] : memref<10240xf32, #tpu.memory_space<vmem>>[vector<16xi32>], vector<16xf32>,
      %mul3A_68 = arith.mulf %mul3A_66, %gather3A_67 : vector<16xf32>
      %swap3A_69 = arith.constant 48 : index
      %swap3A_70 = tpu.vector_load %arg14[%swap3A_69] {strides = array<i32>} : memref<128xf32, #tpu.memory_space<vmem>>, vector<16xf32>,
      tpu.vector_store %arg14[%swap3A_69], %mul3A_68 {strides = array<i32>} : memref<128xf32, #tpu.memory_space<vmem>>, vector<16xf32>,
      %get3A_71 = arith.index_cast %scan3A_13 : i32 to index
      %get3A_72 = arith.constant 64 : index
      %get3A_73 = tpu.vector_load %arg9[%get3A_71, %get3A_72] {strides = array<i32>} : memref<81x128xi32, #tpu.memory_space<vmem>>, vector<16xi32>,
      %get3A_74 = arith.index_cast %scan3A_13 : i32 to index
      %get3A_75 = arith.constant 64 : index
      %get3A_76 = tpu.vector_load %arg10[%get3A_74, %get3A_75] {strides = array<i32>} : memref<81x128xi32, #tpu.memory_space<vmem>>, vector<16xi32>,
      %get3A_77 = arith.index_cast %scan3A_13 : i32 to index
      %get3A_78 = arith.constant 64 : index
      %get3A_79 = tpu.vector_load %arg11[%get3A_77, %get3A_78] {strides = array<i32>} : memref<81x128xf32, #tpu.memory_space<vmem>>, vector<16xf32>,
      %gather3A_80 = tpu.vector_load_idx %arg12[%get3A_73] : memref<10240xf32, #tpu.memory_space<vmem>>[vector<16xi32>], vector<16xf32>,
      %mul3A_81 = arith.mulf %gather3A_80, %get3A_79 : vector<16xf32>
      %gather3A_82 = tpu.vector_load_idx %arg12[%get3A_76] : memref<10240xf32, #tpu.memory_space<vmem>>[vector<16xi32>], vector<16xf32>,
      %mul3A_83 = arith.mulf %mul3A_81, %gather3A_82 : vector<16xf32>
      %swap3A_84 = arith.constant 64 : index
      %swap3A_85 = tpu.vector_load %arg14[%swap3A_84] {strides = array<i32>} : memref<128xf32, #tpu.memory_space<vmem>>, vector<16xf32>,
      tpu.vector_store %arg14[%swap3A_84], %mul3A_83 {strides = array<i32>} : memref<128xf32, #tpu.memory_space<vmem>>, vector<16xf32>,
      %get3A_86 = arith.index_cast %scan3A_13 : i32 to index
      %get3A_87 = arith.constant 80 : index
      %get3A_88 = tpu.vector_load %arg9[%get3A_86, %get3A_87] {strides = array<i32>} : memref<81x128xi32, #tpu.memory_space<vmem>>, vector<16xi32>,
      %get3A_89 = arith.index_cast %scan3A_13 : i32 to index
      %get3A_90 = arith.constant 80 : index
      %get3A_91 = tpu.vector_load %arg10[%get3A_89, %get3A_90] {strides = array<i32>} : memref<81x128xi32, #tpu.memory_space<vmem>>, vector<16xi32>,
      %get3A_92 = arith.index_cast %scan3A_13 : i32 to index
      %get3A_93 = arith.constant 80 : index
      %get3A_94 = tpu.vector_load %arg11[%get3A_92, %get3A_93] {strides = array<i32>} : memref<81x128xf32, #tpu.memory_space<vmem>>, vector<16xf32>,
      %gather3A_95 = tpu.vector_load_idx %arg12[%get3A_88] : memref<10240xf32, #tpu.memory_space<vmem>>[vector<16xi32>], vector<16xf32>,
      %mul3A_96 = arith.mulf %gather3A_95, %get3A_94 : vector<16xf32>
      %gather3A_97 = tpu.vector_load_idx %arg12[%get3A_91] : memref<10240xf32, #tpu.memory_space<vmem>>[vector<16xi32>], vector<16xf32>,
      %mul3A_98 = arith.mulf %mul3A_96, %gather3A_97 : vector<16xf32>
      %swap3A_99 = arith.constant 80 : index
      %swap3A_100 = tpu.vector_load %arg14[%swap3A_99] {strides = array<i32>} : memref<128xf32, #tpu.memory_space<vmem>>, vector<16xf32>,
      tpu.vector_store %arg14[%swap3A_99], %mul3A_98 {strides = array<i32>} : memref<128xf32, #tpu.memory_space<vmem>>, vector<16xf32>,
      %get3A_101 = arith.index_cast %scan3A_13 : i32 to index
      %get3A_102 = arith.constant 96 : index
      %get3A_103 = tpu.vector_load %arg9[%get3A_101, %get3A_102] {strides = array<i32>} : memref<81x128xi32, #tpu.memory_space<vmem>>, vector<16xi32>,
      %get3A_104 = arith.index_cast %scan3A_13 : i32 to index
      %get3A_105 = arith.constant 96 : index
      %get3A_106 = tpu.vector_load %arg10[%get3A_104, %get3A_105] {strides = array<i32>} : memref<81x128xi32, #tpu.memory_space<vmem>>, vector<16xi32>,
      %get3A_107 = arith.index_cast %scan3A_13 : i32 to index
      %get3A_108 = arith.constant 96 : index
      %get3A_109 = tpu.vector_load %arg11[%get3A_107, %get3A_108] {strides = array<i32>} : memref<81x128xf32, #tpu.memory_space<vmem>>, vector<16xf32>,
      %gather3A_110 = tpu.vector_load_idx %arg12[%get3A_103] : memref<10240xf32, #tpu.memory_space<vmem>>[vector<16xi32>], vector<16xf32>,
      %mul3A_111 = arith.mulf %gather3A_110, %get3A_109 : vector<16xf32>
      %gather3A_112 = tpu.vector_load_idx %arg12[%get3A_106] : memref<10240xf32, #tpu.memory_space<vmem>>[vector<16xi32>], vector<16xf32>,
      %mul3A_113 = arith.mulf %mul3A_111, %gather3A_112 : vector<16xf32>
      %swap3A_114 = arith.constant 96 : index
      %swap3A_115 = tpu.vector_load %arg14[%swap3A_114] {strides = array<i32>} : memref<128xf32, #tpu.memory_space<vmem>>, vector<16xf32>,
      tpu.vector_store %arg14[%swap3A_114], %mul3A_113 {strides = array<i32>} : memref<128xf32, #tpu.memory_space<vmem>>, vector<16xf32>,
      %get3A_116 = arith.index_cast %scan3A_13 : i32 to index
      %get3A_117 = arith.constant 112 : index
      %get3A_118 = tpu.vector_load %arg9[%get3A_116, %get3A_117] {strides = array<i32>} : memref<81x128xi32, #tpu.memory_space<vmem>>, vector<16xi32>,
      %get3A_119 = arith.index_cast %scan3A_13 : i32 to index
      %get3A_120 = arith.constant 112 : index
      %get3A_121 = tpu.vector_load %arg10[%get3A_119, %get3A_120] {strides = array<i32>} : memref<81x128xi32, #tpu.memory_space<vmem>>, vector<16xi32>,
      %get3A_122 = arith.index_cast %scan3A_13 : i32 to index
      %get3A_123 = arith.constant 112 : index
      %get3A_124 = tpu.vector_load %arg11[%get3A_122, %get3A_123] {strides = array<i32>} : memref<81x128xf32, #tpu.memory_space<vmem>>, vector<16xf32>,
      %gather3A_125 = tpu.vector_load_idx %arg12[%get3A_118] : memref<10240xf32, #tpu.memory_space<vmem>>[vector<16xi32>], vector<16xf32>,
      %mul3A_126 = arith.mulf %gather3A_125, %get3A_124 : vector<16xf32>
      %gather3A_127 = tpu.vector_load_idx %arg12[%get3A_121] : memref<10240xf32, #tpu.memory_space<vmem>>[vector<16xi32>], vector<16xf32>,
      %mul3A_128 = arith.mulf %mul3A_126, %gather3A_127 : vector<16xf32>
      %swap3A_129 = arith.constant 112 : index
      %swap3A_130 = tpu.vector_load %arg14[%swap3A_129] {strides = array<i32>} : memref<128xf32, #tpu.memory_space<vmem>>, vector<16xf32>,
      tpu.vector_store %arg14[%swap3A_129], %mul3A_128 {strides = array<i32>} : memref<128xf32, #tpu.memory_space<vmem>>, vector<16xf32>,
      %dma_start3A = arith.constant 0 : i32
      %dma_start3A_131 = tpu.memref_slice %arg9[%scan3A_13, %dma_start3A] : memref<81x128xi32, #tpu.memory_space<vmem>> -> memref<1x128xi32, #tpu.memory_space<vmem>>
      %dma_start3A_132 = tpu.memref_squeeze %dma_start3A_131 : memref<1x128xi32, #tpu.memory_space<vmem>> -> memref<128xi32, #tpu.memory_space<vmem>>
      %dma_start3A_133 = arith.constant 0 : i32
      %dma_start3A_134 = arith.constant 0 : i32
      %dma_start3A_135 = tpu.memref_slice %arg2[%dma_start3A_133, %dma_start3A_134] : memref<10240x64xf32, #tpu.memory_space<hbm>> -> memref<10240x64xf32, #tpu.memory_space<hbm>>
      tpu.enqueue_indirect_dma source(%dma_start3A_135 : memref<10240x64xf32, #tpu.memory_space<hbm>>) target(%arg13 : memref<128x64xf32, #tpu.memory_space<vmem>>) offsets(%dma_start3A_132 : memref<128xi32, #tpu.memory_space<vmem>>) semaphore(%arg16 : memref<!tpu.dma_semaphore, #tpu.memory_space<semaphore_mem>>)
      %dma_wait3A = arith.constant 0 : i32
      %dma_wait3A_136 = tpu.memref_slice %arg9[%scan3A_13, %dma_wait3A] : memref<81x128xi32, #tpu.memory_space<vmem>> -> memref<1x128xi32, #tpu.memory_space<vmem>>
      %dma_wait3A_137 = tpu.memref_squeeze %dma_wait3A_136 : memref<1x128xi32, #tpu.memory_space<vmem>> -> memref<128xi32, #tpu.memory_space<vmem>>
      %dma_wait3A_138 = arith.constant 0 : i32
      %dma_wait3A_139 = arith.constant 0 : i32
      %dma_wait3A_140 = tpu.memref_slice %arg2[%dma_wait3A_138, %dma_wait3A_139] : memref<10240x64xf32, #tpu.memory_space<hbm>> -> memref<10240x64xf32, #tpu.memory_space<hbm>>
      tpu.wait_indirect_dma semaphore(%arg16 : memref<!tpu.dma_semaphore, #tpu.memory_space<semaphore_mem>>) src(%dma_wait3A_140 : memref<10240x64xf32, #tpu.memory_space<hbm>>) dst(%arg13 : memref<128x64xf32, #tpu.memory_space<vmem>>)
      %scan3A_141 = arith.constant 0 : i32
      %scan3A_142 = arith.constant 0 : i32
      %scan3A_143 = arith.constant 8 : i32
      %scan3A_144 = arith.addi %scan3A_142, %scan3A_143 : i32
      %scan3A_145 = arith.constant 1 : i32
      scf.for %scan3A_147 = %scan3A_142 to %scan3A_144 step %scan3A_145  : i32 {
        %mul3A_148 = arith.constant 16 : i32
        %mul3A_149 = arith.muli %scan3A_147, %mul3A_148 : i32
        %get3A_150 = arith.index_cast %mul3A_149 : i32 to index
        %get3A_151 = tpu.vector_load %arg14[%get3A_150] {strides = array<i32>} : memref<128xf32, #tpu.memory_space<vmem>>, vector<16xf32>,
        %mul3A_152 = arith.constant 16 : i32
        %mul3A_153 = arith.muli %scan3A_147, %mul3A_152 : i32
        %slice3A = vector.extract_strided_slice %get3A_151 {offsets = [0], sizes = [1], strides = [1]} : vector<16xf32> to vector<1xf32>
        %squeeze3A = vector.extract %slice3A[0] : f32 from vector<1xf32>
        %add3A_154 = arith.constant 0 : i32
        %add3A_155 = arith.addi %mul3A_153, %add3A_154 : i32
        %get3A_156 = arith.index_cast %add3A_155 : i32 to index
        %get3A_157 = arith.constant 0 : index
        %get3A_158 = tpu.vector_load %arg13[%get3A_156, %get3A_157] {strides = array<i32>} : memref<128x64xf32, #tpu.memory_space<vmem>>, vector<16xf32>,
        %mul3A_159 = vector.broadcast %squeeze3A : f32 to vector<16xf32>
        %mul3A_160 = arith.mulf %get3A_158, %mul3A_159 : vector<16xf32>
        %add3A_161 = arith.constant 0 : i32
        %add3A_162 = arith.addi %mul3A_153, %add3A_161 : i32
        %swap3A_163 = arith.index_cast %add3A_162 : i32 to index
        %swap3A_164 = arith.constant 0 : index
        %swap3A_165 = tpu.vector_load %arg13[%swap3A_163, %swap3A_164] {strides = array<i32>} : memref<128x64xf32, #tpu.memory_space<vmem>>, vector<16xf32>,
        tpu.vector_store %arg13[%swap3A_163, %swap3A_164], %mul3A_160 {strides = array<i32>} : memref<128x64xf32, #tpu.memory_space<vmem>>, vector<16xf32>,
        %add3A_166 = arith.constant 0 : i32
        %add3A_167 = arith.addi %mul3A_153, %add3A_166 : i32
        %get3A_168 = arith.index_cast %add3A_167 : i32 to index
        %get3A_169 = arith.constant 16 : index
        %get3A_170 = tpu.vector_load %arg13[%get3A_168, %get3A_169] {strides = array<i32>} : memref<128x64xf32, #tpu.memory_space<vmem>>, vector<16xf32>,
        %mul3A_171 = vector.broadcast %squeeze3A : f32 to vector<16xf32>
        %mul3A_172 = arith.mulf %get3A_170, %mul3A_171 : vector<16xf32>
        %add3A_173 = arith.constant 0 : i32
        %add3A_174 = arith.addi %mul3A_153, %add3A_173 : i32
        %swap3A_175 = arith.index_cast %add3A_174 : i32 to index
        %swap3A_176 = arith.constant 16 : index
        %swap3A_177 = tpu.vector_load %arg13[%swap3A_175, %swap3A_176] {strides = array<i32>} : memref<128x64xf32, #tpu.memory_space<vmem>>, vector<16xf32>,
        tpu.vector_store %arg13[%swap3A_175, %swap3A_176], %mul3A_172 {strides = array<i32>} : memref<128x64xf32, #tpu.memory_space<vmem>>, vector<16xf32>,
        %add3A_178 = arith.constant 0 : i32
        %add3A_179 = arith.addi %mul3A_153, %add3A_178 : i32
        %get3A_180 = arith.index_cast %add3A_179 : i32 to index
        %get3A_181 = arith.constant 32 : index
        %get3A_182 = tpu.vector_load %arg13[%get3A_180, %get3A_181] {strides = array<i32>} : memref<128x64xf32, #tpu.memory_space<vmem>>, vector<16xf32>,
        %mul3A_183 = vector.broadcast %squeeze3A : f32 to vector<16xf32>
        %mul3A_184 = arith.mulf %get3A_182, %mul3A_183 : vector<16xf32>
        %add3A_185 = arith.constant 0 : i32
        %add3A_186 = arith.addi %mul3A_153, %add3A_185 : i32
        %swap3A_187 = arith.index_cast %add3A_186 : i32 to index
        %swap3A_188 = arith.constant 32 : index
        %swap3A_189 = tpu.vector_load %arg13[%swap3A_187, %swap3A_188] {strides = array<i32>} : memref<128x64xf32, #tpu.memory_space<vmem>>, vector<16xf32>,
        tpu.vector_store %arg13[%swap3A_187, %swap3A_188], %mul3A_184 {strides = array<i32>} : memref<128x64xf32, #tpu.memory_space<vmem>>, vector<16xf32>,
        %add3A_190 = arith.constant 0 : i32
        %add3A_191 = arith.addi %mul3A_153, %add3A_190 : i32
        %get3A_192 = arith.index_cast %add3A_191 : i32 to index
        %get3A_193 = arith.constant 48 : index
        %get3A_194 = tpu.vector_load %arg13[%get3A_192, %get3A_193] {strides = array<i32>} : memref<128x64xf32, #tpu.memory_space<vmem>>, vector<16xf32>,
        %mul3A_195 = vector.broadcast %squeeze3A : f32 to vector<16xf32>
        %mul3A_196 = arith.mulf %get3A_194, %mul3A_195 : vector<16xf32>
        %add3A_197 = arith.constant 0 : i32
        %add3A_198 = arith.addi %mul3A_153, %add3A_197 : i32
        %swap3A_199 = arith.index_cast %add3A_198 : i32 to index
        %swap3A_200 = arith.constant 48 : index
        %swap3A_201 = tpu.vector_load %arg13[%swap3A_199, %swap3A_200] {strides = array<i32>} : memref<128x64xf32, #tpu.memory_space<vmem>>, vector<16xf32>,
        tpu.vector_store %arg13[%swap3A_199, %swap3A_200], %mul3A_196 {strides = array<i32>} : memref<128x64xf32, #tpu.memory_space<vmem>>, vector<16xf32>,
        %slice3A_202 = vector.extract_strided_slice %get3A_151 {offsets = [1], sizes = [1], strides = [1]} : vector<16xf32> to vector<1xf32>
        %squeeze3A_203 = vector.extract %slice3A_202[0] : f32 from vector<1xf32>
        %add3A_204 = arith.constant 1 : i32
        %add3A_205 = arith.addi %mul3A_153, %add3A_204 : i32
        %get3A_206 = arith.index_cast %add3A_205 : i32 to index
        %get3A_207 = arith.constant 0 : index
        %get3A_208 = tpu.vector_load %arg13[%get3A_206, %get3A_207] {strides = array<i32>} : memref<128x64xf32, #tpu.memory_space<vmem>>, vector<16xf32>,
        %mul3A_209 = vector.broadcast %squeeze3A_203 : f32 to vector<16xf32>
        %mul3A_210 = arith.mulf %get3A_208, %mul3A_209 : vector<16xf32>
        %add3A_211 = arith.constant 1 : i32
        %add3A_212 = arith.addi %mul3A_153, %add3A_211 : i32
        %swap3A_213 = arith.index_cast %add3A_212 : i32 to index
        %swap3A_214 = arith.constant 0 : index
        %swap3A_215 = tpu.vector_load %arg13[%swap3A_213, %swap3A_214] {strides = array<i32>} : memref<128x64xf32, #tpu.memory_space<vmem>>, vector<16xf32>,
        tpu.vector_store %arg13[%swap3A_213, %swap3A_214], %mul3A_210 {strides = array<i32>} : memref<128x64xf32, #tpu.memory_space<vmem>>, vector<16xf32>,
        %add3A_216 = arith.constant 1 : i32
        %add3A_217 = arith.addi %mul3A_153, %add3A_216 : i32
        %get3A_218 = arith.index_cast %add3A_217 : i32 to index
        %get3A_219 = arith.constant 16 : index
        %get3A_220 = tpu.vector_load %arg13[%get3A_218, %get3A_219] {strides = array<i32>} : memref<128x64xf32, #tpu.memory_space<vmem>>, vector<16xf32>,
        %mul3A_221 = vector.broadcast %squeeze3A_203 : f32 to vector<16xf32>
        %mul3A_222 = arith.mulf %get3A_220, %mul3A_221 : vector<16xf32>
        %add3A_223 = arith.constant 1 : i32
        %add3A_224 = arith.addi %mul3A_153, %add3A_223 : i32
        %swap3A_225 = arith.index_cast %add3A_224 : i32 to index
        %swap3A_226 = arith.constant 16 : index
        %swap3A_227 = tpu.vector_load %arg13[%swap3A_225, %swap3A_226] {strides = array<i32>} : memref<128x64xf32, #tpu.memory_space<vmem>>, vector<16xf32>,
        tpu.vector_store %arg13[%swap3A_225, %swap3A_226], %mul3A_222 {strides = array<i32>} : memref<128x64xf32, #tpu.memory_space<vmem>>, vector<16xf32>,
        %add3A_228 = arith.constant 1 : i32
        %add3A_229 = arith.addi %mul3A_153, %add3A_228 : i32
        %get3A_230 = arith.index_cast %add3A_229 : i32 to index
        %get3A_231 = arith.constant 32 : index
        %get3A_232 = tpu.vector_load %arg13[%get3A_230, %get3A_231] {strides = array<i32>} : memref<128x64xf32, #tpu.memory_space<vmem>>, vector<16xf32>,
        %mul3A_233 = vector.broadcast %squeeze3A_203 : f32 to vector<16xf32>
        %mul3A_234 = arith.mulf %get3A_232, %mul3A_233 : vector<16xf32>
        %add3A_235 = arith.constant 1 : i32
        %add3A_236 = arith.addi %mul3A_153, %add3A_235 : i32
        %swap3A_237 = arith.index_cast %add3A_236 : i32 to index
        %swap3A_238 = arith.constant 32 : index
        %swap3A_239 = tpu.vector_load %arg13[%swap3A_237, %swap3A_238] {strides = array<i32>} : memref<128x64xf32, #tpu.memory_space<vmem>>, vector<16xf32>,
        tpu.vector_store %arg13[%swap3A_237, %swap3A_238], %mul3A_234 {strides = array<i32>} : memref<128x64xf32, #tpu.memory_space<vmem>>, vector<16xf32>,
        %add3A_240 = arith.constant 1 : i32
        %add3A_241 = arith.addi %mul3A_153, %add3A_240 : i32
        %get3A_242 = arith.index_cast %add3A_241 : i32 to index
        %get3A_243 = arith.constant 48 : index
        %get3A_244 = tpu.vector_load %arg13[%get3A_242, %get3A_243] {strides = array<i32>} : memref<128x64xf32, #tpu.memory_space<vmem>>, vector<16xf32>,
        %mul3A_245 = vector.broadcast %squeeze3A_203 : f32 to vector<16xf32>
        %mul3A_246 = arith.mulf %get3A_244, %mul3A_245 : vector<16xf32>
        %add3A_247 = arith.constant 1 : i32
        %add3A_248 = arith.addi %mul3A_153, %add3A_247 : i32
        %swap3A_249 = arith.index_cast %add3A_248 : i32 to index
        %swap3A_250 = arith.constant 48 : index
        %swap3A_251 = tpu.vector_load %arg13[%swap3A_249, %swap3A_250] {strides = array<i32>} : memref<128x64xf32, #tpu.memory_space<vmem>>, vector<16xf32>,
        tpu.vector_store %arg13[%swap3A_249, %swap3A_250], %mul3A_246 {strides = array<i32>} : memref<128x64xf32, #tpu.memory_space<vmem>>, vector<16xf32>,
        %slice3A_252 = vector.extract_strided_slice %get3A_151 {offsets = [2], sizes = [1], strides = [1]} : vector<16xf32> to vector<1xf32>
        %squeeze3A_253 = vector.extract %slice3A_252[0] : f32 from vector<1xf32>
        %add3A_254 = arith.constant 2 : i32
        %add3A_255 = arith.addi %mul3A_153, %add3A_254 : i32
        %get3A_256 = arith.index_cast %add3A_255 : i32 to index
        %get3A_257 = arith.constant 0 : index
        %get3A_258 = tpu.vector_load %arg13[%get3A_256, %get3A_257] {strides = array<i32>} : memref<128x64xf32, #tpu.memory_space<vmem>>, vector<16xf32>,
        %mul3A_259 = vector.broadcast %squeeze3A_253 : f32 to vector<16xf32>
        %mul3A_260 = arith.mulf %get3A_258, %mul3A_259 : vector<16xf32>
        %add3A_261 = arith.constant 2 : i32
        %add3A_262 = arith.addi %mul3A_153, %add3A_261 : i32
        %swap3A_263 = arith.index_cast %add3A_262 : i32 to index
        %swap3A_264 = arith.constant 0 : index
        %swap3A_265 = tpu.vector_load %arg13[%swap3A_263, %swap3A_264] {strides = array<i32>} : memref<128x64xf32, #tpu.memory_space<vmem>>, vector<16xf32>,
        tpu.vector_store %arg13[%swap3A_263, %swap3A_264], %mul3A_260 {strides = array<i32>} : memref<128x64xf32, #tpu.memory_space<vmem>>, vector<16xf32>,
        %add3A_266 = arith.constant 2 : i32
        %add3A_267 = arith.addi %mul3A_153, %add3A_266 : i32
        %get3A_268 = arith.index_cast %add3A_267 : i32 to index
        %get3A_269 = arith.constant 16 : index
        %get3A_270 = tpu.vector_load %arg13[%get3A_268, %get3A_269] {strides = array<i32>} : memref<128x64xf32, #tpu.memory_space<vmem>>, vector<16xf32>,
        %mul3A_271 = vector.broadcast %squeeze3A_253 : f32 to vector<16xf32>
        %mul3A_272 = arith.mulf %get3A_270, %mul3A_271 : vector<16xf32>
        %add3A_273 = arith.constant 2 : i32
        %add3A_274 = arith.addi %mul3A_153, %add3A_273 : i32
        %swap3A_275 = arith.index_cast %add3A_274 : i32 to index
        %swap3A_276 = arith.constant 16 : index
        %swap3A_277 = tpu.vector_load %arg13[%swap3A_275, %swap3A_276] {strides = array<i32>} : memref<128x64xf32, #tpu.memory_space<vmem>>, vector<16xf32>,
        tpu.vector_store %arg13[%swap3A_275, %swap3A_276], %mul3A_272 {strides = array<i32>} : memref<128x64xf32, #tpu.memory_space<vmem>>, vector<16xf32>,
        %add3A_278 = arith.constant 2 : i32
        %add3A_279 = arith.addi %mul3A_153, %add3A_278 : i32
        %get3A_280 = arith.index_cast %add3A_279 : i32 to index
        %get3A_281 = arith.constant 32 : index
        %get3A_282 = tpu.vector_load %arg13[%get3A_280, %get3A_281] {strides = array<i32>} : memref<128x64xf32, #tpu.memory_space<vmem>>, vector<16xf32>,
        %mul3A_283 = vector.broadcast %squeeze3A_253 : f32 to vector<16xf32>
        %mul3A_284 = arith.mulf %get3A_282, %mul3A_283 : vector<16xf32>
        %add3A_285 = arith.constant 2 : i32
        %add3A_286 = arith.addi %mul3A_153, %add3A_285 : i32
        %swap3A_287 = arith.index_cast %add3A_286 : i32 to index
        %swap3A_288 = arith.constant 32 : index
        %swap3A_289 = tpu.vector_load %arg13[%swap3A_287, %swap3A_288] {strides = array<i32>} : memref<128x64xf32, #tpu.memory_space<vmem>>, vector<16xf32>,
        tpu.vector_store %arg13[%swap3A_287, %swap3A_288], %mul3A_284 {strides = array<i32>} : memref<128x64xf32, #tpu.memory_space<vmem>>, vector<16xf32>,
        %add3A_290 = arith.constant 2 : i32
        %add3A_291 = arith.addi %mul3A_153, %add3A_290 : i32
        %get3A_292 = arith.index_cast %add3A_291 : i32 to index
        %get3A_293 = arith.constant 48 : index
        %get3A_294 = tpu.vector_load %arg13[%get3A_292, %get3A_293] {strides = array<i32>} : memref<128x64xf32, #tpu.memory_space<vmem>>, vector<16xf32>,
        %mul3A_295 = vector.broadcast %squeeze3A_253 : f32 to vector<16xf32>
        %mul3A_296 = arith.mulf %get3A_294, %mul3A_295 : vector<16xf32>
        %add3A_297 = arith.constant 2 : i32
        %add3A_298 = arith.addi %mul3A_153, %add3A_297 : i32
        %swap3A_299 = arith.index_cast %add3A_298 : i32 to index
        %swap3A_300 = arith.constant 48 : index
        %swap3A_301 = tpu.vector_load %arg13[%swap3A_299, %swap3A_300] {strides = array<i32>} : memref<128x64xf32, #tpu.memory_space<vmem>>, vector<16xf32>,
        tpu.vector_store %arg13[%swap3A_299, %swap3A_300], %mul3A_296 {strides = array<i32>} : memref<128x64xf32, #tpu.memory_space<vmem>>, vector<16xf32>,
        %slice3A_302 = vector.extract_strided_slice %get3A_151 {offsets = [3], sizes = [1], strides = [1]} : vector<16xf32> to vector<1xf32>
        %squeeze3A_303 = vector.extract %slice3A_302[0] : f32 from vector<1xf32>
        %add3A_304 = arith.constant 3 : i32
        %add3A_305 = arith.addi %mul3A_153, %add3A_304 : i32
        %get3A_306 = arith.index_cast %add3A_305 : i32 to index
        %get3A_307 = arith.constant 0 : index
        %get3A_308 = tpu.vector_load %arg13[%get3A_306, %get3A_307] {strides = array<i32>} : memref<128x64xf32, #tpu.memory_space<vmem>>, vector<16xf32>,
        %mul3A_309 = vector.broadcast %squeeze3A_303 : f32 to vector<16xf32>
        %mul3A_310 = arith.mulf %get3A_308, %mul3A_309 : vector<16xf32>
        %add3A_311 = arith.constant 3 : i32
        %add3A_312 = arith.addi %mul3A_153, %add3A_311 : i32
        %swap3A_313 = arith.index_cast %add3A_312 : i32 to index
        %swap3A_314 = arith.constant 0 : index
        %swap3A_315 = tpu.vector_load %arg13[%swap3A_313, %swap3A_314] {strides = array<i32>} : memref<128x64xf32, #tpu.memory_space<vmem>>, vector<16xf32>,
        tpu.vector_store %arg13[%swap3A_313, %swap3A_314], %mul3A_310 {strides = array<i32>} : memref<128x64xf32, #tpu.memory_space<vmem>>, vector<16xf32>,
        %add3A_316 = arith.constant 3 : i32
        %add3A_317 = arith.addi %mul3A_153, %add3A_316 : i32
        %get3A_318 = arith.index_cast %add3A_317 : i32 to index
        %get3A_319 = arith.constant 16 : index
        %get3A_320 = tpu.vector_load %arg13[%get3A_318, %get3A_319] {strides = array<i32>} : memref<128x64xf32, #tpu.memory_space<vmem>>, vector<16xf32>,
        %mul3A_321 = vector.broadcast %squeeze3A_303 : f32 to vector<16xf32>
        %mul3A_322 = arith.mulf %get3A_320, %mul3A_321 : vector<16xf32>
        %add3A_323 = arith.constant 3 : i32
        %add3A_324 = arith.addi %mul3A_153, %add3A_323 : i32
        %swap3A_325 = arith.index_cast %add3A_324 : i32 to index
        %swap3A_326 = arith.constant 16 : index
        %swap3A_327 = tpu.vector_load %arg13[%swap3A_325, %swap3A_326] {strides = array<i32>} : memref<128x64xf32, #tpu.memory_space<vmem>>, vector<16xf32>,
        tpu.vector_store %arg13[%swap3A_325, %swap3A_326], %mul3A_322 {strides = array<i32>} : memref<128x64xf32, #tpu.memory_space<vmem>>, vector<16xf32>,
        %add3A_328 = arith.constant 3 : i32
        %add3A_329 = arith.addi %mul3A_153, %add3A_328 : i32
        %get3A_330 = arith.index_cast %add3A_329 : i32 to index
        %get3A_331 = arith.constant 32 : index
        %get3A_332 = tpu.vector_load %arg13[%get3A_330, %get3A_331] {strides = array<i32>} : memref<128x64xf32, #tpu.memory_space<vmem>>, vector<16xf32>,
        %mul3A_333 = vector.broadcast %squeeze3A_303 : f32 to vector<16xf32>
        %mul3A_334 = arith.mulf %get3A_332, %mul3A_333 : vector<16xf32>
        %add3A_335 = arith.constant 3 : i32
        %add3A_336 = arith.addi %mul3A_153, %add3A_335 : i32
        %swap3A_337 = arith.index_cast %add3A_336 : i32 to index
        %swap3A_338 = arith.constant 32 : index
        %swap3A_339 = tpu.vector_load %arg13[%swap3A_337, %swap3A_338] {strides = array<i32>} : memref<128x64xf32, #tpu.memory_space<vmem>>, vector<16xf32>,
        tpu.vector_store %arg13[%swap3A_337, %swap3A_338], %mul3A_334 {strides = array<i32>} : memref<128x64xf32, #tpu.memory_space<vmem>>, vector<16xf32>,
        %add3A_340 = arith.constant 3 : i32
        %add3A_341 = arith.addi %mul3A_153, %add3A_340 : i32
        %get3A_342 = arith.index_cast %add3A_341 : i32 to index
        %get3A_343 = arith.constant 48 : index
        %get3A_344 = tpu.vector_load %arg13[%get3A_342, %get3A_343] {strides = array<i32>} : memref<128x64xf32, #tpu.memory_space<vmem>>, vector<16xf32>,
        %mul3A_345 = vector.broadcast %squeeze3A_303 : f32 to vector<16xf32>
        %mul3A_346 = arith.mulf %get3A_344, %mul3A_345 : vector<16xf32>
        %add3A_347 = arith.constant 3 : i32
        %add3A_348 = arith.addi %mul3A_153, %add3A_347 : i32
        %swap3A_349 = arith.index_cast %add3A_348 : i32 to index
        %swap3A_350 = arith.constant 48 : index
        %swap3A_351 = tpu.vector_load %arg13[%swap3A_349, %swap3A_350] {strides = array<i32>} : memref<128x64xf32, #tpu.memory_space<vmem>>, vector<16xf32>,
        tpu.vector_store %arg13[%swap3A_349, %swap3A_350], %mul3A_346 {strides = array<i32>} : memref<128x64xf32, #tpu.memory_space<vmem>>, vector<16xf32>,
        %slice3A_352 = vector.extract_strided_slice %get3A_151 {offsets = [4], sizes = [1], strides = [1]} : vector<16xf32> to vector<1xf32>
        %squeeze3A_353 = vector.extract %slice3A_352[0] : f32 from vector<1xf32>
        %add3A_354 = arith.constant 4 : i32
        %add3A_355 = arith.addi %mul3A_153, %add3A_354 : i32
        %get3A_356 = arith.index_cast %add3A_355 : i32 to index
        %get3A_357 = arith.constant 0 : index
        %get3A_358 = tpu.vector_load %arg13[%get3A_356, %get3A_357] {strides = array<i32>} : memref<128x64xf32, #tpu.memory_space<vmem>>, vector<16xf32>,
        %mul3A_359 = vector.broadcast %squeeze3A_353 : f32 to vector<16xf32>
        %mul3A_360 = arith.mulf %get3A_358, %mul3A_359 : vector<16xf32>
        %add3A_361 = arith.constant 4 : i32
        %add3A_362 = arith.addi %mul3A_153, %add3A_361 : i32
        %swap3A_363 = arith.index_cast %add3A_362 : i32 to index
        %swap3A_364 = arith.constant 0 : index
        %swap3A_365 = tpu.vector_load %arg13[%swap3A_363, %swap3A_364] {strides = array<i32>} : memref<128x64xf32, #tpu.memory_space<vmem>>, vector<16xf32>,
        tpu.vector_store %arg13[%swap3A_363, %swap3A_364], %mul3A_360 {strides = array<i32>} : memref<128x64xf32, #tpu.memory_space<vmem>>, vector<16xf32>,
        %add3A_366 = arith.constant 4 : i32
        %add3A_367 = arith.addi %mul3A_153, %add3A_366 : i32
        %get3A_368 = arith.index_cast %add3A_367 : i32 to index
        %get3A_369 = arith.constant 16 : index
        %get3A_370 = tpu.vector_load %arg13[%get3A_368, %get3A_369] {strides = array<i32>} : memref<128x64xf32, #tpu.memory_space<vmem>>, vector<16xf32>,
        %mul3A_371 = vector.broadcast %squeeze3A_353 : f32 to vector<16xf32>
        %mul3A_372 = arith.mulf %get3A_370, %mul3A_371 : vector<16xf32>
        %add3A_373 = arith.constant 4 : i32
        %add3A_374 = arith.addi %mul3A_153, %add3A_373 : i32
        %swap3A_375 = arith.index_cast %add3A_374 : i32 to index
        %swap3A_376 = arith.constant 16 : index
        %swap3A_377 = tpu.vector_load %arg13[%swap3A_375, %swap3A_376] {strides = array<i32>} : memref<128x64xf32, #tpu.memory_space<vmem>>, vector<16xf32>,
        tpu.vector_store %arg13[%swap3A_375, %swap3A_376], %mul3A_372 {strides = array<i32>} : memref<128x64xf32, #tpu.memory_space<vmem>>, vector<16xf32>,
        %add3A_378 = arith.constant 4 : i32
        %add3A_379 = arith.addi %mul3A_153, %add3A_378 : i32
        %get3A_380 = arith.index_cast %add3A_379 : i32 to index
        %get3A_381 = arith.constant 32 : index
        %get3A_382 = tpu.vector_load %arg13[%get3A_380, %get3A_381] {strides = array<i32>} : memref<128x64xf32, #tpu.memory_space<vmem>>, vector<16xf32>,
        %mul3A_383 = vector.broadcast %squeeze3A_353 : f32 to vector<16xf32>
        %mul3A_384 = arith.mulf %get3A_382, %mul3A_383 : vector<16xf32>
        %add3A_385 = arith.constant 4 : i32
        %add3A_386 = arith.addi %mul3A_153, %add3A_385 : i32
        %swap3A_387 = arith.index_cast %add3A_386 : i32 to index
        %swap3A_388 = arith.constant 32 : index
        %swap3A_389 = tpu.vector_load %arg13[%swap3A_387, %swap3A_388] {strides = array<i32>} : memref<128x64xf32, #tpu.memory_space<vmem>>, vector<16xf32>,
        tpu.vector_store %arg13[%swap3A_387, %swap3A_388], %mul3A_384 {strides = array<i32>} : memref<128x64xf32, #tpu.memory_space<vmem>>, vector<16xf32>,
        %add3A_390 = arith.constant 4 : i32
        %add3A_391 = arith.addi %mul3A_153, %add3A_390 : i32
        %get3A_392 = arith.index_cast %add3A_391 : i32 to index
        %get3A_393 = arith.constant 48 : index
        %get3A_394 = tpu.vector_load %arg13[%get3A_392, %get3A_393] {strides = array<i32>} : memref<128x64xf32, #tpu.memory_space<vmem>>, vector<16xf32>,
        %mul3A_395 = vector.broadcast %squeeze3A_353 : f32 to vector<16xf32>
        %mul3A_396 = arith.mulf %get3A_394, %mul3A_395 : vector<16xf32>
        %add3A_397 = arith.constant 4 : i32
        %add3A_398 = arith.addi %mul3A_153, %add3A_397 : i32
        %swap3A_399 = arith.index_cast %add3A_398 : i32 to index
        %swap3A_400 = arith.constant 48 : index
        %swap3A_401 = tpu.vector_load %arg13[%swap3A_399, %swap3A_400] {strides = array<i32>} : memref<128x64xf32, #tpu.memory_space<vmem>>, vector<16xf32>,
        tpu.vector_store %arg13[%swap3A_399, %swap3A_400], %mul3A_396 {strides = array<i32>} : memref<128x64xf32, #tpu.memory_space<vmem>>, vector<16xf32>,
        %slice3A_402 = vector.extract_strided_slice %get3A_151 {offsets = [5], sizes = [1], strides = [1]} : vector<16xf32> to vector<1xf32>
        %squeeze3A_403 = vector.extract %slice3A_402[0] : f32 from vector<1xf32>
        %add3A_404 = arith.constant 5 : i32
        %add3A_405 = arith.addi %mul3A_153, %add3A_404 : i32
        %get3A_406 = arith.index_cast %add3A_405 : i32 to index
        %get3A_407 = arith.constant 0 : index
        %get3A_408 = tpu.vector_load %arg13[%get3A_406, %get3A_407] {strides = array<i32>} : memref<128x64xf32, #tpu.memory_space<vmem>>, vector<16xf32>,
        %mul3A_409 = vector.broadcast %squeeze3A_403 : f32 to vector<16xf32>
        %mul3A_410 = arith.mulf %get3A_408, %mul3A_409 : vector<16xf32>
        %add3A_411 = arith.constant 5 : i32
        %add3A_412 = arith.addi %mul3A_153, %add3A_411 : i32
        %swap3A_413 = arith.index_cast %add3A_412 : i32 to index
        %swap3A_414 = arith.constant 0 : index
        %swap3A_415 = tpu.vector_load %arg13[%swap3A_413, %swap3A_414] {strides = array<i32>} : memref<128x64xf32, #tpu.memory_space<vmem>>, vector<16xf32>,
        tpu.vector_store %arg13[%swap3A_413, %swap3A_414], %mul3A_410 {strides = array<i32>} : memref<128x64xf32, #tpu.memory_space<vmem>>, vector<16xf32>,
        %add3A_416 = arith.constant 5 : i32
        %add3A_417 = arith.addi %mul3A_153, %add3A_416 : i32
        %get3A_418 = arith.index_cast %add3A_417 : i32 to index
        %get3A_419 = arith.constant 16 : index
        %get3A_420 = tpu.vector_load %arg13[%get3A_418, %get3A_419] {strides = array<i32>} : memref<128x64xf32, #tpu.memory_space<vmem>>, vector<16xf32>,
        %mul3A_421 = vector.broadcast %squeeze3A_403 : f32 to vector<16xf32>
        %mul3A_422 = arith.mulf %get3A_420, %mul3A_421 : vector<16xf32>
        %add3A_423 = arith.constant 5 : i32
        %add3A_424 = arith.addi %mul3A_153, %add3A_423 : i32
        %swap3A_425 = arith.index_cast %add3A_424 : i32 to index
        %swap3A_426 = arith.constant 16 : index
        %swap3A_427 = tpu.vector_load %arg13[%swap3A_425, %swap3A_426] {strides = array<i32>} : memref<128x64xf32, #tpu.memory_space<vmem>>, vector<16xf32>,
        tpu.vector_store %arg13[%swap3A_425, %swap3A_426], %mul3A_422 {strides = array<i32>} : memref<128x64xf32, #tpu.memory_space<vmem>>, vector<16xf32>,
        %add3A_428 = arith.constant 5 : i32
        %add3A_429 = arith.addi %mul3A_153, %add3A_428 : i32
        %get3A_430 = arith.index_cast %add3A_429 : i32 to index
        %get3A_431 = arith.constant 32 : index
        %get3A_432 = tpu.vector_load %arg13[%get3A_430, %get3A_431] {strides = array<i32>} : memref<128x64xf32, #tpu.memory_space<vmem>>, vector<16xf32>,
        %mul3A_433 = vector.broadcast %squeeze3A_403 : f32 to vector<16xf32>
        %mul3A_434 = arith.mulf %get3A_432, %mul3A_433 : vector<16xf32>
        %add3A_435 = arith.constant 5 : i32
        %add3A_436 = arith.addi %mul3A_153, %add3A_435 : i32
        %swap3A_437 = arith.index_cast %add3A_436 : i32 to index
        %swap3A_438 = arith.constant 32 : index
        %swap3A_439 = tpu.vector_load %arg13[%swap3A_437, %swap3A_438] {strides = array<i32>} : memref<128x64xf32, #tpu.memory_space<vmem>>, vector<16xf32>,
        tpu.vector_store %arg13[%swap3A_437, %swap3A_438], %mul3A_434 {strides = array<i32>} : memref<128x64xf32, #tpu.memory_space<vmem>>, vector<16xf32>,
        %add3A_440 = arith.constant 5 : i32
        %add3A_441 = arith.addi %mul3A_153, %add3A_440 : i32
        %get3A_442 = arith.index_cast %add3A_441 : i32 to index
        %get3A_443 = arith.constant 48 : index
        %get3A_444 = tpu.vector_load %arg13[%get3A_442, %get3A_443] {strides = array<i32>} : memref<128x64xf32, #tpu.memory_space<vmem>>, vector<16xf32>,
        %mul3A_445 = vector.broadcast %squeeze3A_403 : f32 to vector<16xf32>
        %mul3A_446 = arith.mulf %get3A_444, %mul3A_445 : vector<16xf32>
        %add3A_447 = arith.constant 5 : i32
        %add3A_448 = arith.addi %mul3A_153, %add3A_447 : i32
        %swap3A_449 = arith.index_cast %add3A_448 : i32 to index
        %swap3A_450 = arith.constant 48 : index
        %swap3A_451 = tpu.vector_load %arg13[%swap3A_449, %swap3A_450] {strides = array<i32>} : memref<128x64xf32, #tpu.memory_space<vmem>>, vector<16xf32>,
        tpu.vector_store %arg13[%swap3A_449, %swap3A_450], %mul3A_446 {strides = array<i32>} : memref<128x64xf32, #tpu.memory_space<vmem>>, vector<16xf32>,
        %slice3A_452 = vector.extract_strided_slice %get3A_151 {offsets = [6], sizes = [1], strides = [1]} : vector<16xf32> to vector<1xf32>
        %squeeze3A_453 = vector.extract %slice3A_452[0] : f32 from vector<1xf32>
        %add3A_454 = arith.constant 6 : i32
        %add3A_455 = arith.addi %mul3A_153, %add3A_454 : i32
        %get3A_456 = arith.index_cast %add3A_455 : i32 to index
        %get3A_457 = arith.constant 0 : index
        %get3A_458 = tpu.vector_load %arg13[%get3A_456, %get3A_457] {strides = array<i32>} : memref<128x64xf32, #tpu.memory_space<vmem>>, vector<16xf32>,
        %mul3A_459 = vector.broadcast %squeeze3A_453 : f32 to vector<16xf32>
        %mul3A_460 = arith.mulf %get3A_458, %mul3A_459 : vector<16xf32>
        %add3A_461 = arith.constant 6 : i32
        %add3A_462 = arith.addi %mul3A_153, %add3A_461 : i32
        %swap3A_463 = arith.index_cast %add3A_462 : i32 to index
        %swap3A_464 = arith.constant 0 : index
        %swap3A_465 = tpu.vector_load %arg13[%swap3A_463, %swap3A_464] {strides = array<i32>} : memref<128x64xf32, #tpu.memory_space<vmem>>, vector<16xf32>,
        tpu.vector_store %arg13[%swap3A_463, %swap3A_464], %mul3A_460 {strides = array<i32>} : memref<128x64xf32, #tpu.memory_space<vmem>>, vector<16xf32>,
        %add3A_466 = arith.constant 6 : i32
        %add3A_467 = arith.addi %mul3A_153, %add3A_466 : i32
        %get3A_468 = arith.index_cast %add3A_467 : i32 to index
        %get3A_469 = arith.constant 16 : index
        %get3A_470 = tpu.vector_load %arg13[%get3A_468, %get3A_469] {strides = array<i32>} : memref<128x64xf32, #tpu.memory_space<vmem>>, vector<16xf32>,
        %mul3A_471 = vector.broadcast %squeeze3A_453 : f32 to vector<16xf32>
        %mul3A_472 = arith.mulf %get3A_470, %mul3A_471 : vector<16xf32>
        %add3A_473 = arith.constant 6 : i32
        %add3A_474 = arith.addi %mul3A_153, %add3A_473 : i32
        %swap3A_475 = arith.index_cast %add3A_474 : i32 to index
        %swap3A_476 = arith.constant 16 : index
        %swap3A_477 = tpu.vector_load %arg13[%swap3A_475, %swap3A_476] {strides = array<i32>} : memref<128x64xf32, #tpu.memory_space<vmem>>, vector<16xf32>,
        tpu.vector_store %arg13[%swap3A_475, %swap3A_476], %mul3A_472 {strides = array<i32>} : memref<128x64xf32, #tpu.memory_space<vmem>>, vector<16xf32>,
        %add3A_478 = arith.constant 6 : i32
        %add3A_479 = arith.addi %mul3A_153, %add3A_478 : i32
        %get3A_480 = arith.index_cast %add3A_479 : i32 to index
        %get3A_481 = arith.constant 32 : index
        %get3A_482 = tpu.vector_load %arg13[%get3A_480, %get3A_481] {strides = array<i32>} : memref<128x64xf32, #tpu.memory_space<vmem>>, vector<16xf32>,
        %mul3A_483 = vector.broadcast %squeeze3A_453 : f32 to vector<16xf32>
        %mul3A_484 = arith.mulf %get3A_482, %mul3A_483 : vector<16xf32>
        %add3A_485 = arith.constant 6 : i32
        %add3A_486 = arith.addi %mul3A_153, %add3A_485 : i32
        %swap3A_487 = arith.index_cast %add3A_486 : i32 to index
        %swap3A_488 = arith.constant 32 : index
        %swap3A_489 = tpu.vector_load %arg13[%swap3A_487, %swap3A_488] {strides = array<i32>} : memref<128x64xf32, #tpu.memory_space<vmem>>, vector<16xf32>,
        tpu.vector_store %arg13[%swap3A_487, %swap3A_488], %mul3A_484 {strides = array<i32>} : memref<128x64xf32, #tpu.memory_space<vmem>>, vector<16xf32>,
        %add3A_490 = arith.constant 6 : i32
        %add3A_491 = arith.addi %mul3A_153, %add3A_490 : i32
        %get3A_492 = arith.index_cast %add3A_491 : i32 to index
        %get3A_493 = arith.constant 48 : index
        %get3A_494 = tpu.vector_load %arg13[%get3A_492, %get3A_493] {strides = array<i32>} : memref<128x64xf32, #tpu.memory_space<vmem>>, vector<16xf32>,
        %mul3A_495 = vector.broadcast %squeeze3A_453 : f32 to vector<16xf32>
        %mul3A_496 = arith.mulf %get3A_494, %mul3A_495 : vector<16xf32>
        %add3A_497 = arith.constant 6 : i32
        %add3A_498 = arith.addi %mul3A_153, %add3A_497 : i32
        %swap3A_499 = arith.index_cast %add3A_498 : i32 to index
        %swap3A_500 = arith.constant 48 : index
        %swap3A_501 = tpu.vector_load %arg13[%swap3A_499, %swap3A_500] {strides = array<i32>} : memref<128x64xf32, #tpu.memory_space<vmem>>, vector<16xf32>,
        tpu.vector_store %arg13[%swap3A_499, %swap3A_500], %mul3A_496 {strides = array<i32>} : memref<128x64xf32, #tpu.memory_space<vmem>>, vector<16xf32>,
        %slice3A_502 = vector.extract_strided_slice %get3A_151 {offsets = [7], sizes = [1], strides = [1]} : vector<16xf32> to vector<1xf32>
        %squeeze3A_503 = vector.extract %slice3A_502[0] : f32 from vector<1xf32>
        %add3A_504 = arith.constant 7 : i32
        %add3A_505 = arith.addi %mul3A_153, %add3A_504 : i32
        %get3A_506 = arith.index_cast %add3A_505 : i32 to index
        %get3A_507 = arith.constant 0 : index
        %get3A_508 = tpu.vector_load %arg13[%get3A_506, %get3A_507] {strides = array<i32>} : memref<128x64xf32, #tpu.memory_space<vmem>>, vector<16xf32>,
        %mul3A_509 = vector.broadcast %squeeze3A_503 : f32 to vector<16xf32>
        %mul3A_510 = arith.mulf %get3A_508, %mul3A_509 : vector<16xf32>
        %add3A_511 = arith.constant 7 : i32
        %add3A_512 = arith.addi %mul3A_153, %add3A_511 : i32
        %swap3A_513 = arith.index_cast %add3A_512 : i32 to index
        %swap3A_514 = arith.constant 0 : index
        %swap3A_515 = tpu.vector_load %arg13[%swap3A_513, %swap3A_514] {strides = array<i32>} : memref<128x64xf32, #tpu.memory_space<vmem>>, vector<16xf32>,
        tpu.vector_store %arg13[%swap3A_513, %swap3A_514], %mul3A_510 {strides = array<i32>} : memref<128x64xf32, #tpu.memory_space<vmem>>, vector<16xf32>,
        %add3A_516 = arith.constant 7 : i32
        %add3A_517 = arith.addi %mul3A_153, %add3A_516 : i32
        %get3A_518 = arith.index_cast %add3A_517 : i32 to index
        %get3A_519 = arith.constant 16 : index
        %get3A_520 = tpu.vector_load %arg13[%get3A_518, %get3A_519] {strides = array<i32>} : memref<128x64xf32, #tpu.memory_space<vmem>>, vector<16xf32>,
        %mul3A_521 = vector.broadcast %squeeze3A_503 : f32 to vector<16xf32>
        %mul3A_522 = arith.mulf %get3A_520, %mul3A_521 : vector<16xf32>
        %add3A_523 = arith.constant 7 : i32
        %add3A_524 = arith.addi %mul3A_153, %add3A_523 : i32
        %swap3A_525 = arith.index_cast %add3A_524 : i32 to index
        %swap3A_526 = arith.constant 16 : index
        %swap3A_527 = tpu.vector_load %arg13[%swap3A_525, %swap3A_526] {strides = array<i32>} : memref<128x64xf32, #tpu.memory_space<vmem>>, vector<16xf32>,
        tpu.vector_store %arg13[%swap3A_525, %swap3A_526], %mul3A_522 {strides = array<i32>} : memref<128x64xf32, #tpu.memory_space<vmem>>, vector<16xf32>,
        %add3A_528 = arith.constant 7 : i32
        %add3A_529 = arith.addi %mul3A_153, %add3A_528 : i32
        %get3A_530 = arith.index_cast %add3A_529 : i32 to index
        %get3A_531 = arith.constant 32 : index
        %get3A_532 = tpu.vector_load %arg13[%get3A_530, %get3A_531] {strides = array<i32>} : memref<128x64xf32, #tpu.memory_space<vmem>>, vector<16xf32>,
        %mul3A_533 = vector.broadcast %squeeze3A_503 : f32 to vector<16xf32>
        %mul3A_534 = arith.mulf %get3A_532, %mul3A_533 : vector<16xf32>
        %add3A_535 = arith.constant 7 : i32
        %add3A_536 = arith.addi %mul3A_153, %add3A_535 : i32
        %swap3A_537 = arith.index_cast %add3A_536 : i32 to index
        %swap3A_538 = arith.constant 32 : index
        %swap3A_539 = tpu.vector_load %arg13[%swap3A_537, %swap3A_538] {strides = array<i32>} : memref<128x64xf32, #tpu.memory_space<vmem>>, vector<16xf32>,
        tpu.vector_store %arg13[%swap3A_537, %swap3A_538], %mul3A_534 {strides = array<i32>} : memref<128x64xf32, #tpu.memory_space<vmem>>, vector<16xf32>,
        %add3A_540 = arith.constant 7 : i32
        %add3A_541 = arith.addi %mul3A_153, %add3A_540 : i32
        %get3A_542 = arith.index_cast %add3A_541 : i32 to index
        %get3A_543 = arith.constant 48 : index
        %get3A_544 = tpu.vector_load %arg13[%get3A_542, %get3A_543] {strides = array<i32>} : memref<128x64xf32, #tpu.memory_space<vmem>>, vector<16xf32>,
        %mul3A_545 = vector.broadcast %squeeze3A_503 : f32 to vector<16xf32>
        %mul3A_546 = arith.mulf %get3A_544, %mul3A_545 : vector<16xf32>
        %add3A_547 = arith.constant 7 : i32
        %add3A_548 = arith.addi %mul3A_153, %add3A_547 : i32
        %swap3A_549 = arith.index_cast %add3A_548 : i32 to index
        %swap3A_550 = arith.constant 48 : index
        %swap3A_551 = tpu.vector_load %arg13[%swap3A_549, %swap3A_550] {strides = array<i32>} : memref<128x64xf32, #tpu.memory_space<vmem>>, vector<16xf32>,
        tpu.vector_store %arg13[%swap3A_549, %swap3A_550], %mul3A_546 {strides = array<i32>} : memref<128x64xf32, #tpu.memory_space<vmem>>, vector<16xf32>,
        %slice3A_552 = vector.extract_strided_slice %get3A_151 {offsets = [8], sizes = [1], strides = [1]} : vector<16xf32> to vector<1xf32>
        %squeeze3A_553 = vector.extract %slice3A_552[0] : f32 from vector<1xf32>
        %add3A_554 = arith.constant 8 : i32
        %add3A_555 = arith.addi %mul3A_153, %add3A_554 : i32
        %get3A_556 = arith.index_cast %add3A_555 : i32 to index
        %get3A_557 = arith.constant 0 : index
        %get3A_558 = tpu.vector_load %arg13[%get3A_556, %get3A_557] {strides = array<i32>} : memref<128x64xf32, #tpu.memory_space<vmem>>, vector<16xf32>,
        %mul3A_559 = vector.broadcast %squeeze3A_553 : f32 to vector<16xf32>
        %mul3A_560 = arith.mulf %get3A_558, %mul3A_559 : vector<16xf32>
        %add3A_561 = arith.constant 8 : i32
        %add3A_562 = arith.addi %mul3A_153, %add3A_561 : i32
        %swap3A_563 = arith.index_cast %add3A_562 : i32 to index
        %swap3A_564 = arith.constant 0 : index
        %swap3A_565 = tpu.vector_load %arg13[%swap3A_563, %swap3A_564] {strides = array<i32>} : memref<128x64xf32, #tpu.memory_space<vmem>>, vector<16xf32>,
        tpu.vector_store %arg13[%swap3A_563, %swap3A_564], %mul3A_560 {strides = array<i32>} : memref<128x64xf32, #tpu.memory_space<vmem>>, vector<16xf32>,
        %add3A_566 = arith.constant 8 : i32
        %add3A_567 = arith.addi %mul3A_153, %add3A_566 : i32
        %get3A_568 = arith.index_cast %add3A_567 : i32 to index
        %get3A_569 = arith.constant 16 : index
        %get3A_570 = tpu.vector_load %arg13[%get3A_568, %get3A_569] {strides = array<i32>} : memref<128x64xf32, #tpu.memory_space<vmem>>, vector<16xf32>,
        %mul3A_571 = vector.broadcast %squeeze3A_553 : f32 to vector<16xf32>
        %mul3A_572 = arith.mulf %get3A_570, %mul3A_571 : vector<16xf32>
        %add3A_573 = arith.constant 8 : i32
        %add3A_574 = arith.addi %mul3A_153, %add3A_573 : i32
        %swap3A_575 = arith.index_cast %add3A_574 : i32 to index
        %swap3A_576 = arith.constant 16 : index
        %swap3A_577 = tpu.vector_load %arg13[%swap3A_575, %swap3A_576] {strides = array<i32>} : memref<128x64xf32, #tpu.memory_space<vmem>>, vector<16xf32>,
        tpu.vector_store %arg13[%swap3A_575, %swap3A_576], %mul3A_572 {strides = array<i32>} : memref<128x64xf32, #tpu.memory_space<vmem>>, vector<16xf32>,
        %add3A_578 = arith.constant 8 : i32
        %add3A_579 = arith.addi %mul3A_153, %add3A_578 : i32
        %get3A_580 = arith.index_cast %add3A_579 : i32 to index
        %get3A_581 = arith.constant 32 : index
        %get3A_582 = tpu.vector_load %arg13[%get3A_580, %get3A_581] {strides = array<i32>} : memref<128x64xf32, #tpu.memory_space<vmem>>, vector<16xf32>,
        %mul3A_583 = vector.broadcast %squeeze3A_553 : f32 to vector<16xf32>
        %mul3A_584 = arith.mulf %get3A_582, %mul3A_583 : vector<16xf32>
        %add3A_585 = arith.constant 8 : i32
        %add3A_586 = arith.addi %mul3A_153, %add3A_585 : i32
        %swap3A_587 = arith.index_cast %add3A_586 : i32 to index
        %swap3A_588 = arith.constant 32 : index
        %swap3A_589 = tpu.vector_load %arg13[%swap3A_587, %swap3A_588] {strides = array<i32>} : memref<128x64xf32, #tpu.memory_space<vmem>>, vector<16xf32>,
        tpu.vector_store %arg13[%swap3A_587, %swap3A_588], %mul3A_584 {strides = array<i32>} : memref<128x64xf32, #tpu.memory_space<vmem>>, vector<16xf32>,
        %add3A_590 = arith.constant 8 : i32
        %add3A_591 = arith.addi %mul3A_153, %add3A_590 : i32
        %get3A_592 = arith.index_cast %add3A_591 : i32 to index
        %get3A_593 = arith.constant 48 : index
        %get3A_594 = tpu.vector_load %arg13[%get3A_592, %get3A_593] {strides = array<i32>} : memref<128x64xf32, #tpu.memory_space<vmem>>, vector<16xf32>,
        %mul3A_595 = vector.broadcast %squeeze3A_553 : f32 to vector<16xf32>
        %mul3A_596 = arith.mulf %get3A_594, %mul3A_595 : vector<16xf32>
        %add3A_597 = arith.constant 8 : i32
        %add3A_598 = arith.addi %mul3A_153, %add3A_597 : i32
        %swap3A_599 = arith.index_cast %add3A_598 : i32 to index
        %swap3A_600 = arith.constant 48 : index
        %swap3A_601 = tpu.vector_load %arg13[%swap3A_599, %swap3A_600] {strides = array<i32>} : memref<128x64xf32, #tpu.memory_space<vmem>>, vector<16xf32>,
        tpu.vector_store %arg13[%swap3A_599, %swap3A_600], %mul3A_596 {strides = array<i32>} : memref<128x64xf32, #tpu.memory_space<vmem>>, vector<16xf32>,
        %slice3A_602 = vector.extract_strided_slice %get3A_151 {offsets = [9], sizes = [1], strides = [1]} : vector<16xf32> to vector<1xf32>
        %squeeze3A_603 = vector.extract %slice3A_602[0] : f32 from vector<1xf32>
        %add3A_604 = arith.constant 9 : i32
        %add3A_605 = arith.addi %mul3A_153, %add3A_604 : i32
        %get3A_606 = arith.index_cast %add3A_605 : i32 to index
        %get3A_607 = arith.constant 0 : index
        %get3A_608 = tpu.vector_load %arg13[%get3A_606, %get3A_607] {strides = array<i32>} : memref<128x64xf32, #tpu.memory_space<vmem>>, vector<16xf32>,
        %mul3A_609 = vector.broadcast %squeeze3A_603 : f32 to vector<16xf32>
        %mul3A_610 = arith.mulf %get3A_608, %mul3A_609 : vector<16xf32>
        %add3A_611 = arith.constant 9 : i32
        %add3A_612 = arith.addi %mul3A_153, %add3A_611 : i32
        %swap3A_613 = arith.index_cast %add3A_612 : i32 to index
        %swap3A_614 = arith.constant 0 : index
        %swap3A_615 = tpu.vector_load %arg13[%swap3A_613, %swap3A_614] {strides = array<i32>} : memref<128x64xf32, #tpu.memory_space<vmem>>, vector<16xf32>,
        tpu.vector_store %arg13[%swap3A_613, %swap3A_614], %mul3A_610 {strides = array<i32>} : memref<128x64xf32, #tpu.memory_space<vmem>>, vector<16xf32>,
        %add3A_616 = arith.constant 9 : i32
        %add3A_617 = arith.addi %mul3A_153, %add3A_616 : i32
        %get3A_618 = arith.index_cast %add3A_617 : i32 to index
        %get3A_619 = arith.constant 16 : index
        %get3A_620 = tpu.vector_load %arg13[%get3A_618, %get3A_619] {strides = array<i32>} : memref<128x64xf32, #tpu.memory_space<vmem>>, vector<16xf32>,
        %mul3A_621 = vector.broadcast %squeeze3A_603 : f32 to vector<16xf32>
        %mul3A_622 = arith.mulf %get3A_620, %mul3A_621 : vector<16xf32>
        %add3A_623 = arith.constant 9 : i32
        %add3A_624 = arith.addi %mul3A_153, %add3A_623 : i32
        %swap3A_625 = arith.index_cast %add3A_624 : i32 to index
        %swap3A_626 = arith.constant 16 : index
        %swap3A_627 = tpu.vector_load %arg13[%swap3A_625, %swap3A_626] {strides = array<i32>} : memref<128x64xf32, #tpu.memory_space<vmem>>, vector<16xf32>,
        tpu.vector_store %arg13[%swap3A_625, %swap3A_626], %mul3A_622 {strides = array<i32>} : memref<128x64xf32, #tpu.memory_space<vmem>>, vector<16xf32>,
        %add3A_628 = arith.constant 9 : i32
        %add3A_629 = arith.addi %mul3A_153, %add3A_628 : i32
        %get3A_630 = arith.index_cast %add3A_629 : i32 to index
        %get3A_631 = arith.constant 32 : index
        %get3A_632 = tpu.vector_load %arg13[%get3A_630, %get3A_631] {strides = array<i32>} : memref<128x64xf32, #tpu.memory_space<vmem>>, vector<16xf32>,
        %mul3A_633 = vector.broadcast %squeeze3A_603 : f32 to vector<16xf32>
        %mul3A_634 = arith.mulf %get3A_632, %mul3A_633 : vector<16xf32>
        %add3A_635 = arith.constant 9 : i32
        %add3A_636 = arith.addi %mul3A_153, %add3A_635 : i32
        %swap3A_637 = arith.index_cast %add3A_636 : i32 to index
        %swap3A_638 = arith.constant 32 : index
        %swap3A_639 = tpu.vector_load %arg13[%swap3A_637, %swap3A_638] {strides = array<i32>} : memref<128x64xf32, #tpu.memory_space<vmem>>, vector<16xf32>,
        tpu.vector_store %arg13[%swap3A_637, %swap3A_638], %mul3A_634 {strides = array<i32>} : memref<128x64xf32, #tpu.memory_space<vmem>>, vector<16xf32>,
        %add3A_640 = arith.constant 9 : i32
        %add3A_641 = arith.addi %mul3A_153, %add3A_640 : i32
        %get3A_642 = arith.index_cast %add3A_641 : i32 to index
        %get3A_643 = arith.constant 48 : index
        %get3A_644 = tpu.vector_load %arg13[%get3A_642, %get3A_643] {strides = array<i32>} : memref<128x64xf32, #tpu.memory_space<vmem>>, vector<16xf32>,
        %mul3A_645 = vector.broadcast %squeeze3A_603 : f32 to vector<16xf32>
        %mul3A_646 = arith.mulf %get3A_644, %mul3A_645 : vector<16xf32>
        %add3A_647 = arith.constant 9 : i32
        %add3A_648 = arith.addi %mul3A_153, %add3A_647 : i32
        %swap3A_649 = arith.index_cast %add3A_648 : i32 to index
        %swap3A_650 = arith.constant 48 : index
        %swap3A_651 = tpu.vector_load %arg13[%swap3A_649, %swap3A_650] {strides = array<i32>} : memref<128x64xf32, #tpu.memory_space<vmem>>, vector<16xf32>,
        tpu.vector_store %arg13[%swap3A_649, %swap3A_650], %mul3A_646 {strides = array<i32>} : memref<128x64xf32, #tpu.memory_space<vmem>>, vector<16xf32>,
        %slice3A_652 = vector.extract_strided_slice %get3A_151 {offsets = [10], sizes = [1], strides = [1]} : vector<16xf32> to vector<1xf32>
        %squeeze3A_653 = vector.extract %slice3A_652[0] : f32 from vector<1xf32>
        %add3A_654 = arith.constant 10 : i32
        %add3A_655 = arith.addi %mul3A_153, %add3A_654 : i32
        %get3A_656 = arith.index_cast %add3A_655 : i32 to index
        %get3A_657 = arith.constant 0 : index
        %get3A_658 = tpu.vector_load %arg13[%get3A_656, %get3A_657] {strides = array<i32>} : memref<128x64xf32, #tpu.memory_space<vmem>>, vector<16xf32>,
        %mul3A_659 = vector.broadcast %squeeze3A_653 : f32 to vector<16xf32>
        %mul3A_660 = arith.mulf %get3A_658, %mul3A_659 : vector<16xf32>
        %add3A_661 = arith.constant 10 : i32
        %add3A_662 = arith.addi %mul3A_153, %add3A_661 : i32
        %swap3A_663 = arith.index_cast %add3A_662 : i32 to index
        %swap3A_664 = arith.constant 0 : index
        %swap3A_665 = tpu.vector_load %arg13[%swap3A_663, %swap3A_664] {strides = array<i32>} : memref<128x64xf32, #tpu.memory_space<vmem>>, vector<16xf32>,
        tpu.vector_store %arg13[%swap3A_663, %swap3A_664], %mul3A_660 {strides = array<i32>} : memref<128x64xf32, #tpu.memory_space<vmem>>, vector<16xf32>,
        %add3A_666 = arith.constant 10 : i32
        %add3A_667 = arith.addi %mul3A_153, %add3A_666 : i32
        %get3A_668 = arith.index_cast %add3A_667 : i32 to index
        %get3A_669 = arith.constant 16 : index
        %get3A_670 = tpu.vector_load %arg13[%get3A_668, %get3A_669] {strides = array<i32>} : memref<128x64xf32, #tpu.memory_space<vmem>>, vector<16xf32>,
        %mul3A_671 = vector.broadcast %squeeze3A_653 : f32 to vector<16xf32>
        %mul3A_672 = arith.mulf %get3A_670, %mul3A_671 : vector<16xf32>
        %add3A_673 = arith.constant 10 : i32
        %add3A_674 = arith.addi %mul3A_153, %add3A_673 : i32
        %swap3A_675 = arith.index_cast %add3A_674 : i32 to index
        %swap3A_676 = arith.constant 16 : index
        %swap3A_677 = tpu.vector_load %arg13[%swap3A_675, %swap3A_676] {strides = array<i32>} : memref<128x64xf32, #tpu.memory_space<vmem>>, vector<16xf32>,
        tpu.vector_store %arg13[%swap3A_675, %swap3A_676], %mul3A_672 {strides = array<i32>} : memref<128x64xf32, #tpu.memory_space<vmem>>, vector<16xf32>,
        %add3A_678 = arith.constant 10 : i32
        %add3A_679 = arith.addi %mul3A_153, %add3A_678 : i32
        %get3A_680 = arith.index_cast %add3A_679 : i32 to index
        %get3A_681 = arith.constant 32 : index
        %get3A_682 = tpu.vector_load %arg13[%get3A_680, %get3A_681] {strides = array<i32>} : memref<128x64xf32, #tpu.memory_space<vmem>>, vector<16xf32>,
        %mul3A_683 = vector.broadcast %squeeze3A_653 : f32 to vector<16xf32>
        %mul3A_684 = arith.mulf %get3A_682, %mul3A_683 : vector<16xf32>
        %add3A_685 = arith.constant 10 : i32
        %add3A_686 = arith.addi %mul3A_153, %add3A_685 : i32
        %swap3A_687 = arith.index_cast %add3A_686 : i32 to index
        %swap3A_688 = arith.constant 32 : index
        %swap3A_689 = tpu.vector_load %arg13[%swap3A_687, %swap3A_688] {strides = array<i32>} : memref<128x64xf32, #tpu.memory_space<vmem>>, vector<16xf32>,
        tpu.vector_store %arg13[%swap3A_687, %swap3A_688], %mul3A_684 {strides = array<i32>} : memref<128x64xf32, #tpu.memory_space<vmem>>, vector<16xf32>,
        %add3A_690 = arith.constant 10 : i32
        %add3A_691 = arith.addi %mul3A_153, %add3A_690 : i32
        %get3A_692 = arith.index_cast %add3A_691 : i32 to index
        %get3A_693 = arith.constant 48 : index
        %get3A_694 = tpu.vector_load %arg13[%get3A_692, %get3A_693] {strides = array<i32>} : memref<128x64xf32, #tpu.memory_space<vmem>>, vector<16xf32>,
        %mul3A_695 = vector.broadcast %squeeze3A_653 : f32 to vector<16xf32>
        %mul3A_696 = arith.mulf %get3A_694, %mul3A_695 : vector<16xf32>
        %add3A_697 = arith.constant 10 : i32
        %add3A_698 = arith.addi %mul3A_153, %add3A_697 : i32
        %swap3A_699 = arith.index_cast %add3A_698 : i32 to index
        %swap3A_700 = arith.constant 48 : index
        %swap3A_701 = tpu.vector_load %arg13[%swap3A_699, %swap3A_700] {strides = array<i32>} : memref<128x64xf32, #tpu.memory_space<vmem>>, vector<16xf32>,
        tpu.vector_store %arg13[%swap3A_699, %swap3A_700], %mul3A_696 {strides = array<i32>} : memref<128x64xf32, #tpu.memory_space<vmem>>, vector<16xf32>,
        %slice3A_702 = vector.extract_strided_slice %get3A_151 {offsets = [11], sizes = [1], strides = [1]} : vector<16xf32> to vector<1xf32>
        %squeeze3A_703 = vector.extract %slice3A_702[0] : f32 from vector<1xf32>
        %add3A_704 = arith.constant 11 : i32
        %add3A_705 = arith.addi %mul3A_153, %add3A_704 : i32
        %get3A_706 = arith.index_cast %add3A_705 : i32 to index
        %get3A_707 = arith.constant 0 : index
        %get3A_708 = tpu.vector_load %arg13[%get3A_706, %get3A_707] {strides = array<i32>} : memref<128x64xf32, #tpu.memory_space<vmem>>, vector<16xf32>,
        %mul3A_709 = vector.broadcast %squeeze3A_703 : f32 to vector<16xf32>
        %mul3A_710 = arith.mulf %get3A_708, %mul3A_709 : vector<16xf32>
        %add3A_711 = arith.constant 11 : i32
        %add3A_712 = arith.addi %mul3A_153, %add3A_711 : i32
        %swap3A_713 = arith.index_cast %add3A_712 : i32 to index
        %swap3A_714 = arith.constant 0 : index
        %swap3A_715 = tpu.vector_load %arg13[%swap3A_713, %swap3A_714] {strides = array<i32>} : memref<128x64xf32, #tpu.memory_space<vmem>>, vector<16xf32>,
        tpu.vector_store %arg13[%swap3A_713, %swap3A_714], %mul3A_710 {strides = array<i32>} : memref<128x64xf32, #tpu.memory_space<vmem>>, vector<16xf32>,
        %add3A_716 = arith.constant 11 : i32
        %add3A_717 = arith.addi %mul3A_153, %add3A_716 : i32
        %get3A_718 = arith.index_cast %add3A_717 : i32 to index
        %get3A_719 = arith.constant 16 : index
        %get3A_720 = tpu.vector_load %arg13[%get3A_718, %get3A_719] {strides = array<i32>} : memref<128x64xf32, #tpu.memory_space<vmem>>, vector<16xf32>,
        %mul3A_721 = vector.broadcast %squeeze3A_703 : f32 to vector<16xf32>
        %mul3A_722 = arith.mulf %get3A_720, %mul3A_721 : vector<16xf32>
        %add3A_723 = arith.constant 11 : i32
        %add3A_724 = arith.addi %mul3A_153, %add3A_723 : i32
        %swap3A_725 = arith.index_cast %add3A_724 : i32 to index
        %swap3A_726 = arith.constant 16 : index
        %swap3A_727 = tpu.vector_load %arg13[%swap3A_725, %swap3A_726] {strides = array<i32>} : memref<128x64xf32, #tpu.memory_space<vmem>>, vector<16xf32>,
        tpu.vector_store %arg13[%swap3A_725, %swap3A_726], %mul3A_722 {strides = array<i32>} : memref<128x64xf32, #tpu.memory_space<vmem>>, vector<16xf32>,
        %add3A_728 = arith.constant 11 : i32
        %add3A_729 = arith.addi %mul3A_153, %add3A_728 : i32
        %get3A_730 = arith.index_cast %add3A_729 : i32 to index
        %get3A_731 = arith.constant 32 : index
        %get3A_732 = tpu.vector_load %arg13[%get3A_730, %get3A_731] {strides = array<i32>} : memref<128x64xf32, #tpu.memory_space<vmem>>, vector<16xf32>,
        %mul3A_733 = vector.broadcast %squeeze3A_703 : f32 to vector<16xf32>
        %mul3A_734 = arith.mulf %get3A_732, %mul3A_733 : vector<16xf32>
        %add3A_735 = arith.constant 11 : i32
        %add3A_736 = arith.addi %mul3A_153, %add3A_735 : i32
        %swap3A_737 = arith.index_cast %add3A_736 : i32 to index
        %swap3A_738 = arith.constant 32 : index
        %swap3A_739 = tpu.vector_load %arg13[%swap3A_737, %swap3A_738] {strides = array<i32>} : memref<128x64xf32, #tpu.memory_space<vmem>>, vector<16xf32>,
        tpu.vector_store %arg13[%swap3A_737, %swap3A_738], %mul3A_734 {strides = array<i32>} : memref<128x64xf32, #tpu.memory_space<vmem>>, vector<16xf32>,
        %add3A_740 = arith.constant 11 : i32
        %add3A_741 = arith.addi %mul3A_153, %add3A_740 : i32
        %get3A_742 = arith.index_cast %add3A_741 : i32 to index
        %get3A_743 = arith.constant 48 : index
        %get3A_744 = tpu.vector_load %arg13[%get3A_742, %get3A_743] {strides = array<i32>} : memref<128x64xf32, #tpu.memory_space<vmem>>, vector<16xf32>,
        %mul3A_745 = vector.broadcast %squeeze3A_703 : f32 to vector<16xf32>
        %mul3A_746 = arith.mulf %get3A_744, %mul3A_745 : vector<16xf32>
        %add3A_747 = arith.constant 11 : i32
        %add3A_748 = arith.addi %mul3A_153, %add3A_747 : i32
        %swap3A_749 = arith.index_cast %add3A_748 : i32 to index
        %swap3A_750 = arith.constant 48 : index
        %swap3A_751 = tpu.vector_load %arg13[%swap3A_749, %swap3A_750] {strides = array<i32>} : memref<128x64xf32, #tpu.memory_space<vmem>>, vector<16xf32>,
        tpu.vector_store %arg13[%swap3A_749, %swap3A_750], %mul3A_746 {strides = array<i32>} : memref<128x64xf32, #tpu.memory_space<vmem>>, vector<16xf32>,
        %slice3A_752 = vector.extract_strided_slice %get3A_151 {offsets = [12], sizes = [1], strides = [1]} : vector<16xf32> to vector<1xf32>
        %squeeze3A_753 = vector.extract %slice3A_752[0] : f32 from vector<1xf32>
        %add3A_754 = arith.constant 12 : i32
        %add3A_755 = arith.addi %mul3A_153, %add3A_754 : i32
        %get3A_756 = arith.index_cast %add3A_755 : i32 to index
        %get3A_757 = arith.constant 0 : index
        %get3A_758 = tpu.vector_load %arg13[%get3A_756, %get3A_757] {strides = array<i32>} : memref<128x64xf32, #tpu.memory_space<vmem>>, vector<16xf32>,
        %mul3A_759 = vector.broadcast %squeeze3A_753 : f32 to vector<16xf32>
        %mul3A_760 = arith.mulf %get3A_758, %mul3A_759 : vector<16xf32>
        %add3A_761 = arith.constant 12 : i32
        %add3A_762 = arith.addi %mul3A_153, %add3A_761 : i32
        %swap3A_763 = arith.index_cast %add3A_762 : i32 to index
        %swap3A_764 = arith.constant 0 : index
        %swap3A_765 = tpu.vector_load %arg13[%swap3A_763, %swap3A_764] {strides = array<i32>} : memref<128x64xf32, #tpu.memory_space<vmem>>, vector<16xf32>,
        tpu.vector_store %arg13[%swap3A_763, %swap3A_764], %mul3A_760 {strides = array<i32>} : memref<128x64xf32, #tpu.memory_space<vmem>>, vector<16xf32>,
        %add3A_766 = arith.constant 12 : i32
        %add3A_767 = arith.addi %mul3A_153, %add3A_766 : i32
        %get3A_768 = arith.index_cast %add3A_767 : i32 to index
        %get3A_769 = arith.constant 16 : index
        %get3A_770 = tpu.vector_load %arg13[%get3A_768, %get3A_769] {strides = array<i32>} : memref<128x64xf32, #tpu.memory_space<vmem>>, vector<16xf32>,
        %mul3A_771 = vector.broadcast %squeeze3A_753 : f32 to vector<16xf32>
        %mul3A_772 = arith.mulf %get3A_770, %mul3A_771 : vector<16xf32>
        %add3A_773 = arith.constant 12 : i32
        %add3A_774 = arith.addi %mul3A_153, %add3A_773 : i32
        %swap3A_775 = arith.index_cast %add3A_774 : i32 to index
        %swap3A_776 = arith.constant 16 : index
        %swap3A_777 = tpu.vector_load %arg13[%swap3A_775, %swap3A_776] {strides = array<i32>} : memref<128x64xf32, #tpu.memory_space<vmem>>, vector<16xf32>,
        tpu.vector_store %arg13[%swap3A_775, %swap3A_776], %mul3A_772 {strides = array<i32>} : memref<128x64xf32, #tpu.memory_space<vmem>>, vector<16xf32>,
        %add3A_778 = arith.constant 12 : i32
        %add3A_779 = arith.addi %mul3A_153, %add3A_778 : i32
        %get3A_780 = arith.index_cast %add3A_779 : i32 to index
        %get3A_781 = arith.constant 32 : index
        %get3A_782 = tpu.vector_load %arg13[%get3A_780, %get3A_781] {strides = array<i32>} : memref<128x64xf32, #tpu.memory_space<vmem>>, vector<16xf32>,
        %mul3A_783 = vector.broadcast %squeeze3A_753 : f32 to vector<16xf32>
        %mul3A_784 = arith.mulf %get3A_782, %mul3A_783 : vector<16xf32>
        %add3A_785 = arith.constant 12 : i32
        %add3A_786 = arith.addi %mul3A_153, %add3A_785 : i32
        %swap3A_787 = arith.index_cast %add3A_786 : i32 to index
        %swap3A_788 = arith.constant 32 : index
        %swap3A_789 = tpu.vector_load %arg13[%swap3A_787, %swap3A_788] {strides = array<i32>} : memref<128x64xf32, #tpu.memory_space<vmem>>, vector<16xf32>,
        tpu.vector_store %arg13[%swap3A_787, %swap3A_788], %mul3A_784 {strides = array<i32>} : memref<128x64xf32, #tpu.memory_space<vmem>>, vector<16xf32>,
        %add3A_790 = arith.constant 12 : i32
        %add3A_791 = arith.addi %mul3A_153, %add3A_790 : i32
        %get3A_792 = arith.index_cast %add3A_791 : i32 to index
        %get3A_793 = arith.constant 48 : index
        %get3A_794 = tpu.vector_load %arg13[%get3A_792, %get3A_793] {strides = array<i32>} : memref<128x64xf32, #tpu.memory_space<vmem>>, vector<16xf32>,
        %mul3A_795 = vector.broadcast %squeeze3A_753 : f32 to vector<16xf32>
        %mul3A_796 = arith.mulf %get3A_794, %mul3A_795 : vector<16xf32>
        %add3A_797 = arith.constant 12 : i32
        %add3A_798 = arith.addi %mul3A_153, %add3A_797 : i32
        %swap3A_799 = arith.index_cast %add3A_798 : i32 to index
        %swap3A_800 = arith.constant 48 : index
        %swap3A_801 = tpu.vector_load %arg13[%swap3A_799, %swap3A_800] {strides = array<i32>} : memref<128x64xf32, #tpu.memory_space<vmem>>, vector<16xf32>,
        tpu.vector_store %arg13[%swap3A_799, %swap3A_800], %mul3A_796 {strides = array<i32>} : memref<128x64xf32, #tpu.memory_space<vmem>>, vector<16xf32>,
        %slice3A_802 = vector.extract_strided_slice %get3A_151 {offsets = [13], sizes = [1], strides = [1]} : vector<16xf32> to vector<1xf32>
        %squeeze3A_803 = vector.extract %slice3A_802[0] : f32 from vector<1xf32>
        %add3A_804 = arith.constant 13 : i32
        %add3A_805 = arith.addi %mul3A_153, %add3A_804 : i32
        %get3A_806 = arith.index_cast %add3A_805 : i32 to index
        %get3A_807 = arith.constant 0 : index
        %get3A_808 = tpu.vector_load %arg13[%get3A_806, %get3A_807] {strides = array<i32>} : memref<128x64xf32, #tpu.memory_space<vmem>>, vector<16xf32>,
        %mul3A_809 = vector.broadcast %squeeze3A_803 : f32 to vector<16xf32>
        %mul3A_810 = arith.mulf %get3A_808, %mul3A_809 : vector<16xf32>
        %add3A_811 = arith.constant 13 : i32
        %add3A_812 = arith.addi %mul3A_153, %add3A_811 : i32
        %swap3A_813 = arith.index_cast %add3A_812 : i32 to index
        %swap3A_814 = arith.constant 0 : index
        %swap3A_815 = tpu.vector_load %arg13[%swap3A_813, %swap3A_814] {strides = array<i32>} : memref<128x64xf32, #tpu.memory_space<vmem>>, vector<16xf32>,
        tpu.vector_store %arg13[%swap3A_813, %swap3A_814], %mul3A_810 {strides = array<i32>} : memref<128x64xf32, #tpu.memory_space<vmem>>, vector<16xf32>,
        %add3A_816 = arith.constant 13 : i32
        %add3A_817 = arith.addi %mul3A_153, %add3A_816 : i32
        %get3A_818 = arith.index_cast %add3A_817 : i32 to index
        %get3A_819 = arith.constant 16 : index
        %get3A_820 = tpu.vector_load %arg13[%get3A_818, %get3A_819] {strides = array<i32>} : memref<128x64xf32, #tpu.memory_space<vmem>>, vector<16xf32>,
        %mul3A_821 = vector.broadcast %squeeze3A_803 : f32 to vector<16xf32>
        %mul3A_822 = arith.mulf %get3A_820, %mul3A_821 : vector<16xf32>
        %add3A_823 = arith.constant 13 : i32
        %add3A_824 = arith.addi %mul3A_153, %add3A_823 : i32
        %swap3A_825 = arith.index_cast %add3A_824 : i32 to index
        %swap3A_826 = arith.constant 16 : index
        %swap3A_827 = tpu.vector_load %arg13[%swap3A_825, %swap3A_826] {strides = array<i32>} : memref<128x64xf32, #tpu.memory_space<vmem>>, vector<16xf32>,
        tpu.vector_store %arg13[%swap3A_825, %swap3A_826], %mul3A_822 {strides = array<i32>} : memref<128x64xf32, #tpu.memory_space<vmem>>, vector<16xf32>,
        %add3A_828 = arith.constant 13 : i32
        %add3A_829 = arith.addi %mul3A_153, %add3A_828 : i32
        %get3A_830 = arith.index_cast %add3A_829 : i32 to index
        %get3A_831 = arith.constant 32 : index
        %get3A_832 = tpu.vector_load %arg13[%get3A_830, %get3A_831] {strides = array<i32>} : memref<128x64xf32, #tpu.memory_space<vmem>>, vector<16xf32>,
        %mul3A_833 = vector.broadcast %squeeze3A_803 : f32 to vector<16xf32>
        %mul3A_834 = arith.mulf %get3A_832, %mul3A_833 : vector<16xf32>
        %add3A_835 = arith.constant 13 : i32
        %add3A_836 = arith.addi %mul3A_153, %add3A_835 : i32
        %swap3A_837 = arith.index_cast %add3A_836 : i32 to index
        %swap3A_838 = arith.constant 32 : index
        %swap3A_839 = tpu.vector_load %arg13[%swap3A_837, %swap3A_838] {strides = array<i32>} : memref<128x64xf32, #tpu.memory_space<vmem>>, vector<16xf32>,
        tpu.vector_store %arg13[%swap3A_837, %swap3A_838], %mul3A_834 {strides = array<i32>} : memref<128x64xf32, #tpu.memory_space<vmem>>, vector<16xf32>,
        %add3A_840 = arith.constant 13 : i32
        %add3A_841 = arith.addi %mul3A_153, %add3A_840 : i32
        %get3A_842 = arith.index_cast %add3A_841 : i32 to index
        %get3A_843 = arith.constant 48 : index
        %get3A_844 = tpu.vector_load %arg13[%get3A_842, %get3A_843] {strides = array<i32>} : memref<128x64xf32, #tpu.memory_space<vmem>>, vector<16xf32>,
        %mul3A_845 = vector.broadcast %squeeze3A_803 : f32 to vector<16xf32>
        %mul3A_846 = arith.mulf %get3A_844, %mul3A_845 : vector<16xf32>
        %add3A_847 = arith.constant 13 : i32
        %add3A_848 = arith.addi %mul3A_153, %add3A_847 : i32
        %swap3A_849 = arith.index_cast %add3A_848 : i32 to index
        %swap3A_850 = arith.constant 48 : index
        %swap3A_851 = tpu.vector_load %arg13[%swap3A_849, %swap3A_850] {strides = array<i32>} : memref<128x64xf32, #tpu.memory_space<vmem>>, vector<16xf32>,
        tpu.vector_store %arg13[%swap3A_849, %swap3A_850], %mul3A_846 {strides = array<i32>} : memref<128x64xf32, #tpu.memory_space<vmem>>, vector<16xf32>,
        %slice3A_852 = vector.extract_strided_slice %get3A_151 {offsets = [14], sizes = [1], strides = [1]} : vector<16xf32> to vector<1xf32>
        %squeeze3A_853 = vector.extract %slice3A_852[0] : f32 from vector<1xf32>
        %add3A_854 = arith.constant 14 : i32
        %add3A_855 = arith.addi %mul3A_153, %add3A_854 : i32
        %get3A_856 = arith.index_cast %add3A_855 : i32 to index
        %get3A_857 = arith.constant 0 : index
        %get3A_858 = tpu.vector_load %arg13[%get3A_856, %get3A_857] {strides = array<i32>} : memref<128x64xf32, #tpu.memory_space<vmem>>, vector<16xf32>,
        %mul3A_859 = vector.broadcast %squeeze3A_853 : f32 to vector<16xf32>
        %mul3A_860 = arith.mulf %get3A_858, %mul3A_859 : vector<16xf32>
        %add3A_861 = arith.constant 14 : i32
        %add3A_862 = arith.addi %mul3A_153, %add3A_861 : i32
        %swap3A_863 = arith.index_cast %add3A_862 : i32 to index
        %swap3A_864 = arith.constant 0 : index
        %swap3A_865 = tpu.vector_load %arg13[%swap3A_863, %swap3A_864] {strides = array<i32>} : memref<128x64xf32, #tpu.memory_space<vmem>>, vector<16xf32>,
        tpu.vector_store %arg13[%swap3A_863, %swap3A_864], %mul3A_860 {strides = array<i32>} : memref<128x64xf32, #tpu.memory_space<vmem>>, vector<16xf32>,
        %add3A_866 = arith.constant 14 : i32
        %add3A_867 = arith.addi %mul3A_153, %add3A_866 : i32
        %get3A_868 = arith.index_cast %add3A_867 : i32 to index
        %get3A_869 = arith.constant 16 : index
        %get3A_870 = tpu.vector_load %arg13[%get3A_868, %get3A_869] {strides = array<i32>} : memref<128x64xf32, #tpu.memory_space<vmem>>, vector<16xf32>,
        %mul3A_871 = vector.broadcast %squeeze3A_853 : f32 to vector<16xf32>
        %mul3A_872 = arith.mulf %get3A_870, %mul3A_871 : vector<16xf32>
        %add3A_873 = arith.constant 14 : i32
        %add3A_874 = arith.addi %mul3A_153, %add3A_873 : i32
        %swap3A_875 = arith.index_cast %add3A_874 : i32 to index
        %swap3A_876 = arith.constant 16 : index
        %swap3A_877 = tpu.vector_load %arg13[%swap3A_875, %swap3A_876] {strides = array<i32>} : memref<128x64xf32, #tpu.memory_space<vmem>>, vector<16xf32>,
        tpu.vector_store %arg13[%swap3A_875, %swap3A_876], %mul3A_872 {strides = array<i32>} : memref<128x64xf32, #tpu.memory_space<vmem>>, vector<16xf32>,
        %add3A_878 = arith.constant 14 : i32
        %add3A_879 = arith.addi %mul3A_153, %add3A_878 : i32
        %get3A_880 = arith.index_cast %add3A_879 : i32 to index
        %get3A_881 = arith.constant 32 : index
        %get3A_882 = tpu.vector_load %arg13[%get3A_880, %get3A_881] {strides = array<i32>} : memref<128x64xf32, #tpu.memory_space<vmem>>, vector<16xf32>,
        %mul3A_883 = vector.broadcast %squeeze3A_853 : f32 to vector<16xf32>
        %mul3A_884 = arith.mulf %get3A_882, %mul3A_883 : vector<16xf32>
        %add3A_885 = arith.constant 14 : i32
        %add3A_886 = arith.addi %mul3A_153, %add3A_885 : i32
        %swap3A_887 = arith.index_cast %add3A_886 : i32 to index
        %swap3A_888 = arith.constant 32 : index
        %swap3A_889 = tpu.vector_load %arg13[%swap3A_887, %swap3A_888] {strides = array<i32>} : memref<128x64xf32, #tpu.memory_space<vmem>>, vector<16xf32>,
        tpu.vector_store %arg13[%swap3A_887, %swap3A_888], %mul3A_884 {strides = array<i32>} : memref<128x64xf32, #tpu.memory_space<vmem>>, vector<16xf32>,
        %add3A_890 = arith.constant 14 : i32
        %add3A_891 = arith.addi %mul3A_153, %add3A_890 : i32
        %get3A_892 = arith.index_cast %add3A_891 : i32 to index
        %get3A_893 = arith.constant 48 : index
        %get3A_894 = tpu.vector_load %arg13[%get3A_892, %get3A_893] {strides = array<i32>} : memref<128x64xf32, #tpu.memory_space<vmem>>, vector<16xf32>,
        %mul3A_895 = vector.broadcast %squeeze3A_853 : f32 to vector<16xf32>
        %mul3A_896 = arith.mulf %get3A_894, %mul3A_895 : vector<16xf32>
        %add3A_897 = arith.constant 14 : i32
        %add3A_898 = arith.addi %mul3A_153, %add3A_897 : i32
        %swap3A_899 = arith.index_cast %add3A_898 : i32 to index
        %swap3A_900 = arith.constant 48 : index
        %swap3A_901 = tpu.vector_load %arg13[%swap3A_899, %swap3A_900] {strides = array<i32>} : memref<128x64xf32, #tpu.memory_space<vmem>>, vector<16xf32>,
        tpu.vector_store %arg13[%swap3A_899, %swap3A_900], %mul3A_896 {strides = array<i32>} : memref<128x64xf32, #tpu.memory_space<vmem>>, vector<16xf32>,
        %slice3A_902 = vector.extract_strided_slice %get3A_151 {offsets = [15], sizes = [1], strides = [1]} : vector<16xf32> to vector<1xf32>
        %squeeze3A_903 = vector.extract %slice3A_902[0] : f32 from vector<1xf32>
        %add3A_904 = arith.constant 15 : i32
        %add3A_905 = arith.addi %mul3A_153, %add3A_904 : i32
        %get3A_906 = arith.index_cast %add3A_905 : i32 to index
        %get3A_907 = arith.constant 0 : index
        %get3A_908 = tpu.vector_load %arg13[%get3A_906, %get3A_907] {strides = array<i32>} : memref<128x64xf32, #tpu.memory_space<vmem>>, vector<16xf32>,
        %mul3A_909 = vector.broadcast %squeeze3A_903 : f32 to vector<16xf32>
        %mul3A_910 = arith.mulf %get3A_908, %mul3A_909 : vector<16xf32>
        %add3A_911 = arith.constant 15 : i32
        %add3A_912 = arith.addi %mul3A_153, %add3A_911 : i32
        %swap3A_913 = arith.index_cast %add3A_912 : i32 to index
        %swap3A_914 = arith.constant 0 : index
        %swap3A_915 = tpu.vector_load %arg13[%swap3A_913, %swap3A_914] {strides = array<i32>} : memref<128x64xf32, #tpu.memory_space<vmem>>, vector<16xf32>,
        tpu.vector_store %arg13[%swap3A_913, %swap3A_914], %mul3A_910 {strides = array<i32>} : memref<128x64xf32, #tpu.memory_space<vmem>>, vector<16xf32>,
        %add3A_916 = arith.constant 15 : i32
        %add3A_917 = arith.addi %mul3A_153, %add3A_916 : i32
        %get3A_918 = arith.index_cast %add3A_917 : i32 to index
        %get3A_919 = arith.constant 16 : index
        %get3A_920 = tpu.vector_load %arg13[%get3A_918, %get3A_919] {strides = array<i32>} : memref<128x64xf32, #tpu.memory_space<vmem>>, vector<16xf32>,
        %mul3A_921 = vector.broadcast %squeeze3A_903 : f32 to vector<16xf32>
        %mul3A_922 = arith.mulf %get3A_920, %mul3A_921 : vector<16xf32>
        %add3A_923 = arith.constant 15 : i32
        %add3A_924 = arith.addi %mul3A_153, %add3A_923 : i32
        %swap3A_925 = arith.index_cast %add3A_924 : i32 to index
        %swap3A_926 = arith.constant 16 : index
        %swap3A_927 = tpu.vector_load %arg13[%swap3A_925, %swap3A_926] {strides = array<i32>} : memref<128x64xf32, #tpu.memory_space<vmem>>, vector<16xf32>,
        tpu.vector_store %arg13[%swap3A_925, %swap3A_926], %mul3A_922 {strides = array<i32>} : memref<128x64xf32, #tpu.memory_space<vmem>>, vector<16xf32>,
        %add3A_928 = arith.constant 15 : i32
        %add3A_929 = arith.addi %mul3A_153, %add3A_928 : i32
        %get3A_930 = arith.index_cast %add3A_929 : i32 to index
        %get3A_931 = arith.constant 32 : index
        %get3A_932 = tpu.vector_load %arg13[%get3A_930, %get3A_931] {strides = array<i32>} : memref<128x64xf32, #tpu.memory_space<vmem>>, vector<16xf32>,
        %mul3A_933 = vector.broadcast %squeeze3A_903 : f32 to vector<16xf32>
        %mul3A_934 = arith.mulf %get3A_932, %mul3A_933 : vector<16xf32>
        %add3A_935 = arith.constant 15 : i32
        %add3A_936 = arith.addi %mul3A_153, %add3A_935 : i32
        %swap3A_937 = arith.index_cast %add3A_936 : i32 to index
        %swap3A_938 = arith.constant 32 : index
        %swap3A_939 = tpu.vector_load %arg13[%swap3A_937, %swap3A_938] {strides = array<i32>} : memref<128x64xf32, #tpu.memory_space<vmem>>, vector<16xf32>,
        tpu.vector_store %arg13[%swap3A_937, %swap3A_938], %mul3A_934 {strides = array<i32>} : memref<128x64xf32, #tpu.memory_space<vmem>>, vector<16xf32>,
        %add3A_940 = arith.constant 15 : i32
        %add3A_941 = arith.addi %mul3A_153, %add3A_940 : i32
        %get3A_942 = arith.index_cast %add3A_941 : i32 to index
        %get3A_943 = arith.constant 48 : index
        %get3A_944 = tpu.vector_load %arg13[%get3A_942, %get3A_943] {strides = array<i32>} : memref<128x64xf32, #tpu.memory_space<vmem>>, vector<16xf32>,
        %mul3A_945 = vector.broadcast %squeeze3A_903 : f32 to vector<16xf32>
        %mul3A_946 = arith.mulf %get3A_944, %mul3A_945 : vector<16xf32>
        %add3A_947 = arith.constant 15 : i32
        %add3A_948 = arith.addi %mul3A_153, %add3A_947 : i32
        %swap3A_949 = arith.index_cast %add3A_948 : i32 to index
        %swap3A_950 = arith.constant 48 : index
        %swap3A_951 = tpu.vector_load %arg13[%swap3A_949, %swap3A_950] {strides = array<i32>} : memref<128x64xf32, #tpu.memory_space<vmem>>, vector<16xf32>,
        tpu.vector_store %arg13[%swap3A_949, %swap3A_950], %mul3A_946 {strides = array<i32>} : memref<128x64xf32, #tpu.memory_space<vmem>>, vector<16xf32>,
      }
      %scan3A_146 = arith.constant 8 : i32
      "tpu.region"() ({
        %run_scoped3A = tpu.sem_alloc : memref<!tpu.dma_semaphore, #tpu.memory_space<semaphore_mem>>
        %dma_start3A_147 = arith.constant 0 : i32
        %dma_start3A_148 = tpu.memref_slice %arg10[%scan3A_13, %dma_start3A_147] : memref<81x128xi32, #tpu.memory_space<vmem>> -> memref<1x128xi32, #tpu.memory_space<vmem>>
        %dma_start3A_149 = tpu.memref_squeeze %dma_start3A_148 : memref<1x128xi32, #tpu.memory_space<vmem>> -> memref<128xi32, #tpu.memory_space<vmem>>
        %dma_start3A_150 = arith.constant 0 : i32
        %dma_start3A_151 = arith.constant 0 : i32
        %dma_start3A_152 = tpu.memref_slice %arg15[%dma_start3A_150, %dma_start3A_151] : memref<10240x64xf32, #tpu.memory_space<vmem_shared>> -> memref<10240x64xf32, #tpu.memory_space<vmem_shared>>
        tpu.enqueue_indirect_dma source(%arg13 : memref<128x64xf32, #tpu.memory_space<vmem>>) target(%dma_start3A_152 : memref<10240x64xf32, #tpu.memory_space<vmem_shared>>) offsets(%dma_start3A_149 : memref<128xi32, #tpu.memory_space<vmem>>) semaphore(%run_scoped3A : memref<!tpu.dma_semaphore, #tpu.memory_space<semaphore_mem>>) {add = true}
        %dma_wait3A_153 = arith.constant 0 : i32
        %dma_wait3A_154 = tpu.memref_slice %arg10[%scan3A_13, %dma_wait3A_153] : memref<81x128xi32, #tpu.memory_space<vmem>> -> memref<1x128xi32, #tpu.memory_space<vmem>>
        %dma_wait3A_155 = tpu.memref_squeeze %dma_wait3A_154 : memref<1x128xi32, #tpu.memory_space<vmem>> -> memref<128xi32, #tpu.memory_space<vmem>>
        %dma_wait3A_156 = arith.constant 0 : i32
        %dma_wait3A_157 = arith.constant 0 : i32
        %dma_wait3A_158 = tpu.memref_slice %arg15[%dma_wait3A_156, %dma_wait3A_157] : memref<10240x64xf32, #tpu.memory_space<vmem_shared>> -> memref<10240x64xf32, #tpu.memory_space<vmem_shared>>
        tpu.wait_indirect_dma semaphore(%run_scoped3A : memref<!tpu.dma_semaphore, #tpu.memory_space<semaphore_mem>>) src(%arg13 : memref<128x64xf32, #tpu.memory_space<vmem>>) dst(%dma_wait3A_158 : memref<10240x64xf32, #tpu.memory_space<vmem_shared>>)
        tpu.yield
      }) : () -> ()
    }
    %scan3A_7 = arith.constant 81 : i32
    %barrier3A_8 = arith.constant 0 : index
    tpu.barrier barrier_id(%barrier3A_8)
    %mul3A_9 = arith.constant 640 : i32
    %mul3A_10 = arith.muli %arg1, %mul3A_9 : i32
    %mul3A_11 = arith.constant 640 : i32
    %mul3A_12 = arith.muli %arg1, %mul3A_11 : i32
    "tpu.region"() ({
      %run_scoped3A = tpu.sem_alloc : memref<!tpu.dma_semaphore, #tpu.memory_space<semaphore_mem>>
      %dma_start3A = arith.constant 0 : i32
      %dma_start3A_13 = tpu.memref_slice %arg8[%arg0, %mul3A_12, %dma_start3A] : memref<2x10240x64xf32, #tpu.memory_space<hbm>> -> memref<1x640x64xf32, #tpu.memory_space<hbm>>
      %dma_start3A_14 = tpu.memref_squeeze %dma_start3A_13 : memref<1x640x64xf32, #tpu.memory_space<hbm>> -> memref<640x64xf32, #tpu.memory_space<hbm>>
      %dma_start3A_15 = arith.constant 0 : i32
      %dma_start3A_16 = tpu.memref_slice %arg15[%mul3A_10, %dma_start3A_15] : memref<10240x64xf32, #tpu.memory_space<vmem_shared>> -> memref<640x64xf32, #tpu.memory_space<vmem_shared>>
      tpu.enqueue_dma source(%dma_start3A_16 : memref<640x64xf32, #tpu.memory_space<vmem_shared>>) target(%dma_start3A_14 : memref<640x64xf32, #tpu.memory_space<hbm>>) target_semaphore(%run_scoped3A : memref<!tpu.dma_semaphore, #tpu.memory_space<semaphore_mem>>)
      %dma_wait3A = arith.constant 0 : i32
      %dma_wait3A_17 = tpu.memref_slice %arg8[%arg0, %mul3A_12, %dma_wait3A] : memref<2x10240x64xf32, #tpu.memory_space<hbm>> -> memref<1x640x64xf32, #tpu.memory_space<hbm>>
      %dma_wait3A_18 = tpu.memref_squeeze %dma_wait3A_17 : memref<1x640x64xf32, #tpu.memory_space<hbm>> -> memref<640x64xf32, #tpu.memory_space<hbm>>
      %dma_wait3A_19 = arith.constant 0 : i32
      %dma_wait3A_20 = tpu.memref_slice %arg15[%mul3A_10, %dma_wait3A_19] : memref<10240x64xf32, #tpu.memory_space<vmem_shared>> -> memref<640x64xf32, #tpu.memory_space<vmem_shared>>
      tpu.wait_dma2 semaphore(%run_scoped3A : memref<!tpu.dma_semaphore, #tpu.memory_space<semaphore_mem>>) src(%dma_wait3A_20 : memref<640x64xf32, #tpu.memory_space<vmem_shared>>) dst(%dma_wait3A_18 : memref<640x64xf32, #tpu.memory_space<hbm>>)
      tpu.yield
    }) : () -> ()
    return
  }
}

#map = affine_map<(d0, d1) -> (0, 0)>
#map1 = affine_map<(d0, d1) -> (0, 0, 0)>
#map2 = affine_map<(d0, d1) -> (0)>
module attributes {stable_mosaic.version = 14 : i64} {
  func.func @_edge_kernel(%arg0: i32, %arg1: i32, %arg2: memref<10240x64xf32, #tpu.memory_space<hbm>>, %arg3: memref<32x81x128xi32, #tpu.memory_space<hbm>>, %arg4: memref<32x81x128xi32, #tpu.memory_space<hbm>>, %arg5: memref<32x81x128xf32, #tpu.memory_space<hbm>>, %arg6: memref<10240xf32, #tpu.memory_space<hbm>>, %arg7: memref<640x64xf32, #tpu.memory_space<hbm>>, %arg8: memref<2x10240x64xf32, #tpu.memory_space<hbm>>, %arg9: memref<81x128xi32, #tpu.memory_space<vmem>>, %arg10: memref<81x128xi32, #tpu.memory_space<vmem>>, %arg11: memref<81x128xf32, #tpu.memory_space<vmem>>, %arg12: memref<10240xf32, #tpu.memory_space<vmem>>, %arg13: memref<128x64xf32, #tpu.memory_space<vmem>>, %arg14: memref<128xf32, #tpu.memory_space<vmem>>, %arg15: memref<10240x64xf32, #tpu.memory_space<vmem_shared>>, %arg16: memref<!tpu.dma_semaphore, #tpu.memory_space<semaphore_mem>>) attributes {dimension_semantics = [#tpu.dimension_semantics<core_parallel>, #tpu.dimension_semantics<subcore_parallel>], iteration_bounds = array<i64: 2, 16>, scalar_prefetch = 0 : i64, scratch_operands = 8 : i64, tpu.core_type = #tpu.core_type<sc_vector_subcore>, window_params = [{transform_indices = #map}, {transform_indices = #map1}, {transform_indices = #map1}, {transform_indices = #map1}, {transform_indices = #map2}, {transform_indices = #map}, {transform_indices = #map1}]} {
    %mul3A = arith.constant 2 : i32
    %mul3A_0 = arith.muli %arg1, %mul3A : i32
    %add3A = arith.addi %mul3A_0, %arg0 : i32
    "tpu.region"() ({
      %run_scoped3A = tpu.sem_alloc : memref<!tpu.dma_semaphore, #tpu.memory_space<semaphore_mem>>
      %dma_start3A = arith.constant 0 : i32
      %dma_start3A_13 = arith.constant 0 : i32
      %dma_start3A_14 = tpu.memref_slice %arg3[%add3A, %dma_start3A, %dma_start3A_13] : memref<32x81x128xi32, #tpu.memory_space<hbm>> -> memref<1x81x128xi32, #tpu.memory_space<hbm>>
      %dma_start3A_15 = tpu.memref_squeeze %dma_start3A_14 : memref<1x81x128xi32, #tpu.memory_space<hbm>> -> memref<81x128xi32, #tpu.memory_space<hbm>>
      %dma_start3A_16 = arith.constant 0 : i32
      %dma_start3A_17 = arith.constant 0 : i32
      %dma_start3A_18 = tpu.memref_slice %arg3[%add3A, %dma_start3A_16, %dma_start3A_17] : memref<32x81x128xi32, #tpu.memory_space<hbm>> -> memref<1x81x128xi32, #tpu.memory_space<hbm>>
      %dma_start3A_19 = tpu.memref_squeeze %dma_start3A_18 : memref<1x81x128xi32, #tpu.memory_space<hbm>> -> memref<81x128xi32, #tpu.memory_space<hbm>>
      tpu.enqueue_dma source(%dma_start3A_19 : memref<81x128xi32, #tpu.memory_space<hbm>>) target(%arg9 : memref<81x128xi32, #tpu.memory_space<vmem>>) target_semaphore(%run_scoped3A : memref<!tpu.dma_semaphore, #tpu.memory_space<semaphore_mem>>)
      %dma_wait3A = arith.constant 0 : i32
      %dma_wait3A_20 = arith.constant 0 : i32
      %dma_wait3A_21 = tpu.memref_slice %arg3[%add3A, %dma_wait3A, %dma_wait3A_20] : memref<32x81x128xi32, #tpu.memory_space<hbm>> -> memref<1x81x128xi32, #tpu.memory_space<hbm>>
      %dma_wait3A_22 = tpu.memref_squeeze %dma_wait3A_21 : memref<1x81x128xi32, #tpu.memory_space<hbm>> -> memref<81x128xi32, #tpu.memory_space<hbm>>
      %dma_wait3A_23 = arith.constant 0 : i32
      %dma_wait3A_24 = arith.constant 0 : i32
      %dma_wait3A_25 = tpu.memref_slice %arg3[%add3A, %dma_wait3A_23, %dma_wait3A_24] : memref<32x81x128xi32, #tpu.memory_space<hbm>> -> memref<1x81x128xi32, #tpu.memory_space<hbm>>
      %dma_wait3A_26 = tpu.memref_squeeze %dma_wait3A_25 : memref<1x81x128xi32, #tpu.memory_space<hbm>> -> memref<81x128xi32, #tpu.memory_space<hbm>>
      tpu.wait_dma2 semaphore(%run_scoped3A : memref<!tpu.dma_semaphore, #tpu.memory_space<semaphore_mem>>) src(%dma_wait3A_26 : memref<81x128xi32, #tpu.memory_space<hbm>>) dst(%arg9 : memref<81x128xi32, #tpu.memory_space<vmem>>)
      tpu.yield
    }) : () -> ()
    "tpu.region"() ({
      %run_scoped3A = tpu.sem_alloc : memref<!tpu.dma_semaphore, #tpu.memory_space<semaphore_mem>>
      %dma_start3A = arith.constant 0 : i32
      %dma_start3A_13 = arith.constant 0 : i32
      %dma_start3A_14 = tpu.memref_slice %arg4[%add3A, %dma_start3A, %dma_start3A_13] : memref<32x81x128xi32, #tpu.memory_space<hbm>> -> memref<1x81x128xi32, #tpu.memory_space<hbm>>
      %dma_start3A_15 = tpu.memref_squeeze %dma_start3A_14 : memref<1x81x128xi32, #tpu.memory_space<hbm>> -> memref<81x128xi32, #tpu.memory_space<hbm>>
      %dma_start3A_16 = arith.constant 0 : i32
      %dma_start3A_17 = arith.constant 0 : i32
      %dma_start3A_18 = tpu.memref_slice %arg4[%add3A, %dma_start3A_16, %dma_start3A_17] : memref<32x81x128xi32, #tpu.memory_space<hbm>> -> memref<1x81x128xi32, #tpu.memory_space<hbm>>
      %dma_start3A_19 = tpu.memref_squeeze %dma_start3A_18 : memref<1x81x128xi32, #tpu.memory_space<hbm>> -> memref<81x128xi32, #tpu.memory_space<hbm>>
      tpu.enqueue_dma source(%dma_start3A_19 : memref<81x128xi32, #tpu.memory_space<hbm>>) target(%arg10 : memref<81x128xi32, #tpu.memory_space<vmem>>) target_semaphore(%run_scoped3A : memref<!tpu.dma_semaphore, #tpu.memory_space<semaphore_mem>>)
      %dma_wait3A = arith.constant 0 : i32
      %dma_wait3A_20 = arith.constant 0 : i32
      %dma_wait3A_21 = tpu.memref_slice %arg4[%add3A, %dma_wait3A, %dma_wait3A_20] : memref<32x81x128xi32, #tpu.memory_space<hbm>> -> memref<1x81x128xi32, #tpu.memory_space<hbm>>
      %dma_wait3A_22 = tpu.memref_squeeze %dma_wait3A_21 : memref<1x81x128xi32, #tpu.memory_space<hbm>> -> memref<81x128xi32, #tpu.memory_space<hbm>>
      %dma_wait3A_23 = arith.constant 0 : i32
      %dma_wait3A_24 = arith.constant 0 : i32
      %dma_wait3A_25 = tpu.memref_slice %arg4[%add3A, %dma_wait3A_23, %dma_wait3A_24] : memref<32x81x128xi32, #tpu.memory_space<hbm>> -> memref<1x81x128xi32, #tpu.memory_space<hbm>>
      %dma_wait3A_26 = tpu.memref_squeeze %dma_wait3A_25 : memref<1x81x128xi32, #tpu.memory_space<hbm>> -> memref<81x128xi32, #tpu.memory_space<hbm>>
      tpu.wait_dma2 semaphore(%run_scoped3A : memref<!tpu.dma_semaphore, #tpu.memory_space<semaphore_mem>>) src(%dma_wait3A_26 : memref<81x128xi32, #tpu.memory_space<hbm>>) dst(%arg10 : memref<81x128xi32, #tpu.memory_space<vmem>>)
      tpu.yield
    }) : () -> ()
    "tpu.region"() ({
      %run_scoped3A = tpu.sem_alloc : memref<!tpu.dma_semaphore, #tpu.memory_space<semaphore_mem>>
      %dma_start3A = arith.constant 0 : i32
      %dma_start3A_13 = arith.constant 0 : i32
      %dma_start3A_14 = tpu.memref_slice %arg5[%add3A, %dma_start3A, %dma_start3A_13] : memref<32x81x128xf32, #tpu.memory_space<hbm>> -> memref<1x81x128xf32, #tpu.memory_space<hbm>>
      %dma_start3A_15 = tpu.memref_squeeze %dma_start3A_14 : memref<1x81x128xf32, #tpu.memory_space<hbm>> -> memref<81x128xf32, #tpu.memory_space<hbm>>
      %dma_start3A_16 = arith.constant 0 : i32
      %dma_start3A_17 = arith.constant 0 : i32
      %dma_start3A_18 = tpu.memref_slice %arg5[%add3A, %dma_start3A_16, %dma_start3A_17] : memref<32x81x128xf32, #tpu.memory_space<hbm>> -> memref<1x81x128xf32, #tpu.memory_space<hbm>>
      %dma_start3A_19 = tpu.memref_squeeze %dma_start3A_18 : memref<1x81x128xf32, #tpu.memory_space<hbm>> -> memref<81x128xf32, #tpu.memory_space<hbm>>
      tpu.enqueue_dma source(%dma_start3A_19 : memref<81x128xf32, #tpu.memory_space<hbm>>) target(%arg11 : memref<81x128xf32, #tpu.memory_space<vmem>>) target_semaphore(%run_scoped3A : memref<!tpu.dma_semaphore, #tpu.memory_space<semaphore_mem>>)
      %dma_wait3A = arith.constant 0 : i32
      %dma_wait3A_20 = arith.constant 0 : i32
      %dma_wait3A_21 = tpu.memref_slice %arg5[%add3A, %dma_wait3A, %dma_wait3A_20] : memref<32x81x128xf32, #tpu.memory_space<hbm>> -> memref<1x81x128xf32, #tpu.memory_space<hbm>>
      %dma_wait3A_22 = tpu.memref_squeeze %dma_wait3A_21 : memref<1x81x128xf32, #tpu.memory_space<hbm>> -> memref<81x128xf32, #tpu.memory_space<hbm>>
      %dma_wait3A_23 = arith.constant 0 : i32
      %dma_wait3A_24 = arith.constant 0 : i32
      %dma_wait3A_25 = tpu.memref_slice %arg5[%add3A, %dma_wait3A_23, %dma_wait3A_24] : memref<32x81x128xf32, #tpu.memory_space<hbm>> -> memref<1x81x128xf32, #tpu.memory_space<hbm>>
      %dma_wait3A_26 = tpu.memref_squeeze %dma_wait3A_25 : memref<1x81x128xf32, #tpu.memory_space<hbm>> -> memref<81x128xf32, #tpu.memory_space<hbm>>
      tpu.wait_dma2 semaphore(%run_scoped3A : memref<!tpu.dma_semaphore, #tpu.memory_space<semaphore_mem>>) src(%dma_wait3A_26 : memref<81x128xf32, #tpu.memory_space<hbm>>) dst(%arg11 : memref<81x128xf32, #tpu.memory_space<vmem>>)
      tpu.yield
    }) : () -> ()
    "tpu.region"() ({
      %run_scoped3A = tpu.sem_alloc : memref<!tpu.dma_semaphore, #tpu.memory_space<semaphore_mem>>
      tpu.enqueue_dma source(%arg6 : memref<10240xf32, #tpu.memory_space<hbm>>) target(%arg12 : memref<10240xf32, #tpu.memory_space<vmem>>) target_semaphore(%run_scoped3A : memref<!tpu.dma_semaphore, #tpu.memory_space<semaphore_mem>>)
      tpu.wait_dma2 semaphore(%run_scoped3A : memref<!tpu.dma_semaphore, #tpu.memory_space<semaphore_mem>>) src(%arg6 : memref<10240xf32, #tpu.memory_space<hbm>>) dst(%arg12 : memref<10240xf32, #tpu.memory_space<vmem>>)
      tpu.yield
    }) : () -> ()
    %mul3A_1 = arith.constant 640 : i32
    %mul3A_2 = arith.muli %arg1, %mul3A_1 : i32
    "tpu.region"() ({
      %run_scoped3A = tpu.sem_alloc : memref<!tpu.dma_semaphore, #tpu.memory_space<semaphore_mem>>
      %dma_start3A = arith.constant 0 : i32
      %dma_start3A_13 = tpu.memref_slice %arg15[%mul3A_2, %dma_start3A] : memref<10240x64xf32, #tpu.memory_space<vmem_shared>> -> memref<640x64xf32, #tpu.memory_space<vmem_shared>>
      tpu.enqueue_dma source(%arg7 : memref<640x64xf32, #tpu.memory_space<hbm>>) target(%dma_start3A_13 : memref<640x64xf32, #tpu.memory_space<vmem_shared>>) target_semaphore(%run_scoped3A : memref<!tpu.dma_semaphore, #tpu.memory_space<semaphore_mem>>)
      %dma_wait3A = arith.constant 0 : i32
      %dma_wait3A_14 = tpu.memref_slice %arg15[%mul3A_2, %dma_wait3A] : memref<10240x64xf32, #tpu.memory_space<vmem_shared>> -> memref<640x64xf32, #tpu.memory_space<vmem_shared>>
      tpu.wait_dma2 semaphore(%run_scoped3A : memref<!tpu.dma_semaphore, #tpu.memory_space<semaphore_mem>>) src(%arg7 : memref<640x64xf32, #tpu.memory_space<hbm>>) dst(%dma_wait3A_14 : memref<640x64xf32, #tpu.memory_space<vmem_shared>>)
      tpu.yield
    }) : () -> ()
    %barrier3A = arith.constant 0 : index
    tpu.barrier barrier_id(%barrier3A)
    %scan3A = arith.constant 0 : i32
    %scan3A_3 = arith.constant 0 : i32
    %scan3A_4 = arith.constant 81 : i32
    %scan3A_5 = arith.addi %scan3A_3, %scan3A_4 : i32
    %scan3A_6 = arith.constant 1 : i32
    scf.for %scan3A_13 = %scan3A_3 to %scan3A_5 step %scan3A_6  : i32 {
      %get3A = arith.index_cast %scan3A_13 : i32 to index
      %get3A_14 = arith.constant 0 : index
      %get3A_15 = tpu.vector_load %arg9[%get3A, %get3A_14] {strides = array<i32>} : memref<81x128xi32, #tpu.memory_space<vmem>>, vector<16xi32>,
      %get3A_16 = arith.index_cast %scan3A_13 : i32 to index
      %get3A_17 = arith.constant 0 : index
      %get3A_18 = tpu.vector_load %arg10[%get3A_16, %get3A_17] {strides = array<i32>} : memref<81x128xi32, #tpu.memory_space<vmem>>, vector<16xi32>,
      %get3A_19 = arith.index_cast %scan3A_13 : i32 to index
      %get3A_20 = arith.constant 0 : index
      %get3A_21 = tpu.vector_load %arg11[%get3A_19, %get3A_20] {strides = array<i32>} : memref<81x128xf32, #tpu.memory_space<vmem>>, vector<16xf32>,
      %gather3A = tpu.vector_load_idx %arg12[%get3A_15] : memref<10240xf32, #tpu.memory_space<vmem>>[vector<16xi32>], vector<16xf32>,
      %mul3A_22 = arith.mulf %gather3A, %get3A_21 : vector<16xf32>
      %gather3A_23 = tpu.vector_load_idx %arg12[%get3A_18] : memref<10240xf32, #tpu.memory_space<vmem>>[vector<16xi32>], vector<16xf32>,
      %mul3A_24 = arith.mulf %mul3A_22, %gather3A_23 : vector<16xf32>
      %swap3A = arith.constant 0 : index
      %swap3A_25 = tpu.vector_load %arg14[%swap3A] {strides = array<i32>} : memref<128xf32, #tpu.memory_space<vmem>>, vector<16xf32>,
      tpu.vector_store %arg14[%swap3A], %mul3A_24 {strides = array<i32>} : memref<128xf32, #tpu.memory_space<vmem>>, vector<16xf32>,
      %get3A_26 = arith.index_cast %scan3A_13 : i32 to index
      %get3A_27 = arith.constant 16 : index
      %get3A_28 = tpu.vector_load %arg9[%get3A_26, %get3A_27] {strides = array<i32>} : memref<81x128xi32, #tpu.memory_space<vmem>>, vector<16xi32>,
      %get3A_29 = arith.index_cast %scan3A_13 : i32 to index
      %get3A_30 = arith.constant 16 : index
      %get3A_31 = tpu.vector_load %arg10[%get3A_29, %get3A_30] {strides = array<i32>} : memref<81x128xi32, #tpu.memory_space<vmem>>, vector<16xi32>,
      %get3A_32 = arith.index_cast %scan3A_13 : i32 to index
      %get3A_33 = arith.constant 16 : index
      %get3A_34 = tpu.vector_load %arg11[%get3A_32, %get3A_33] {strides = array<i32>} : memref<81x128xf32, #tpu.memory_space<vmem>>, vector<16xf32>,
      %gather3A_35 = tpu.vector_load_idx %arg12[%get3A_28] : memref<10240xf32, #tpu.memory_space<vmem>>[vector<16xi32>], vector<16xf32>,
      %mul3A_36 = arith.mulf %gather3A_35, %get3A_34 : vector<16xf32>
      %gather3A_37 = tpu.vector_load_idx %arg12[%get3A_31] : memref<10240xf32, #tpu.memory_space<vmem>>[vector<16xi32>], vector<16xf32>,
      %mul3A_38 = arith.mulf %mul3A_36, %gather3A_37 : vector<16xf32>
      %swap3A_39 = arith.constant 16 : index
      %swap3A_40 = tpu.vector_load %arg14[%swap3A_39] {strides = array<i32>} : memref<128xf32, #tpu.memory_space<vmem>>, vector<16xf32>,
      tpu.vector_store %arg14[%swap3A_39], %mul3A_38 {strides = array<i32>} : memref<128xf32, #tpu.memory_space<vmem>>, vector<16xf32>,
      %get3A_41 = arith.index_cast %scan3A_13 : i32 to index
      %get3A_42 = arith.constant 32 : index
      %get3A_43 = tpu.vector_load %arg9[%get3A_41, %get3A_42] {strides = array<i32>} : memref<81x128xi32, #tpu.memory_space<vmem>>, vector<16xi32>,
      %get3A_44 = arith.index_cast %scan3A_13 : i32 to index
      %get3A_45 = arith.constant 32 : index
      %get3A_46 = tpu.vector_load %arg10[%get3A_44, %get3A_45] {strides = array<i32>} : memref<81x128xi32, #tpu.memory_space<vmem>>, vector<16xi32>,
      %get3A_47 = arith.index_cast %scan3A_13 : i32 to index
      %get3A_48 = arith.constant 32 : index
      %get3A_49 = tpu.vector_load %arg11[%get3A_47, %get3A_48] {strides = array<i32>} : memref<81x128xf32, #tpu.memory_space<vmem>>, vector<16xf32>,
      %gather3A_50 = tpu.vector_load_idx %arg12[%get3A_43] : memref<10240xf32, #tpu.memory_space<vmem>>[vector<16xi32>], vector<16xf32>,
      %mul3A_51 = arith.mulf %gather3A_50, %get3A_49 : vector<16xf32>
      %gather3A_52 = tpu.vector_load_idx %arg12[%get3A_46] : memref<10240xf32, #tpu.memory_space<vmem>>[vector<16xi32>], vector<16xf32>,
      %mul3A_53 = arith.mulf %mul3A_51, %gather3A_52 : vector<16xf32>
      %swap3A_54 = arith.constant 32 : index
      %swap3A_55 = tpu.vector_load %arg14[%swap3A_54] {strides = array<i32>} : memref<128xf32, #tpu.memory_space<vmem>>, vector<16xf32>,
      tpu.vector_store %arg14[%swap3A_54], %mul3A_53 {strides = array<i32>} : memref<128xf32, #tpu.memory_space<vmem>>, vector<16xf32>,
      %get3A_56 = arith.index_cast %scan3A_13 : i32 to index
      %get3A_57 = arith.constant 48 : index
      %get3A_58 = tpu.vector_load %arg9[%get3A_56, %get3A_57] {strides = array<i32>} : memref<81x128xi32, #tpu.memory_space<vmem>>, vector<16xi32>,
      %get3A_59 = arith.index_cast %scan3A_13 : i32 to index
      %get3A_60 = arith.constant 48 : index
      %get3A_61 = tpu.vector_load %arg10[%get3A_59, %get3A_60] {strides = array<i32>} : memref<81x128xi32, #tpu.memory_space<vmem>>, vector<16xi32>,
      %get3A_62 = arith.index_cast %scan3A_13 : i32 to index
      %get3A_63 = arith.constant 48 : index
      %get3A_64 = tpu.vector_load %arg11[%get3A_62, %get3A_63] {strides = array<i32>} : memref<81x128xf32, #tpu.memory_space<vmem>>, vector<16xf32>,
      %gather3A_65 = tpu.vector_load_idx %arg12[%get3A_58] : memref<10240xf32, #tpu.memory_space<vmem>>[vector<16xi32>], vector<16xf32>,
      %mul3A_66 = arith.mulf %gather3A_65, %get3A_64 : vector<16xf32>
      %gather3A_67 = tpu.vector_load_idx %arg12[%get3A_61] : memref<10240xf32, #tpu.memory_space<vmem>>[vector<16xi32>], vector<16xf32>,
      %mul3A_68 = arith.mulf %mul3A_66, %gather3A_67 : vector<16xf32>
      %swap3A_69 = arith.constant 48 : index
      %swap3A_70 = tpu.vector_load %arg14[%swap3A_69] {strides = array<i32>} : memref<128xf32, #tpu.memory_space<vmem>>, vector<16xf32>,
      tpu.vector_store %arg14[%swap3A_69], %mul3A_68 {strides = array<i32>} : memref<128xf32, #tpu.memory_space<vmem>>, vector<16xf32>,
      %get3A_71 = arith.index_cast %scan3A_13 : i32 to index
      %get3A_72 = arith.constant 64 : index
      %get3A_73 = tpu.vector_load %arg9[%get3A_71, %get3A_72] {strides = array<i32>} : memref<81x128xi32, #tpu.memory_space<vmem>>, vector<16xi32>,
      %get3A_74 = arith.index_cast %scan3A_13 : i32 to index
      %get3A_75 = arith.constant 64 : index
      %get3A_76 = tpu.vector_load %arg10[%get3A_74, %get3A_75] {strides = array<i32>} : memref<81x128xi32, #tpu.memory_space<vmem>>, vector<16xi32>,
      %get3A_77 = arith.index_cast %scan3A_13 : i32 to index
      %get3A_78 = arith.constant 64 : index
      %get3A_79 = tpu.vector_load %arg11[%get3A_77, %get3A_78] {strides = array<i32>} : memref<81x128xf32, #tpu.memory_space<vmem>>, vector<16xf32>,
      %gather3A_80 = tpu.vector_load_idx %arg12[%get3A_73] : memref<10240xf32, #tpu.memory_space<vmem>>[vector<16xi32>], vector<16xf32>,
      %mul3A_81 = arith.mulf %gather3A_80, %get3A_79 : vector<16xf32>
      %gather3A_82 = tpu.vector_load_idx %arg12[%get3A_76] : memref<10240xf32, #tpu.memory_space<vmem>>[vector<16xi32>], vector<16xf32>,
      %mul3A_83 = arith.mulf %mul3A_81, %gather3A_82 : vector<16xf32>
      %swap3A_84 = arith.constant 64 : index
      %swap3A_85 = tpu.vector_load %arg14[%swap3A_84] {strides = array<i32>} : memref<128xf32, #tpu.memory_space<vmem>>, vector<16xf32>,
      tpu.vector_store %arg14[%swap3A_84], %mul3A_83 {strides = array<i32>} : memref<128xf32, #tpu.memory_space<vmem>>, vector<16xf32>,
      %get3A_86 = arith.index_cast %scan3A_13 : i32 to index
      %get3A_87 = arith.constant 80 : index
      %get3A_88 = tpu.vector_load %arg9[%get3A_86, %get3A_87] {strides = array<i32>} : memref<81x128xi32, #tpu.memory_space<vmem>>, vector<16xi32>,
      %get3A_89 = arith.index_cast %scan3A_13 : i32 to index
      %get3A_90 = arith.constant 80 : index
      %get3A_91 = tpu.vector_load %arg10[%get3A_89, %get3A_90] {strides = array<i32>} : memref<81x128xi32, #tpu.memory_space<vmem>>, vector<16xi32>,
      %get3A_92 = arith.index_cast %scan3A_13 : i32 to index
      %get3A_93 = arith.constant 80 : index
      %get3A_94 = tpu.vector_load %arg11[%get3A_92, %get3A_93] {strides = array<i32>} : memref<81x128xf32, #tpu.memory_space<vmem>>, vector<16xf32>,
      %gather3A_95 = tpu.vector_load_idx %arg12[%get3A_88] : memref<10240xf32, #tpu.memory_space<vmem>>[vector<16xi32>], vector<16xf32>,
      %mul3A_96 = arith.mulf %gather3A_95, %get3A_94 : vector<16xf32>
      %gather3A_97 = tpu.vector_load_idx %arg12[%get3A_91] : memref<10240xf32, #tpu.memory_space<vmem>>[vector<16xi32>], vector<16xf32>,
      %mul3A_98 = arith.mulf %mul3A_96, %gather3A_97 : vector<16xf32>
      %swap3A_99 = arith.constant 80 : index
      %swap3A_100 = tpu.vector_load %arg14[%swap3A_99] {strides = array<i32>} : memref<128xf32, #tpu.memory_space<vmem>>, vector<16xf32>,
      tpu.vector_store %arg14[%swap3A_99], %mul3A_98 {strides = array<i32>} : memref<128xf32, #tpu.memory_space<vmem>>, vector<16xf32>,
      %get3A_101 = arith.index_cast %scan3A_13 : i32 to index
      %get3A_102 = arith.constant 96 : index
      %get3A_103 = tpu.vector_load %arg9[%get3A_101, %get3A_102] {strides = array<i32>} : memref<81x128xi32, #tpu.memory_space<vmem>>, vector<16xi32>,
      %get3A_104 = arith.index_cast %scan3A_13 : i32 to index
      %get3A_105 = arith.constant 96 : index
      %get3A_106 = tpu.vector_load %arg10[%get3A_104, %get3A_105] {strides = array<i32>} : memref<81x128xi32, #tpu.memory_space<vmem>>, vector<16xi32>,
      %get3A_107 = arith.index_cast %scan3A_13 : i32 to index
      %get3A_108 = arith.constant 96 : index
      %get3A_109 = tpu.vector_load %arg11[%get3A_107, %get3A_108] {strides = array<i32>} : memref<81x128xf32, #tpu.memory_space<vmem>>, vector<16xf32>,
      %gather3A_110 = tpu.vector_load_idx %arg12[%get3A_103] : memref<10240xf32, #tpu.memory_space<vmem>>[vector<16xi32>], vector<16xf32>,
      %mul3A_111 = arith.mulf %gather3A_110, %get3A_109 : vector<16xf32>
      %gather3A_112 = tpu.vector_load_idx %arg12[%get3A_106] : memref<10240xf32, #tpu.memory_space<vmem>>[vector<16xi32>], vector<16xf32>,
      %mul3A_113 = arith.mulf %mul3A_111, %gather3A_112 : vector<16xf32>
      %swap3A_114 = arith.constant 96 : index
      %swap3A_115 = tpu.vector_load %arg14[%swap3A_114] {strides = array<i32>} : memref<128xf32, #tpu.memory_space<vmem>>, vector<16xf32>,
      tpu.vector_store %arg14[%swap3A_114], %mul3A_113 {strides = array<i32>} : memref<128xf32, #tpu.memory_space<vmem>>, vector<16xf32>,
      %get3A_116 = arith.index_cast %scan3A_13 : i32 to index
      %get3A_117 = arith.constant 112 : index
      %get3A_118 = tpu.vector_load %arg9[%get3A_116, %get3A_117] {strides = array<i32>} : memref<81x128xi32, #tpu.memory_space<vmem>>, vector<16xi32>,
      %get3A_119 = arith.index_cast %scan3A_13 : i32 to index
      %get3A_120 = arith.constant 112 : index
      %get3A_121 = tpu.vector_load %arg10[%get3A_119, %get3A_120] {strides = array<i32>} : memref<81x128xi32, #tpu.memory_space<vmem>>, vector<16xi32>,
      %get3A_122 = arith.index_cast %scan3A_13 : i32 to index
      %get3A_123 = arith.constant 112 : index
      %get3A_124 = tpu.vector_load %arg11[%get3A_122, %get3A_123] {strides = array<i32>} : memref<81x128xf32, #tpu.memory_space<vmem>>, vector<16xf32>,
      %gather3A_125 = tpu.vector_load_idx %arg12[%get3A_118] : memref<10240xf32, #tpu.memory_space<vmem>>[vector<16xi32>], vector<16xf32>,
      %mul3A_126 = arith.mulf %gather3A_125, %get3A_124 : vector<16xf32>
      %gather3A_127 = tpu.vector_load_idx %arg12[%get3A_121] : memref<10240xf32, #tpu.memory_space<vmem>>[vector<16xi32>], vector<16xf32>,
      %mul3A_128 = arith.mulf %mul3A_126, %gather3A_127 : vector<16xf32>
      %swap3A_129 = arith.constant 112 : index
      %swap3A_130 = tpu.vector_load %arg14[%swap3A_129] {strides = array<i32>} : memref<128xf32, #tpu.memory_space<vmem>>, vector<16xf32>,
      tpu.vector_store %arg14[%swap3A_129], %mul3A_128 {strides = array<i32>} : memref<128xf32, #tpu.memory_space<vmem>>, vector<16xf32>,
      %dma_start3A = arith.constant 0 : i32
      %dma_start3A_131 = tpu.memref_slice %arg9[%scan3A_13, %dma_start3A] : memref<81x128xi32, #tpu.memory_space<vmem>> -> memref<1x128xi32, #tpu.memory_space<vmem>>
      %dma_start3A_132 = tpu.memref_squeeze %dma_start3A_131 : memref<1x128xi32, #tpu.memory_space<vmem>> -> memref<128xi32, #tpu.memory_space<vmem>>
      %dma_start3A_133 = arith.constant 0 : i32
      %dma_start3A_134 = arith.constant 0 : i32
      %dma_start3A_135 = tpu.memref_slice %arg2[%dma_start3A_133, %dma_start3A_134] : memref<10240x64xf32, #tpu.memory_space<hbm>> -> memref<10240x64xf32, #tpu.memory_space<hbm>>
      tpu.enqueue_indirect_dma source(%dma_start3A_135 : memref<10240x64xf32, #tpu.memory_space<hbm>>) target(%arg13 : memref<128x64xf32, #tpu.memory_space<vmem>>) offsets(%dma_start3A_132 : memref<128xi32, #tpu.memory_space<vmem>>) semaphore(%arg16 : memref<!tpu.dma_semaphore, #tpu.memory_space<semaphore_mem>>)
      %dma_wait3A = arith.constant 0 : i32
      %dma_wait3A_136 = tpu.memref_slice %arg9[%scan3A_13, %dma_wait3A] : memref<81x128xi32, #tpu.memory_space<vmem>> -> memref<1x128xi32, #tpu.memory_space<vmem>>
      %dma_wait3A_137 = tpu.memref_squeeze %dma_wait3A_136 : memref<1x128xi32, #tpu.memory_space<vmem>> -> memref<128xi32, #tpu.memory_space<vmem>>
      %dma_wait3A_138 = arith.constant 0 : i32
      %dma_wait3A_139 = arith.constant 0 : i32
      %dma_wait3A_140 = tpu.memref_slice %arg2[%dma_wait3A_138, %dma_wait3A_139] : memref<10240x64xf32, #tpu.memory_space<hbm>> -> memref<10240x64xf32, #tpu.memory_space<hbm>>
      tpu.wait_indirect_dma semaphore(%arg16 : memref<!tpu.dma_semaphore, #tpu.memory_space<semaphore_mem>>) src(%dma_wait3A_140 : memref<10240x64xf32, #tpu.memory_space<hbm>>) dst(%arg13 : memref<128x64xf32, #tpu.memory_space<vmem>>)
      %scan3A_141 = arith.constant 0 : i32
      %scan3A_142 = arith.constant 0 : i32
      %scan3A_143 = arith.constant 8 : i32
      %scan3A_144 = arith.addi %scan3A_142, %scan3A_143 : i32
      %scan3A_145 = arith.constant 1 : i32
      scf.for %scan3A_147 = %scan3A_142 to %scan3A_144 step %scan3A_145  : i32 {
        %mul3A_148 = arith.constant 16 : i32
        %mul3A_149 = arith.muli %scan3A_147, %mul3A_148 : i32
        %get3A_150 = arith.index_cast %mul3A_149 : i32 to index
        %get3A_151 = tpu.vector_load %arg14[%get3A_150] {strides = array<i32>} : memref<128xf32, #tpu.memory_space<vmem>>, vector<16xf32>,
        %mul3A_152 = arith.constant 16 : i32
        %mul3A_153 = arith.muli %scan3A_147, %mul3A_152 : i32
        %slice3A = vector.extract_strided_slice %get3A_151 {offsets = [0], sizes = [1], strides = [1]} : vector<16xf32> to vector<1xf32>
        %squeeze3A = vector.extract %slice3A[0] : f32 from vector<1xf32>
        %add3A_154 = arith.constant 0 : i32
        %add3A_155 = arith.addi %mul3A_153, %add3A_154 : i32
        %get3A_156 = arith.index_cast %add3A_155 : i32 to index
        %get3A_157 = arith.constant 0 : index
        %get3A_158 = tpu.vector_load %arg13[%get3A_156, %get3A_157] {strides = array<i32>} : memref<128x64xf32, #tpu.memory_space<vmem>>, vector<16xf32>,
        %mul3A_159 = vector.broadcast %squeeze3A : f32 to vector<16xf32>
        %mul3A_160 = arith.mulf %get3A_158, %mul3A_159 : vector<16xf32>
        %add3A_161 = arith.constant 0 : i32
        %add3A_162 = arith.addi %mul3A_153, %add3A_161 : i32
        %swap3A_163 = arith.index_cast %add3A_162 : i32 to index
        %swap3A_164 = arith.constant 0 : index
        %swap3A_165 = tpu.vector_load %arg13[%swap3A_163, %swap3A_164] {strides = array<i32>} : memref<128x64xf32, #tpu.memory_space<vmem>>, vector<16xf32>,
        tpu.vector_store %arg13[%swap3A_163, %swap3A_164], %mul3A_160 {strides = array<i32>} : memref<128x64xf32, #tpu.memory_space<vmem>>, vector<16xf32>,
        %add3A_166 = arith.constant 0 : i32
        %add3A_167 = arith.addi %mul3A_153, %add3A_166 : i32
        %get3A_168 = arith.index_cast %add3A_167 : i32 to index
        %get3A_169 = arith.constant 16 : index
        %get3A_170 = tpu.vector_load %arg13[%get3A_168, %get3A_169] {strides = array<i32>} : memref<128x64xf32, #tpu.memory_space<vmem>>, vector<16xf32>,
        %mul3A_171 = vector.broadcast %squeeze3A : f32 to vector<16xf32>
        %mul3A_172 = arith.mulf %get3A_170, %mul3A_171 : vector<16xf32>
        %add3A_173 = arith.constant 0 : i32
        %add3A_174 = arith.addi %mul3A_153, %add3A_173 : i32
        %swap3A_175 = arith.index_cast %add3A_174 : i32 to index
        %swap3A_176 = arith.constant 16 : index
        %swap3A_177 = tpu.vector_load %arg13[%swap3A_175, %swap3A_176] {strides = array<i32>} : memref<128x64xf32, #tpu.memory_space<vmem>>, vector<16xf32>,
        tpu.vector_store %arg13[%swap3A_175, %swap3A_176], %mul3A_172 {strides = array<i32>} : memref<128x64xf32, #tpu.memory_space<vmem>>, vector<16xf32>,
        %add3A_178 = arith.constant 0 : i32
        %add3A_179 = arith.addi %mul3A_153, %add3A_178 : i32
        %get3A_180 = arith.index_cast %add3A_179 : i32 to index
        %get3A_181 = arith.constant 32 : index
        %get3A_182 = tpu.vector_load %arg13[%get3A_180, %get3A_181] {strides = array<i32>} : memref<128x64xf32, #tpu.memory_space<vmem>>, vector<16xf32>,
        %mul3A_183 = vector.broadcast %squeeze3A : f32 to vector<16xf32>
        %mul3A_184 = arith.mulf %get3A_182, %mul3A_183 : vector<16xf32>
        %add3A_185 = arith.constant 0 : i32
        %add3A_186 = arith.addi %mul3A_153, %add3A_185 : i32
        %swap3A_187 = arith.index_cast %add3A_186 : i32 to index
        %swap3A_188 = arith.constant 32 : index
        %swap3A_189 = tpu.vector_load %arg13[%swap3A_187, %swap3A_188] {strides = array<i32>} : memref<128x64xf32, #tpu.memory_space<vmem>>, vector<16xf32>,
        tpu.vector_store %arg13[%swap3A_187, %swap3A_188], %mul3A_184 {strides = array<i32>} : memref<128x64xf32, #tpu.memory_space<vmem>>, vector<16xf32>,
        %add3A_190 = arith.constant 0 : i32
        %add3A_191 = arith.addi %mul3A_153, %add3A_190 : i32
        %get3A_192 = arith.index_cast %add3A_191 : i32 to index
        %get3A_193 = arith.constant 48 : index
        %get3A_194 = tpu.vector_load %arg13[%get3A_192, %get3A_193] {strides = array<i32>} : memref<128x64xf32, #tpu.memory_space<vmem>>, vector<16xf32>,
        %mul3A_195 = vector.broadcast %squeeze3A : f32 to vector<16xf32>
        %mul3A_196 = arith.mulf %get3A_194, %mul3A_195 : vector<16xf32>
        %add3A_197 = arith.constant 0 : i32
        %add3A_198 = arith.addi %mul3A_153, %add3A_197 : i32
        %swap3A_199 = arith.index_cast %add3A_198 : i32 to index
        %swap3A_200 = arith.constant 48 : index
        %swap3A_201 = tpu.vector_load %arg13[%swap3A_199, %swap3A_200] {strides = array<i32>} : memref<128x64xf32, #tpu.memory_space<vmem>>, vector<16xf32>,
        tpu.vector_store %arg13[%swap3A_199, %swap3A_200], %mul3A_196 {strides = array<i32>} : memref<128x64xf32, #tpu.memory_space<vmem>>, vector<16xf32>,
        %slice3A_202 = vector.extract_strided_slice %get3A_151 {offsets = [1], sizes = [1], strides = [1]} : vector<16xf32> to vector<1xf32>
        %squeeze3A_203 = vector.extract %slice3A_202[0] : f32 from vector<1xf32>
        %add3A_204 = arith.constant 1 : i32
        %add3A_205 = arith.addi %mul3A_153, %add3A_204 : i32
        %get3A_206 = arith.index_cast %add3A_205 : i32 to index
        %get3A_207 = arith.constant 0 : index
        %get3A_208 = tpu.vector_load %arg13[%get3A_206, %get3A_207] {strides = array<i32>} : memref<128x64xf32, #tpu.memory_space<vmem>>, vector<16xf32>,
        %mul3A_209 = vector.broadcast %squeeze3A_203 : f32 to vector<16xf32>
        %mul3A_210 = arith.mulf %get3A_208, %mul3A_209 : vector<16xf32>
        %add3A_211 = arith.constant 1 : i32
        %add3A_212 = arith.addi %mul3A_153, %add3A_211 : i32
        %swap3A_213 = arith.index_cast %add3A_212 : i32 to index
        %swap3A_214 = arith.constant 0 : index
        %swap3A_215 = tpu.vector_load %arg13[%swap3A_213, %swap3A_214] {strides = array<i32>} : memref<128x64xf32, #tpu.memory_space<vmem>>, vector<16xf32>,
        tpu.vector_store %arg13[%swap3A_213, %swap3A_214], %mul3A_210 {strides = array<i32>} : memref<128x64xf32, #tpu.memory_space<vmem>>, vector<16xf32>,
        %add3A_216 = arith.constant 1 : i32
        %add3A_217 = arith.addi %mul3A_153, %add3A_216 : i32
        %get3A_218 = arith.index_cast %add3A_217 : i32 to index
        %get3A_219 = arith.constant 16 : index
        %get3A_220 = tpu.vector_load %arg13[%get3A_218, %get3A_219] {strides = array<i32>} : memref<128x64xf32, #tpu.memory_space<vmem>>, vector<16xf32>,
        %mul3A_221 = vector.broadcast %squeeze3A_203 : f32 to vector<16xf32>
        %mul3A_222 = arith.mulf %get3A_220, %mul3A_221 : vector<16xf32>
        %add3A_223 = arith.constant 1 : i32
        %add3A_224 = arith.addi %mul3A_153, %add3A_223 : i32
        %swap3A_225 = arith.index_cast %add3A_224 : i32 to index
        %swap3A_226 = arith.constant 16 : index
        %swap3A_227 = tpu.vector_load %arg13[%swap3A_225, %swap3A_226] {strides = array<i32>} : memref<128x64xf32, #tpu.memory_space<vmem>>, vector<16xf32>,
        tpu.vector_store %arg13[%swap3A_225, %swap3A_226], %mul3A_222 {strides = array<i32>} : memref<128x64xf32, #tpu.memory_space<vmem>>, vector<16xf32>,
        %add3A_228 = arith.constant 1 : i32
        %add3A_229 = arith.addi %mul3A_153, %add3A_228 : i32
        %get3A_230 = arith.index_cast %add3A_229 : i32 to index
        %get3A_231 = arith.constant 32 : index
        %get3A_232 = tpu.vector_load %arg13[%get3A_230, %get3A_231] {strides = array<i32>} : memref<128x64xf32, #tpu.memory_space<vmem>>, vector<16xf32>,
        %mul3A_233 = vector.broadcast %squeeze3A_203 : f32 to vector<16xf32>
        %mul3A_234 = arith.mulf %get3A_232, %mul3A_233 : vector<16xf32>
        %add3A_235 = arith.constant 1 : i32
        %add3A_236 = arith.addi %mul3A_153, %add3A_235 : i32
        %swap3A_237 = arith.index_cast %add3A_236 : i32 to index
        %swap3A_238 = arith.constant 32 : index
        %swap3A_239 = tpu.vector_load %arg13[%swap3A_237, %swap3A_238] {strides = array<i32>} : memref<128x64xf32, #tpu.memory_space<vmem>>, vector<16xf32>,
        tpu.vector_store %arg13[%swap3A_237, %swap3A_238], %mul3A_234 {strides = array<i32>} : memref<128x64xf32, #tpu.memory_space<vmem>>, vector<16xf32>,
        %add3A_240 = arith.constant 1 : i32
        %add3A_241 = arith.addi %mul3A_153, %add3A_240 : i32
        %get3A_242 = arith.index_cast %add3A_241 : i32 to index
        %get3A_243 = arith.constant 48 : index
        %get3A_244 = tpu.vector_load %arg13[%get3A_242, %get3A_243] {strides = array<i32>} : memref<128x64xf32, #tpu.memory_space<vmem>>, vector<16xf32>,
        %mul3A_245 = vector.broadcast %squeeze3A_203 : f32 to vector<16xf32>
        %mul3A_246 = arith.mulf %get3A_244, %mul3A_245 : vector<16xf32>
        %add3A_247 = arith.constant 1 : i32
        %add3A_248 = arith.addi %mul3A_153, %add3A_247 : i32
        %swap3A_249 = arith.index_cast %add3A_248 : i32 to index
        %swap3A_250 = arith.constant 48 : index
        %swap3A_251 = tpu.vector_load %arg13[%swap3A_249, %swap3A_250] {strides = array<i32>} : memref<128x64xf32, #tpu.memory_space<vmem>>, vector<16xf32>,
        tpu.vector_store %arg13[%swap3A_249, %swap3A_250], %mul3A_246 {strides = array<i32>} : memref<128x64xf32, #tpu.memory_space<vmem>>, vector<16xf32>,
        %slice3A_252 = vector.extract_strided_slice %get3A_151 {offsets = [2], sizes = [1], strides = [1]} : vector<16xf32> to vector<1xf32>
        %squeeze3A_253 = vector.extract %slice3A_252[0] : f32 from vector<1xf32>
        %add3A_254 = arith.constant 2 : i32
        %add3A_255 = arith.addi %mul3A_153, %add3A_254 : i32
        %get3A_256 = arith.index_cast %add3A_255 : i32 to index
        %get3A_257 = arith.constant 0 : index
        %get3A_258 = tpu.vector_load %arg13[%get3A_256, %get3A_257] {strides = array<i32>} : memref<128x64xf32, #tpu.memory_space<vmem>>, vector<16xf32>,
        %mul3A_259 = vector.broadcast %squeeze3A_253 : f32 to vector<16xf32>
        %mul3A_260 = arith.mulf %get3A_258, %mul3A_259 : vector<16xf32>
        %add3A_261 = arith.constant 2 : i32
        %add3A_262 = arith.addi %mul3A_153, %add3A_261 : i32
        %swap3A_263 = arith.index_cast %add3A_262 : i32 to index
        %swap3A_264 = arith.constant 0 : index
        %swap3A_265 = tpu.vector_load %arg13[%swap3A_263, %swap3A_264] {strides = array<i32>} : memref<128x64xf32, #tpu.memory_space<vmem>>, vector<16xf32>,
        tpu.vector_store %arg13[%swap3A_263, %swap3A_264], %mul3A_260 {strides = array<i32>} : memref<128x64xf32, #tpu.memory_space<vmem>>, vector<16xf32>,
        %add3A_266 = arith.constant 2 : i32
        %add3A_267 = arith.addi %mul3A_153, %add3A_266 : i32
        %get3A_268 = arith.index_cast %add3A_267 : i32 to index
        %get3A_269 = arith.constant 16 : index
        %get3A_270 = tpu.vector_load %arg13[%get3A_268, %get3A_269] {strides = array<i32>} : memref<128x64xf32, #tpu.memory_space<vmem>>, vector<16xf32>,
        %mul3A_271 = vector.broadcast %squeeze3A_253 : f32 to vector<16xf32>
        %mul3A_272 = arith.mulf %get3A_270, %mul3A_271 : vector<16xf32>
        %add3A_273 = arith.constant 2 : i32
        %add3A_274 = arith.addi %mul3A_153, %add3A_273 : i32
        %swap3A_275 = arith.index_cast %add3A_274 : i32 to index
        %swap3A_276 = arith.constant 16 : index
        %swap3A_277 = tpu.vector_load %arg13[%swap3A_275, %swap3A_276] {strides = array<i32>} : memref<128x64xf32, #tpu.memory_space<vmem>>, vector<16xf32>,
        tpu.vector_store %arg13[%swap3A_275, %swap3A_276], %mul3A_272 {strides = array<i32>} : memref<128x64xf32, #tpu.memory_space<vmem>>, vector<16xf32>,
        %add3A_278 = arith.constant 2 : i32
        %add3A_279 = arith.addi %mul3A_153, %add3A_278 : i32
        %get3A_280 = arith.index_cast %add3A_279 : i32 to index
        %get3A_281 = arith.constant 32 : index
        %get3A_282 = tpu.vector_load %arg13[%get3A_280, %get3A_281] {strides = array<i32>} : memref<128x64xf32, #tpu.memory_space<vmem>>, vector<16xf32>,
        %mul3A_283 = vector.broadcast %squeeze3A_253 : f32 to vector<16xf32>
        %mul3A_284 = arith.mulf %get3A_282, %mul3A_283 : vector<16xf32>
        %add3A_285 = arith.constant 2 : i32
        %add3A_286 = arith.addi %mul3A_153, %add3A_285 : i32
        %swap3A_287 = arith.index_cast %add3A_286 : i32 to index
        %swap3A_288 = arith.constant 32 : index
        %swap3A_289 = tpu.vector_load %arg13[%swap3A_287, %swap3A_288] {strides = array<i32>} : memref<128x64xf32, #tpu.memory_space<vmem>>, vector<16xf32>,
        tpu.vector_store %arg13[%swap3A_287, %swap3A_288], %mul3A_284 {strides = array<i32>} : memref<128x64xf32, #tpu.memory_space<vmem>>, vector<16xf32>,
        %add3A_290 = arith.constant 2 : i32
        %add3A_291 = arith.addi %mul3A_153, %add3A_290 : i32
        %get3A_292 = arith.index_cast %add3A_291 : i32 to index
        %get3A_293 = arith.constant 48 : index
        %get3A_294 = tpu.vector_load %arg13[%get3A_292, %get3A_293] {strides = array<i32>} : memref<128x64xf32, #tpu.memory_space<vmem>>, vector<16xf32>,
        %mul3A_295 = vector.broadcast %squeeze3A_253 : f32 to vector<16xf32>
        %mul3A_296 = arith.mulf %get3A_294, %mul3A_295 : vector<16xf32>
        %add3A_297 = arith.constant 2 : i32
        %add3A_298 = arith.addi %mul3A_153, %add3A_297 : i32
        %swap3A_299 = arith.index_cast %add3A_298 : i32 to index
        %swap3A_300 = arith.constant 48 : index
        %swap3A_301 = tpu.vector_load %arg13[%swap3A_299, %swap3A_300] {strides = array<i32>} : memref<128x64xf32, #tpu.memory_space<vmem>>, vector<16xf32>,
        tpu.vector_store %arg13[%swap3A_299, %swap3A_300], %mul3A_296 {strides = array<i32>} : memref<128x64xf32, #tpu.memory_space<vmem>>, vector<16xf32>,
        %slice3A_302 = vector.extract_strided_slice %get3A_151 {offsets = [3], sizes = [1], strides = [1]} : vector<16xf32> to vector<1xf32>
        %squeeze3A_303 = vector.extract %slice3A_302[0] : f32 from vector<1xf32>
        %add3A_304 = arith.constant 3 : i32
        %add3A_305 = arith.addi %mul3A_153, %add3A_304 : i32
        %get3A_306 = arith.index_cast %add3A_305 : i32 to index
        %get3A_307 = arith.constant 0 : index
        %get3A_308 = tpu.vector_load %arg13[%get3A_306, %get3A_307] {strides = array<i32>} : memref<128x64xf32, #tpu.memory_space<vmem>>, vector<16xf32>,
        %mul3A_309 = vector.broadcast %squeeze3A_303 : f32 to vector<16xf32>
        %mul3A_310 = arith.mulf %get3A_308, %mul3A_309 : vector<16xf32>
        %add3A_311 = arith.constant 3 : i32
        %add3A_312 = arith.addi %mul3A_153, %add3A_311 : i32
        %swap3A_313 = arith.index_cast %add3A_312 : i32 to index
        %swap3A_314 = arith.constant 0 : index
        %swap3A_315 = tpu.vector_load %arg13[%swap3A_313, %swap3A_314] {strides = array<i32>} : memref<128x64xf32, #tpu.memory_space<vmem>>, vector<16xf32>,
        tpu.vector_store %arg13[%swap3A_313, %swap3A_314], %mul3A_310 {strides = array<i32>} : memref<128x64xf32, #tpu.memory_space<vmem>>, vector<16xf32>,
        %add3A_316 = arith.constant 3 : i32
        %add3A_317 = arith.addi %mul3A_153, %add3A_316 : i32
        %get3A_318 = arith.index_cast %add3A_317 : i32 to index
        %get3A_319 = arith.constant 16 : index
        %get3A_320 = tpu.vector_load %arg13[%get3A_318, %get3A_319] {strides = array<i32>} : memref<128x64xf32, #tpu.memory_space<vmem>>, vector<16xf32>,
        %mul3A_321 = vector.broadcast %squeeze3A_303 : f32 to vector<16xf32>
        %mul3A_322 = arith.mulf %get3A_320, %mul3A_321 : vector<16xf32>
        %add3A_323 = arith.constant 3 : i32
        %add3A_324 = arith.addi %mul3A_153, %add3A_323 : i32
        %swap3A_325 = arith.index_cast %add3A_324 : i32 to index
        %swap3A_326 = arith.constant 16 : index
        %swap3A_327 = tpu.vector_load %arg13[%swap3A_325, %swap3A_326] {strides = array<i32>} : memref<128x64xf32, #tpu.memory_space<vmem>>, vector<16xf32>,
        tpu.vector_store %arg13[%swap3A_325, %swap3A_326], %mul3A_322 {strides = array<i32>} : memref<128x64xf32, #tpu.memory_space<vmem>>, vector<16xf32>,
        %add3A_328 = arith.constant 3 : i32
        %add3A_329 = arith.addi %mul3A_153, %add3A_328 : i32
        %get3A_330 = arith.index_cast %add3A_329 : i32 to index
        %get3A_331 = arith.constant 32 : index
        %get3A_332 = tpu.vector_load %arg13[%get3A_330, %get3A_331] {strides = array<i32>} : memref<128x64xf32, #tpu.memory_space<vmem>>, vector<16xf32>,
        %mul3A_333 = vector.broadcast %squeeze3A_303 : f32 to vector<16xf32>
        %mul3A_334 = arith.mulf %get3A_332, %mul3A_333 : vector<16xf32>
        %add3A_335 = arith.constant 3 : i32
        %add3A_336 = arith.addi %mul3A_153, %add3A_335 : i32
        %swap3A_337 = arith.index_cast %add3A_336 : i32 to index
        %swap3A_338 = arith.constant 32 : index
        %swap3A_339 = tpu.vector_load %arg13[%swap3A_337, %swap3A_338] {strides = array<i32>} : memref<128x64xf32, #tpu.memory_space<vmem>>, vector<16xf32>,
        tpu.vector_store %arg13[%swap3A_337, %swap3A_338], %mul3A_334 {strides = array<i32>} : memref<128x64xf32, #tpu.memory_space<vmem>>, vector<16xf32>,
        %add3A_340 = arith.constant 3 : i32
        %add3A_341 = arith.addi %mul3A_153, %add3A_340 : i32
        %get3A_342 = arith.index_cast %add3A_341 : i32 to index
        %get3A_343 = arith.constant 48 : index
        %get3A_344 = tpu.vector_load %arg13[%get3A_342, %get3A_343] {strides = array<i32>} : memref<128x64xf32, #tpu.memory_space<vmem>>, vector<16xf32>,
        %mul3A_345 = vector.broadcast %squeeze3A_303 : f32 to vector<16xf32>
        %mul3A_346 = arith.mulf %get3A_344, %mul3A_345 : vector<16xf32>
        %add3A_347 = arith.constant 3 : i32
        %add3A_348 = arith.addi %mul3A_153, %add3A_347 : i32
        %swap3A_349 = arith.index_cast %add3A_348 : i32 to index
        %swap3A_350 = arith.constant 48 : index
        %swap3A_351 = tpu.vector_load %arg13[%swap3A_349, %swap3A_350] {strides = array<i32>} : memref<128x64xf32, #tpu.memory_space<vmem>>, vector<16xf32>,
        tpu.vector_store %arg13[%swap3A_349, %swap3A_350], %mul3A_346 {strides = array<i32>} : memref<128x64xf32, #tpu.memory_space<vmem>>, vector<16xf32>,
        %slice3A_352 = vector.extract_strided_slice %get3A_151 {offsets = [4], sizes = [1], strides = [1]} : vector<16xf32> to vector<1xf32>
        %squeeze3A_353 = vector.extract %slice3A_352[0] : f32 from vector<1xf32>
        %add3A_354 = arith.constant 4 : i32
        %add3A_355 = arith.addi %mul3A_153, %add3A_354 : i32
        %get3A_356 = arith.index_cast %add3A_355 : i32 to index
        %get3A_357 = arith.constant 0 : index
        %get3A_358 = tpu.vector_load %arg13[%get3A_356, %get3A_357] {strides = array<i32>} : memref<128x64xf32, #tpu.memory_space<vmem>>, vector<16xf32>,
        %mul3A_359 = vector.broadcast %squeeze3A_353 : f32 to vector<16xf32>
        %mul3A_360 = arith.mulf %get3A_358, %mul3A_359 : vector<16xf32>
        %add3A_361 = arith.constant 4 : i32
        %add3A_362 = arith.addi %mul3A_153, %add3A_361 : i32
        %swap3A_363 = arith.index_cast %add3A_362 : i32 to index
        %swap3A_364 = arith.constant 0 : index
        %swap3A_365 = tpu.vector_load %arg13[%swap3A_363, %swap3A_364] {strides = array<i32>} : memref<128x64xf32, #tpu.memory_space<vmem>>, vector<16xf32>,
        tpu.vector_store %arg13[%swap3A_363, %swap3A_364], %mul3A_360 {strides = array<i32>} : memref<128x64xf32, #tpu.memory_space<vmem>>, vector<16xf32>,
        %add3A_366 = arith.constant 4 : i32
        %add3A_367 = arith.addi %mul3A_153, %add3A_366 : i32
        %get3A_368 = arith.index_cast %add3A_367 : i32 to index
        %get3A_369 = arith.constant 16 : index
        %get3A_370 = tpu.vector_load %arg13[%get3A_368, %get3A_369] {strides = array<i32>} : memref<128x64xf32, #tpu.memory_space<vmem>>, vector<16xf32>,
        %mul3A_371 = vector.broadcast %squeeze3A_353 : f32 to vector<16xf32>
        %mul3A_372 = arith.mulf %get3A_370, %mul3A_371 : vector<16xf32>
        %add3A_373 = arith.constant 4 : i32
        %add3A_374 = arith.addi %mul3A_153, %add3A_373 : i32
        %swap3A_375 = arith.index_cast %add3A_374 : i32 to index
        %swap3A_376 = arith.constant 16 : index
        %swap3A_377 = tpu.vector_load %arg13[%swap3A_375, %swap3A_376] {strides = array<i32>} : memref<128x64xf32, #tpu.memory_space<vmem>>, vector<16xf32>,
        tpu.vector_store %arg13[%swap3A_375, %swap3A_376], %mul3A_372 {strides = array<i32>} : memref<128x64xf32, #tpu.memory_space<vmem>>, vector<16xf32>,
        %add3A_378 = arith.constant 4 : i32
        %add3A_379 = arith.addi %mul3A_153, %add3A_378 : i32
        %get3A_380 = arith.index_cast %add3A_379 : i32 to index
        %get3A_381 = arith.constant 32 : index
        %get3A_382 = tpu.vector_load %arg13[%get3A_380, %get3A_381] {strides = array<i32>} : memref<128x64xf32, #tpu.memory_space<vmem>>, vector<16xf32>,
        %mul3A_383 = vector.broadcast %squeeze3A_353 : f32 to vector<16xf32>
        %mul3A_384 = arith.mulf %get3A_382, %mul3A_383 : vector<16xf32>
        %add3A_385 = arith.constant 4 : i32
        %add3A_386 = arith.addi %mul3A_153, %add3A_385 : i32
        %swap3A_387 = arith.index_cast %add3A_386 : i32 to index
        %swap3A_388 = arith.constant 32 : index
        %swap3A_389 = tpu.vector_load %arg13[%swap3A_387, %swap3A_388] {strides = array<i32>} : memref<128x64xf32, #tpu.memory_space<vmem>>, vector<16xf32>,
        tpu.vector_store %arg13[%swap3A_387, %swap3A_388], %mul3A_384 {strides = array<i32>} : memref<128x64xf32, #tpu.memory_space<vmem>>, vector<16xf32>,
        %add3A_390 = arith.constant 4 : i32
        %add3A_391 = arith.addi %mul3A_153, %add3A_390 : i32
        %get3A_392 = arith.index_cast %add3A_391 : i32 to index
        %get3A_393 = arith.constant 48 : index
        %get3A_394 = tpu.vector_load %arg13[%get3A_392, %get3A_393] {strides = array<i32>} : memref<128x64xf32, #tpu.memory_space<vmem>>, vector<16xf32>,
        %mul3A_395 = vector.broadcast %squeeze3A_353 : f32 to vector<16xf32>
        %mul3A_396 = arith.mulf %get3A_394, %mul3A_395 : vector<16xf32>
        %add3A_397 = arith.constant 4 : i32
        %add3A_398 = arith.addi %mul3A_153, %add3A_397 : i32
        %swap3A_399 = arith.index_cast %add3A_398 : i32 to index
        %swap3A_400 = arith.constant 48 : index
        %swap3A_401 = tpu.vector_load %arg13[%swap3A_399, %swap3A_400] {strides = array<i32>} : memref<128x64xf32, #tpu.memory_space<vmem>>, vector<16xf32>,
        tpu.vector_store %arg13[%swap3A_399, %swap3A_400], %mul3A_396 {strides = array<i32>} : memref<128x64xf32, #tpu.memory_space<vmem>>, vector<16xf32>,
        %slice3A_402 = vector.extract_strided_slice %get3A_151 {offsets = [5], sizes = [1], strides = [1]} : vector<16xf32> to vector<1xf32>
        %squeeze3A_403 = vector.extract %slice3A_402[0] : f32 from vector<1xf32>
        %add3A_404 = arith.constant 5 : i32
        %add3A_405 = arith.addi %mul3A_153, %add3A_404 : i32
        %get3A_406 = arith.index_cast %add3A_405 : i32 to index
        %get3A_407 = arith.constant 0 : index
        %get3A_408 = tpu.vector_load %arg13[%get3A_406, %get3A_407] {strides = array<i32>} : memref<128x64xf32, #tpu.memory_space<vmem>>, vector<16xf32>,
        %mul3A_409 = vector.broadcast %squeeze3A_403 : f32 to vector<16xf32>
        %mul3A_410 = arith.mulf %get3A_408, %mul3A_409 : vector<16xf32>
        %add3A_411 = arith.constant 5 : i32
        %add3A_412 = arith.addi %mul3A_153, %add3A_411 : i32
        %swap3A_413 = arith.index_cast %add3A_412 : i32 to index
        %swap3A_414 = arith.constant 0 : index
        %swap3A_415 = tpu.vector_load %arg13[%swap3A_413, %swap3A_414] {strides = array<i32>} : memref<128x64xf32, #tpu.memory_space<vmem>>, vector<16xf32>,
        tpu.vector_store %arg13[%swap3A_413, %swap3A_414], %mul3A_410 {strides = array<i32>} : memref<128x64xf32, #tpu.memory_space<vmem>>, vector<16xf32>,
        %add3A_416 = arith.constant 5 : i32
        %add3A_417 = arith.addi %mul3A_153, %add3A_416 : i32
        %get3A_418 = arith.index_cast %add3A_417 : i32 to index
        %get3A_419 = arith.constant 16 : index
        %get3A_420 = tpu.vector_load %arg13[%get3A_418, %get3A_419] {strides = array<i32>} : memref<128x64xf32, #tpu.memory_space<vmem>>, vector<16xf32>,
        %mul3A_421 = vector.broadcast %squeeze3A_403 : f32 to vector<16xf32>
        %mul3A_422 = arith.mulf %get3A_420, %mul3A_421 : vector<16xf32>
        %add3A_423 = arith.constant 5 : i32
        %add3A_424 = arith.addi %mul3A_153, %add3A_423 : i32
        %swap3A_425 = arith.index_cast %add3A_424 : i32 to index
        %swap3A_426 = arith.constant 16 : index
        %swap3A_427 = tpu.vector_load %arg13[%swap3A_425, %swap3A_426] {strides = array<i32>} : memref<128x64xf32, #tpu.memory_space<vmem>>, vector<16xf32>,
        tpu.vector_store %arg13[%swap3A_425, %swap3A_426], %mul3A_422 {strides = array<i32>} : memref<128x64xf32, #tpu.memory_space<vmem>>, vector<16xf32>,
        %add3A_428 = arith.constant 5 : i32
        %add3A_429 = arith.addi %mul3A_153, %add3A_428 : i32
        %get3A_430 = arith.index_cast %add3A_429 : i32 to index
        %get3A_431 = arith.constant 32 : index
        %get3A_432 = tpu.vector_load %arg13[%get3A_430, %get3A_431] {strides = array<i32>} : memref<128x64xf32, #tpu.memory_space<vmem>>, vector<16xf32>,
        %mul3A_433 = vector.broadcast %squeeze3A_403 : f32 to vector<16xf32>
        %mul3A_434 = arith.mulf %get3A_432, %mul3A_433 : vector<16xf32>
        %add3A_435 = arith.constant 5 : i32
        %add3A_436 = arith.addi %mul3A_153, %add3A_435 : i32
        %swap3A_437 = arith.index_cast %add3A_436 : i32 to index
        %swap3A_438 = arith.constant 32 : index
        %swap3A_439 = tpu.vector_load %arg13[%swap3A_437, %swap3A_438] {strides = array<i32>} : memref<128x64xf32, #tpu.memory_space<vmem>>, vector<16xf32>,
        tpu.vector_store %arg13[%swap3A_437, %swap3A_438], %mul3A_434 {strides = array<i32>} : memref<128x64xf32, #tpu.memory_space<vmem>>, vector<16xf32>,
        %add3A_440 = arith.constant 5 : i32
        %add3A_441 = arith.addi %mul3A_153, %add3A_440 : i32
        %get3A_442 = arith.index_cast %add3A_441 : i32 to index
        %get3A_443 = arith.constant 48 : index
        %get3A_444 = tpu.vector_load %arg13[%get3A_442, %get3A_443] {strides = array<i32>} : memref<128x64xf32, #tpu.memory_space<vmem>>, vector<16xf32>,
        %mul3A_445 = vector.broadcast %squeeze3A_403 : f32 to vector<16xf32>
        %mul3A_446 = arith.mulf %get3A_444, %mul3A_445 : vector<16xf32>
        %add3A_447 = arith.constant 5 : i32
        %add3A_448 = arith.addi %mul3A_153, %add3A_447 : i32
        %swap3A_449 = arith.index_cast %add3A_448 : i32 to index
        %swap3A_450 = arith.constant 48 : index
        %swap3A_451 = tpu.vector_load %arg13[%swap3A_449, %swap3A_450] {strides = array<i32>} : memref<128x64xf32, #tpu.memory_space<vmem>>, vector<16xf32>,
        tpu.vector_store %arg13[%swap3A_449, %swap3A_450], %mul3A_446 {strides = array<i32>} : memref<128x64xf32, #tpu.memory_space<vmem>>, vector<16xf32>,
        %slice3A_452 = vector.extract_strided_slice %get3A_151 {offsets = [6], sizes = [1], strides = [1]} : vector<16xf32> to vector<1xf32>
        %squeeze3A_453 = vector.extract %slice3A_452[0] : f32 from vector<1xf32>
        %add3A_454 = arith.constant 6 : i32
        %add3A_455 = arith.addi %mul3A_153, %add3A_454 : i32
        %get3A_456 = arith.index_cast %add3A_455 : i32 to index
        %get3A_457 = arith.constant 0 : index
        %get3A_458 = tpu.vector_load %arg13[%get3A_456, %get3A_457] {strides = array<i32>} : memref<128x64xf32, #tpu.memory_space<vmem>>, vector<16xf32>,
        %mul3A_459 = vector.broadcast %squeeze3A_453 : f32 to vector<16xf32>
        %mul3A_460 = arith.mulf %get3A_458, %mul3A_459 : vector<16xf32>
        %add3A_461 = arith.constant 6 : i32
        %add3A_462 = arith.addi %mul3A_153, %add3A_461 : i32
        %swap3A_463 = arith.index_cast %add3A_462 : i32 to index
        %swap3A_464 = arith.constant 0 : index
        %swap3A_465 = tpu.vector_load %arg13[%swap3A_463, %swap3A_464] {strides = array<i32>} : memref<128x64xf32, #tpu.memory_space<vmem>>, vector<16xf32>,
        tpu.vector_store %arg13[%swap3A_463, %swap3A_464], %mul3A_460 {strides = array<i32>} : memref<128x64xf32, #tpu.memory_space<vmem>>, vector<16xf32>,
        %add3A_466 = arith.constant 6 : i32
        %add3A_467 = arith.addi %mul3A_153, %add3A_466 : i32
        %get3A_468 = arith.index_cast %add3A_467 : i32 to index
        %get3A_469 = arith.constant 16 : index
        %get3A_470 = tpu.vector_load %arg13[%get3A_468, %get3A_469] {strides = array<i32>} : memref<128x64xf32, #tpu.memory_space<vmem>>, vector<16xf32>,
        %mul3A_471 = vector.broadcast %squeeze3A_453 : f32 to vector<16xf32>
        %mul3A_472 = arith.mulf %get3A_470, %mul3A_471 : vector<16xf32>
        %add3A_473 = arith.constant 6 : i32
        %add3A_474 = arith.addi %mul3A_153, %add3A_473 : i32
        %swap3A_475 = arith.index_cast %add3A_474 : i32 to index
        %swap3A_476 = arith.constant 16 : index
        %swap3A_477 = tpu.vector_load %arg13[%swap3A_475, %swap3A_476] {strides = array<i32>} : memref<128x64xf32, #tpu.memory_space<vmem>>, vector<16xf32>,
        tpu.vector_store %arg13[%swap3A_475, %swap3A_476], %mul3A_472 {strides = array<i32>} : memref<128x64xf32, #tpu.memory_space<vmem>>, vector<16xf32>,
        %add3A_478 = arith.constant 6 : i32
        %add3A_479 = arith.addi %mul3A_153, %add3A_478 : i32
        %get3A_480 = arith.index_cast %add3A_479 : i32 to index
        %get3A_481 = arith.constant 32 : index
        %get3A_482 = tpu.vector_load %arg13[%get3A_480, %get3A_481] {strides = array<i32>} : memref<128x64xf32, #tpu.memory_space<vmem>>, vector<16xf32>,
        %mul3A_483 = vector.broadcast %squeeze3A_453 : f32 to vector<16xf32>
        %mul3A_484 = arith.mulf %get3A_482, %mul3A_483 : vector<16xf32>
        %add3A_485 = arith.constant 6 : i32
        %add3A_486 = arith.addi %mul3A_153, %add3A_485 : i32
        %swap3A_487 = arith.index_cast %add3A_486 : i32 to index
        %swap3A_488 = arith.constant 32 : index
        %swap3A_489 = tpu.vector_load %arg13[%swap3A_487, %swap3A_488] {strides = array<i32>} : memref<128x64xf32, #tpu.memory_space<vmem>>, vector<16xf32>,
        tpu.vector_store %arg13[%swap3A_487, %swap3A_488], %mul3A_484 {strides = array<i32>} : memref<128x64xf32, #tpu.memory_space<vmem>>, vector<16xf32>,
        %add3A_490 = arith.constant 6 : i32
        %add3A_491 = arith.addi %mul3A_153, %add3A_490 : i32
        %get3A_492 = arith.index_cast %add3A_491 : i32 to index
        %get3A_493 = arith.constant 48 : index
        %get3A_494 = tpu.vector_load %arg13[%get3A_492, %get3A_493] {strides = array<i32>} : memref<128x64xf32, #tpu.memory_space<vmem>>, vector<16xf32>,
        %mul3A_495 = vector.broadcast %squeeze3A_453 : f32 to vector<16xf32>
        %mul3A_496 = arith.mulf %get3A_494, %mul3A_495 : vector<16xf32>
        %add3A_497 = arith.constant 6 : i32
        %add3A_498 = arith.addi %mul3A_153, %add3A_497 : i32
        %swap3A_499 = arith.index_cast %add3A_498 : i32 to index
        %swap3A_500 = arith.constant 48 : index
        %swap3A_501 = tpu.vector_load %arg13[%swap3A_499, %swap3A_500] {strides = array<i32>} : memref<128x64xf32, #tpu.memory_space<vmem>>, vector<16xf32>,
        tpu.vector_store %arg13[%swap3A_499, %swap3A_500], %mul3A_496 {strides = array<i32>} : memref<128x64xf32, #tpu.memory_space<vmem>>, vector<16xf32>,
        %slice3A_502 = vector.extract_strided_slice %get3A_151 {offsets = [7], sizes = [1], strides = [1]} : vector<16xf32> to vector<1xf32>
        %squeeze3A_503 = vector.extract %slice3A_502[0] : f32 from vector<1xf32>
        %add3A_504 = arith.constant 7 : i32
        %add3A_505 = arith.addi %mul3A_153, %add3A_504 : i32
        %get3A_506 = arith.index_cast %add3A_505 : i32 to index
        %get3A_507 = arith.constant 0 : index
        %get3A_508 = tpu.vector_load %arg13[%get3A_506, %get3A_507] {strides = array<i32>} : memref<128x64xf32, #tpu.memory_space<vmem>>, vector<16xf32>,
        %mul3A_509 = vector.broadcast %squeeze3A_503 : f32 to vector<16xf32>
        %mul3A_510 = arith.mulf %get3A_508, %mul3A_509 : vector<16xf32>
        %add3A_511 = arith.constant 7 : i32
        %add3A_512 = arith.addi %mul3A_153, %add3A_511 : i32
        %swap3A_513 = arith.index_cast %add3A_512 : i32 to index
        %swap3A_514 = arith.constant 0 : index
        %swap3A_515 = tpu.vector_load %arg13[%swap3A_513, %swap3A_514] {strides = array<i32>} : memref<128x64xf32, #tpu.memory_space<vmem>>, vector<16xf32>,
        tpu.vector_store %arg13[%swap3A_513, %swap3A_514], %mul3A_510 {strides = array<i32>} : memref<128x64xf32, #tpu.memory_space<vmem>>, vector<16xf32>,
        %add3A_516 = arith.constant 7 : i32
        %add3A_517 = arith.addi %mul3A_153, %add3A_516 : i32
        %get3A_518 = arith.index_cast %add3A_517 : i32 to index
        %get3A_519 = arith.constant 16 : index
        %get3A_520 = tpu.vector_load %arg13[%get3A_518, %get3A_519] {strides = array<i32>} : memref<128x64xf32, #tpu.memory_space<vmem>>, vector<16xf32>,
        %mul3A_521 = vector.broadcast %squeeze3A_503 : f32 to vector<16xf32>
        %mul3A_522 = arith.mulf %get3A_520, %mul3A_521 : vector<16xf32>
        %add3A_523 = arith.constant 7 : i32
        %add3A_524 = arith.addi %mul3A_153, %add3A_523 : i32
        %swap3A_525 = arith.index_cast %add3A_524 : i32 to index
        %swap3A_526 = arith.constant 16 : index
        %swap3A_527 = tpu.vector_load %arg13[%swap3A_525, %swap3A_526] {strides = array<i32>} : memref<128x64xf32, #tpu.memory_space<vmem>>, vector<16xf32>,
        tpu.vector_store %arg13[%swap3A_525, %swap3A_526], %mul3A_522 {strides = array<i32>} : memref<128x64xf32, #tpu.memory_space<vmem>>, vector<16xf32>,
        %add3A_528 = arith.constant 7 : i32
        %add3A_529 = arith.addi %mul3A_153, %add3A_528 : i32
        %get3A_530 = arith.index_cast %add3A_529 : i32 to index
        %get3A_531 = arith.constant 32 : index
        %get3A_532 = tpu.vector_load %arg13[%get3A_530, %get3A_531] {strides = array<i32>} : memref<128x64xf32, #tpu.memory_space<vmem>>, vector<16xf32>,
        %mul3A_533 = vector.broadcast %squeeze3A_503 : f32 to vector<16xf32>
        %mul3A_534 = arith.mulf %get3A_532, %mul3A_533 : vector<16xf32>
        %add3A_535 = arith.constant 7 : i32
        %add3A_536 = arith.addi %mul3A_153, %add3A_535 : i32
        %swap3A_537 = arith.index_cast %add3A_536 : i32 to index
        %swap3A_538 = arith.constant 32 : index
        %swap3A_539 = tpu.vector_load %arg13[%swap3A_537, %swap3A_538] {strides = array<i32>} : memref<128x64xf32, #tpu.memory_space<vmem>>, vector<16xf32>,
        tpu.vector_store %arg13[%swap3A_537, %swap3A_538], %mul3A_534 {strides = array<i32>} : memref<128x64xf32, #tpu.memory_space<vmem>>, vector<16xf32>,
        %add3A_540 = arith.constant 7 : i32
        %add3A_541 = arith.addi %mul3A_153, %add3A_540 : i32
        %get3A_542 = arith.index_cast %add3A_541 : i32 to index
        %get3A_543 = arith.constant 48 : index
        %get3A_544 = tpu.vector_load %arg13[%get3A_542, %get3A_543] {strides = array<i32>} : memref<128x64xf32, #tpu.memory_space<vmem>>, vector<16xf32>,
        %mul3A_545 = vector.broadcast %squeeze3A_503 : f32 to vector<16xf32>
        %mul3A_546 = arith.mulf %get3A_544, %mul3A_545 : vector<16xf32>
        %add3A_547 = arith.constant 7 : i32
        %add3A_548 = arith.addi %mul3A_153, %add3A_547 : i32
        %swap3A_549 = arith.index_cast %add3A_548 : i32 to index
        %swap3A_550 = arith.constant 48 : index
        %swap3A_551 = tpu.vector_load %arg13[%swap3A_549, %swap3A_550] {strides = array<i32>} : memref<128x64xf32, #tpu.memory_space<vmem>>, vector<16xf32>,
        tpu.vector_store %arg13[%swap3A_549, %swap3A_550], %mul3A_546 {strides = array<i32>} : memref<128x64xf32, #tpu.memory_space<vmem>>, vector<16xf32>,
        %slice3A_552 = vector.extract_strided_slice %get3A_151 {offsets = [8], sizes = [1], strides = [1]} : vector<16xf32> to vector<1xf32>
        %squeeze3A_553 = vector.extract %slice3A_552[0] : f32 from vector<1xf32>
        %add3A_554 = arith.constant 8 : i32
        %add3A_555 = arith.addi %mul3A_153, %add3A_554 : i32
        %get3A_556 = arith.index_cast %add3A_555 : i32 to index
        %get3A_557 = arith.constant 0 : index
        %get3A_558 = tpu.vector_load %arg13[%get3A_556, %get3A_557] {strides = array<i32>} : memref<128x64xf32, #tpu.memory_space<vmem>>, vector<16xf32>,
        %mul3A_559 = vector.broadcast %squeeze3A_553 : f32 to vector<16xf32>
        %mul3A_560 = arith.mulf %get3A_558, %mul3A_559 : vector<16xf32>
        %add3A_561 = arith.constant 8 : i32
        %add3A_562 = arith.addi %mul3A_153, %add3A_561 : i32
        %swap3A_563 = arith.index_cast %add3A_562 : i32 to index
        %swap3A_564 = arith.constant 0 : index
        %swap3A_565 = tpu.vector_load %arg13[%swap3A_563, %swap3A_564] {strides = array<i32>} : memref<128x64xf32, #tpu.memory_space<vmem>>, vector<16xf32>,
        tpu.vector_store %arg13[%swap3A_563, %swap3A_564], %mul3A_560 {strides = array<i32>} : memref<128x64xf32, #tpu.memory_space<vmem>>, vector<16xf32>,
        %add3A_566 = arith.constant 8 : i32
        %add3A_567 = arith.addi %mul3A_153, %add3A_566 : i32
        %get3A_568 = arith.index_cast %add3A_567 : i32 to index
        %get3A_569 = arith.constant 16 : index
        %get3A_570 = tpu.vector_load %arg13[%get3A_568, %get3A_569] {strides = array<i32>} : memref<128x64xf32, #tpu.memory_space<vmem>>, vector<16xf32>,
        %mul3A_571 = vector.broadcast %squeeze3A_553 : f32 to vector<16xf32>
        %mul3A_572 = arith.mulf %get3A_570, %mul3A_571 : vector<16xf32>
        %add3A_573 = arith.constant 8 : i32
        %add3A_574 = arith.addi %mul3A_153, %add3A_573 : i32
        %swap3A_575 = arith.index_cast %add3A_574 : i32 to index
        %swap3A_576 = arith.constant 16 : index
        %swap3A_577 = tpu.vector_load %arg13[%swap3A_575, %swap3A_576] {strides = array<i32>} : memref<128x64xf32, #tpu.memory_space<vmem>>, vector<16xf32>,
        tpu.vector_store %arg13[%swap3A_575, %swap3A_576], %mul3A_572 {strides = array<i32>} : memref<128x64xf32, #tpu.memory_space<vmem>>, vector<16xf32>,
        %add3A_578 = arith.constant 8 : i32
        %add3A_579 = arith.addi %mul3A_153, %add3A_578 : i32
        %get3A_580 = arith.index_cast %add3A_579 : i32 to index
        %get3A_581 = arith.constant 32 : index
        %get3A_582 = tpu.vector_load %arg13[%get3A_580, %get3A_581] {strides = array<i32>} : memref<128x64xf32, #tpu.memory_space<vmem>>, vector<16xf32>,
        %mul3A_583 = vector.broadcast %squeeze3A_553 : f32 to vector<16xf32>
        %mul3A_584 = arith.mulf %get3A_582, %mul3A_583 : vector<16xf32>
        %add3A_585 = arith.constant 8 : i32
        %add3A_586 = arith.addi %mul3A_153, %add3A_585 : i32
        %swap3A_587 = arith.index_cast %add3A_586 : i32 to index
        %swap3A_588 = arith.constant 32 : index
        %swap3A_589 = tpu.vector_load %arg13[%swap3A_587, %swap3A_588] {strides = array<i32>} : memref<128x64xf32, #tpu.memory_space<vmem>>, vector<16xf32>,
        tpu.vector_store %arg13[%swap3A_587, %swap3A_588], %mul3A_584 {strides = array<i32>} : memref<128x64xf32, #tpu.memory_space<vmem>>, vector<16xf32>,
        %add3A_590 = arith.constant 8 : i32
        %add3A_591 = arith.addi %mul3A_153, %add3A_590 : i32
        %get3A_592 = arith.index_cast %add3A_591 : i32 to index
        %get3A_593 = arith.constant 48 : index
        %get3A_594 = tpu.vector_load %arg13[%get3A_592, %get3A_593] {strides = array<i32>} : memref<128x64xf32, #tpu.memory_space<vmem>>, vector<16xf32>,
        %mul3A_595 = vector.broadcast %squeeze3A_553 : f32 to vector<16xf32>
        %mul3A_596 = arith.mulf %get3A_594, %mul3A_595 : vector<16xf32>
        %add3A_597 = arith.constant 8 : i32
        %add3A_598 = arith.addi %mul3A_153, %add3A_597 : i32
        %swap3A_599 = arith.index_cast %add3A_598 : i32 to index
        %swap3A_600 = arith.constant 48 : index
        %swap3A_601 = tpu.vector_load %arg13[%swap3A_599, %swap3A_600] {strides = array<i32>} : memref<128x64xf32, #tpu.memory_space<vmem>>, vector<16xf32>,
        tpu.vector_store %arg13[%swap3A_599, %swap3A_600], %mul3A_596 {strides = array<i32>} : memref<128x64xf32, #tpu.memory_space<vmem>>, vector<16xf32>,
        %slice3A_602 = vector.extract_strided_slice %get3A_151 {offsets = [9], sizes = [1], strides = [1]} : vector<16xf32> to vector<1xf32>
        %squeeze3A_603 = vector.extract %slice3A_602[0] : f32 from vector<1xf32>
        %add3A_604 = arith.constant 9 : i32
        %add3A_605 = arith.addi %mul3A_153, %add3A_604 : i32
        %get3A_606 = arith.index_cast %add3A_605 : i32 to index
        %get3A_607 = arith.constant 0 : index
        %get3A_608 = tpu.vector_load %arg13[%get3A_606, %get3A_607] {strides = array<i32>} : memref<128x64xf32, #tpu.memory_space<vmem>>, vector<16xf32>,
        %mul3A_609 = vector.broadcast %squeeze3A_603 : f32 to vector<16xf32>
        %mul3A_610 = arith.mulf %get3A_608, %mul3A_609 : vector<16xf32>
        %add3A_611 = arith.constant 9 : i32
        %add3A_612 = arith.addi %mul3A_153, %add3A_611 : i32
        %swap3A_613 = arith.index_cast %add3A_612 : i32 to index
        %swap3A_614 = arith.constant 0 : index
        %swap3A_615 = tpu.vector_load %arg13[%swap3A_613, %swap3A_614] {strides = array<i32>} : memref<128x64xf32, #tpu.memory_space<vmem>>, vector<16xf32>,
        tpu.vector_store %arg13[%swap3A_613, %swap3A_614], %mul3A_610 {strides = array<i32>} : memref<128x64xf32, #tpu.memory_space<vmem>>, vector<16xf32>,
        %add3A_616 = arith.constant 9 : i32
        %add3A_617 = arith.addi %mul3A_153, %add3A_616 : i32
        %get3A_618 = arith.index_cast %add3A_617 : i32 to index
        %get3A_619 = arith.constant 16 : index
        %get3A_620 = tpu.vector_load %arg13[%get3A_618, %get3A_619] {strides = array<i32>} : memref<128x64xf32, #tpu.memory_space<vmem>>, vector<16xf32>,
        %mul3A_621 = vector.broadcast %squeeze3A_603 : f32 to vector<16xf32>
        %mul3A_622 = arith.mulf %get3A_620, %mul3A_621 : vector<16xf32>
        %add3A_623 = arith.constant 9 : i32
        %add3A_624 = arith.addi %mul3A_153, %add3A_623 : i32
        %swap3A_625 = arith.index_cast %add3A_624 : i32 to index
        %swap3A_626 = arith.constant 16 : index
        %swap3A_627 = tpu.vector_load %arg13[%swap3A_625, %swap3A_626] {strides = array<i32>} : memref<128x64xf32, #tpu.memory_space<vmem>>, vector<16xf32>,
        tpu.vector_store %arg13[%swap3A_625, %swap3A_626], %mul3A_622 {strides = array<i32>} : memref<128x64xf32, #tpu.memory_space<vmem>>, vector<16xf32>,
        %add3A_628 = arith.constant 9 : i32
        %add3A_629 = arith.addi %mul3A_153, %add3A_628 : i32
        %get3A_630 = arith.index_cast %add3A_629 : i32 to index
        %get3A_631 = arith.constant 32 : index
        %get3A_632 = tpu.vector_load %arg13[%get3A_630, %get3A_631] {strides = array<i32>} : memref<128x64xf32, #tpu.memory_space<vmem>>, vector<16xf32>,
        %mul3A_633 = vector.broadcast %squeeze3A_603 : f32 to vector<16xf32>
        %mul3A_634 = arith.mulf %get3A_632, %mul3A_633 : vector<16xf32>
        %add3A_635 = arith.constant 9 : i32
        %add3A_636 = arith.addi %mul3A_153, %add3A_635 : i32
        %swap3A_637 = arith.index_cast %add3A_636 : i32 to index
        %swap3A_638 = arith.constant 32 : index
        %swap3A_639 = tpu.vector_load %arg13[%swap3A_637, %swap3A_638] {strides = array<i32>} : memref<128x64xf32, #tpu.memory_space<vmem>>, vector<16xf32>,
        tpu.vector_store %arg13[%swap3A_637, %swap3A_638], %mul3A_634 {strides = array<i32>} : memref<128x64xf32, #tpu.memory_space<vmem>>, vector<16xf32>,
        %add3A_640 = arith.constant 9 : i32
        %add3A_641 = arith.addi %mul3A_153, %add3A_640 : i32
        %get3A_642 = arith.index_cast %add3A_641 : i32 to index
        %get3A_643 = arith.constant 48 : index
        %get3A_644 = tpu.vector_load %arg13[%get3A_642, %get3A_643] {strides = array<i32>} : memref<128x64xf32, #tpu.memory_space<vmem>>, vector<16xf32>,
        %mul3A_645 = vector.broadcast %squeeze3A_603 : f32 to vector<16xf32>
        %mul3A_646 = arith.mulf %get3A_644, %mul3A_645 : vector<16xf32>
        %add3A_647 = arith.constant 9 : i32
        %add3A_648 = arith.addi %mul3A_153, %add3A_647 : i32
        %swap3A_649 = arith.index_cast %add3A_648 : i32 to index
        %swap3A_650 = arith.constant 48 : index
        %swap3A_651 = tpu.vector_load %arg13[%swap3A_649, %swap3A_650] {strides = array<i32>} : memref<128x64xf32, #tpu.memory_space<vmem>>, vector<16xf32>,
        tpu.vector_store %arg13[%swap3A_649, %swap3A_650], %mul3A_646 {strides = array<i32>} : memref<128x64xf32, #tpu.memory_space<vmem>>, vector<16xf32>,
        %slice3A_652 = vector.extract_strided_slice %get3A_151 {offsets = [10], sizes = [1], strides = [1]} : vector<16xf32> to vector<1xf32>
        %squeeze3A_653 = vector.extract %slice3A_652[0] : f32 from vector<1xf32>
        %add3A_654 = arith.constant 10 : i32
        %add3A_655 = arith.addi %mul3A_153, %add3A_654 : i32
        %get3A_656 = arith.index_cast %add3A_655 : i32 to index
        %get3A_657 = arith.constant 0 : index
        %get3A_658 = tpu.vector_load %arg13[%get3A_656, %get3A_657] {strides = array<i32>} : memref<128x64xf32, #tpu.memory_space<vmem>>, vector<16xf32>,
        %mul3A_659 = vector.broadcast %squeeze3A_653 : f32 to vector<16xf32>
        %mul3A_660 = arith.mulf %get3A_658, %mul3A_659 : vector<16xf32>
        %add3A_661 = arith.constant 10 : i32
        %add3A_662 = arith.addi %mul3A_153, %add3A_661 : i32
        %swap3A_663 = arith.index_cast %add3A_662 : i32 to index
        %swap3A_664 = arith.constant 0 : index
        %swap3A_665 = tpu.vector_load %arg13[%swap3A_663, %swap3A_664] {strides = array<i32>} : memref<128x64xf32, #tpu.memory_space<vmem>>, vector<16xf32>,
        tpu.vector_store %arg13[%swap3A_663, %swap3A_664], %mul3A_660 {strides = array<i32>} : memref<128x64xf32, #tpu.memory_space<vmem>>, vector<16xf32>,
        %add3A_666 = arith.constant 10 : i32
        %add3A_667 = arith.addi %mul3A_153, %add3A_666 : i32
        %get3A_668 = arith.index_cast %add3A_667 : i32 to index
        %get3A_669 = arith.constant 16 : index
        %get3A_670 = tpu.vector_load %arg13[%get3A_668, %get3A_669] {strides = array<i32>} : memref<128x64xf32, #tpu.memory_space<vmem>>, vector<16xf32>,
        %mul3A_671 = vector.broadcast %squeeze3A_653 : f32 to vector<16xf32>
        %mul3A_672 = arith.mulf %get3A_670, %mul3A_671 : vector<16xf32>
        %add3A_673 = arith.constant 10 : i32
        %add3A_674 = arith.addi %mul3A_153, %add3A_673 : i32
        %swap3A_675 = arith.index_cast %add3A_674 : i32 to index
        %swap3A_676 = arith.constant 16 : index
        %swap3A_677 = tpu.vector_load %arg13[%swap3A_675, %swap3A_676] {strides = array<i32>} : memref<128x64xf32, #tpu.memory_space<vmem>>, vector<16xf32>,
        tpu.vector_store %arg13[%swap3A_675, %swap3A_676], %mul3A_672 {strides = array<i32>} : memref<128x64xf32, #tpu.memory_space<vmem>>, vector<16xf32>,
        %add3A_678 = arith.constant 10 : i32
        %add3A_679 = arith.addi %mul3A_153, %add3A_678 : i32
        %get3A_680 = arith.index_cast %add3A_679 : i32 to index
        %get3A_681 = arith.constant 32 : index
        %get3A_682 = tpu.vector_load %arg13[%get3A_680, %get3A_681] {strides = array<i32>} : memref<128x64xf32, #tpu.memory_space<vmem>>, vector<16xf32>,
        %mul3A_683 = vector.broadcast %squeeze3A_653 : f32 to vector<16xf32>
        %mul3A_684 = arith.mulf %get3A_682, %mul3A_683 : vector<16xf32>
        %add3A_685 = arith.constant 10 : i32
        %add3A_686 = arith.addi %mul3A_153, %add3A_685 : i32
        %swap3A_687 = arith.index_cast %add3A_686 : i32 to index
        %swap3A_688 = arith.constant 32 : index
        %swap3A_689 = tpu.vector_load %arg13[%swap3A_687, %swap3A_688] {strides = array<i32>} : memref<128x64xf32, #tpu.memory_space<vmem>>, vector<16xf32>,
        tpu.vector_store %arg13[%swap3A_687, %swap3A_688], %mul3A_684 {strides = array<i32>} : memref<128x64xf32, #tpu.memory_space<vmem>>, vector<16xf32>,
        %add3A_690 = arith.constant 10 : i32
        %add3A_691 = arith.addi %mul3A_153, %add3A_690 : i32
        %get3A_692 = arith.index_cast %add3A_691 : i32 to index
        %get3A_693 = arith.constant 48 : index
        %get3A_694 = tpu.vector_load %arg13[%get3A_692, %get3A_693] {strides = array<i32>} : memref<128x64xf32, #tpu.memory_space<vmem>>, vector<16xf32>,
        %mul3A_695 = vector.broadcast %squeeze3A_653 : f32 to vector<16xf32>
        %mul3A_696 = arith.mulf %get3A_694, %mul3A_695 : vector<16xf32>
        %add3A_697 = arith.constant 10 : i32
        %add3A_698 = arith.addi %mul3A_153, %add3A_697 : i32
        %swap3A_699 = arith.index_cast %add3A_698 : i32 to index
        %swap3A_700 = arith.constant 48 : index
        %swap3A_701 = tpu.vector_load %arg13[%swap3A_699, %swap3A_700] {strides = array<i32>} : memref<128x64xf32, #tpu.memory_space<vmem>>, vector<16xf32>,
        tpu.vector_store %arg13[%swap3A_699, %swap3A_700], %mul3A_696 {strides = array<i32>} : memref<128x64xf32, #tpu.memory_space<vmem>>, vector<16xf32>,
        %slice3A_702 = vector.extract_strided_slice %get3A_151 {offsets = [11], sizes = [1], strides = [1]} : vector<16xf32> to vector<1xf32>
        %squeeze3A_703 = vector.extract %slice3A_702[0] : f32 from vector<1xf32>
        %add3A_704 = arith.constant 11 : i32
        %add3A_705 = arith.addi %mul3A_153, %add3A_704 : i32
        %get3A_706 = arith.index_cast %add3A_705 : i32 to index
        %get3A_707 = arith.constant 0 : index
        %get3A_708 = tpu.vector_load %arg13[%get3A_706, %get3A_707] {strides = array<i32>} : memref<128x64xf32, #tpu.memory_space<vmem>>, vector<16xf32>,
        %mul3A_709 = vector.broadcast %squeeze3A_703 : f32 to vector<16xf32>
        %mul3A_710 = arith.mulf %get3A_708, %mul3A_709 : vector<16xf32>
        %add3A_711 = arith.constant 11 : i32
        %add3A_712 = arith.addi %mul3A_153, %add3A_711 : i32
        %swap3A_713 = arith.index_cast %add3A_712 : i32 to index
        %swap3A_714 = arith.constant 0 : index
        %swap3A_715 = tpu.vector_load %arg13[%swap3A_713, %swap3A_714] {strides = array<i32>} : memref<128x64xf32, #tpu.memory_space<vmem>>, vector<16xf32>,
        tpu.vector_store %arg13[%swap3A_713, %swap3A_714], %mul3A_710 {strides = array<i32>} : memref<128x64xf32, #tpu.memory_space<vmem>>, vector<16xf32>,
        %add3A_716 = arith.constant 11 : i32
        %add3A_717 = arith.addi %mul3A_153, %add3A_716 : i32
        %get3A_718 = arith.index_cast %add3A_717 : i32 to index
        %get3A_719 = arith.constant 16 : index
        %get3A_720 = tpu.vector_load %arg13[%get3A_718, %get3A_719] {strides = array<i32>} : memref<128x64xf32, #tpu.memory_space<vmem>>, vector<16xf32>,
        %mul3A_721 = vector.broadcast %squeeze3A_703 : f32 to vector<16xf32>
        %mul3A_722 = arith.mulf %get3A_720, %mul3A_721 : vector<16xf32>
        %add3A_723 = arith.constant 11 : i32
        %add3A_724 = arith.addi %mul3A_153, %add3A_723 : i32
        %swap3A_725 = arith.index_cast %add3A_724 : i32 to index
        %swap3A_726 = arith.constant 16 : index
        %swap3A_727 = tpu.vector_load %arg13[%swap3A_725, %swap3A_726] {strides = array<i32>} : memref<128x64xf32, #tpu.memory_space<vmem>>, vector<16xf32>,
        tpu.vector_store %arg13[%swap3A_725, %swap3A_726], %mul3A_722 {strides = array<i32>} : memref<128x64xf32, #tpu.memory_space<vmem>>, vector<16xf32>,
        %add3A_728 = arith.constant 11 : i32
        %add3A_729 = arith.addi %mul3A_153, %add3A_728 : i32
        %get3A_730 = arith.index_cast %add3A_729 : i32 to index
        %get3A_731 = arith.constant 32 : index
        %get3A_732 = tpu.vector_load %arg13[%get3A_730, %get3A_731] {strides = array<i32>} : memref<128x64xf32, #tpu.memory_space<vmem>>, vector<16xf32>,
        %mul3A_733 = vector.broadcast %squeeze3A_703 : f32 to vector<16xf32>
        %mul3A_734 = arith.mulf %get3A_732, %mul3A_733 : vector<16xf32>
        %add3A_735 = arith.constant 11 : i32
        %add3A_736 = arith.addi %mul3A_153, %add3A_735 : i32
        %swap3A_737 = arith.index_cast %add3A_736 : i32 to index
        %swap3A_738 = arith.constant 32 : index
        %swap3A_739 = tpu.vector_load %arg13[%swap3A_737, %swap3A_738] {strides = array<i32>} : memref<128x64xf32, #tpu.memory_space<vmem>>, vector<16xf32>,
        tpu.vector_store %arg13[%swap3A_737, %swap3A_738], %mul3A_734 {strides = array<i32>} : memref<128x64xf32, #tpu.memory_space<vmem>>, vector<16xf32>,
        %add3A_740 = arith.constant 11 : i32
        %add3A_741 = arith.addi %mul3A_153, %add3A_740 : i32
        %get3A_742 = arith.index_cast %add3A_741 : i32 to index
        %get3A_743 = arith.constant 48 : index
        %get3A_744 = tpu.vector_load %arg13[%get3A_742, %get3A_743] {strides = array<i32>} : memref<128x64xf32, #tpu.memory_space<vmem>>, vector<16xf32>,
        %mul3A_745 = vector.broadcast %squeeze3A_703 : f32 to vector<16xf32>
        %mul3A_746 = arith.mulf %get3A_744, %mul3A_745 : vector<16xf32>
        %add3A_747 = arith.constant 11 : i32
        %add3A_748 = arith.addi %mul3A_153, %add3A_747 : i32
        %swap3A_749 = arith.index_cast %add3A_748 : i32 to index
        %swap3A_750 = arith.constant 48 : index
        %swap3A_751 = tpu.vector_load %arg13[%swap3A_749, %swap3A_750] {strides = array<i32>} : memref<128x64xf32, #tpu.memory_space<vmem>>, vector<16xf32>,
        tpu.vector_store %arg13[%swap3A_749, %swap3A_750], %mul3A_746 {strides = array<i32>} : memref<128x64xf32, #tpu.memory_space<vmem>>, vector<16xf32>,
        %slice3A_752 = vector.extract_strided_slice %get3A_151 {offsets = [12], sizes = [1], strides = [1]} : vector<16xf32> to vector<1xf32>
        %squeeze3A_753 = vector.extract %slice3A_752[0] : f32 from vector<1xf32>
        %add3A_754 = arith.constant 12 : i32
        %add3A_755 = arith.addi %mul3A_153, %add3A_754 : i32
        %get3A_756 = arith.index_cast %add3A_755 : i32 to index
        %get3A_757 = arith.constant 0 : index
        %get3A_758 = tpu.vector_load %arg13[%get3A_756, %get3A_757] {strides = array<i32>} : memref<128x64xf32, #tpu.memory_space<vmem>>, vector<16xf32>,
        %mul3A_759 = vector.broadcast %squeeze3A_753 : f32 to vector<16xf32>
        %mul3A_760 = arith.mulf %get3A_758, %mul3A_759 : vector<16xf32>
        %add3A_761 = arith.constant 12 : i32
        %add3A_762 = arith.addi %mul3A_153, %add3A_761 : i32
        %swap3A_763 = arith.index_cast %add3A_762 : i32 to index
        %swap3A_764 = arith.constant 0 : index
        %swap3A_765 = tpu.vector_load %arg13[%swap3A_763, %swap3A_764] {strides = array<i32>} : memref<128x64xf32, #tpu.memory_space<vmem>>, vector<16xf32>,
        tpu.vector_store %arg13[%swap3A_763, %swap3A_764], %mul3A_760 {strides = array<i32>} : memref<128x64xf32, #tpu.memory_space<vmem>>, vector<16xf32>,
        %add3A_766 = arith.constant 12 : i32
        %add3A_767 = arith.addi %mul3A_153, %add3A_766 : i32
        %get3A_768 = arith.index_cast %add3A_767 : i32 to index
        %get3A_769 = arith.constant 16 : index
        %get3A_770 = tpu.vector_load %arg13[%get3A_768, %get3A_769] {strides = array<i32>} : memref<128x64xf32, #tpu.memory_space<vmem>>, vector<16xf32>,
        %mul3A_771 = vector.broadcast %squeeze3A_753 : f32 to vector<16xf32>
        %mul3A_772 = arith.mulf %get3A_770, %mul3A_771 : vector<16xf32>
        %add3A_773 = arith.constant 12 : i32
        %add3A_774 = arith.addi %mul3A_153, %add3A_773 : i32
        %swap3A_775 = arith.index_cast %add3A_774 : i32 to index
        %swap3A_776 = arith.constant 16 : index
        %swap3A_777 = tpu.vector_load %arg13[%swap3A_775, %swap3A_776] {strides = array<i32>} : memref<128x64xf32, #tpu.memory_space<vmem>>, vector<16xf32>,
        tpu.vector_store %arg13[%swap3A_775, %swap3A_776], %mul3A_772 {strides = array<i32>} : memref<128x64xf32, #tpu.memory_space<vmem>>, vector<16xf32>,
        %add3A_778 = arith.constant 12 : i32
        %add3A_779 = arith.addi %mul3A_153, %add3A_778 : i32
        %get3A_780 = arith.index_cast %add3A_779 : i32 to index
        %get3A_781 = arith.constant 32 : index
        %get3A_782 = tpu.vector_load %arg13[%get3A_780, %get3A_781] {strides = array<i32>} : memref<128x64xf32, #tpu.memory_space<vmem>>, vector<16xf32>,
        %mul3A_783 = vector.broadcast %squeeze3A_753 : f32 to vector<16xf32>
        %mul3A_784 = arith.mulf %get3A_782, %mul3A_783 : vector<16xf32>
        %add3A_785 = arith.constant 12 : i32
        %add3A_786 = arith.addi %mul3A_153, %add3A_785 : i32
        %swap3A_787 = arith.index_cast %add3A_786 : i32 to index
        %swap3A_788 = arith.constant 32 : index
        %swap3A_789 = tpu.vector_load %arg13[%swap3A_787, %swap3A_788] {strides = array<i32>} : memref<128x64xf32, #tpu.memory_space<vmem>>, vector<16xf32>,
        tpu.vector_store %arg13[%swap3A_787, %swap3A_788], %mul3A_784 {strides = array<i32>} : memref<128x64xf32, #tpu.memory_space<vmem>>, vector<16xf32>,
        %add3A_790 = arith.constant 12 : i32
        %add3A_791 = arith.addi %mul3A_153, %add3A_790 : i32
        %get3A_792 = arith.index_cast %add3A_791 : i32 to index
        %get3A_793 = arith.constant 48 : index
        %get3A_794 = tpu.vector_load %arg13[%get3A_792, %get3A_793] {strides = array<i32>} : memref<128x64xf32, #tpu.memory_space<vmem>>, vector<16xf32>,
        %mul3A_795 = vector.broadcast %squeeze3A_753 : f32 to vector<16xf32>
        %mul3A_796 = arith.mulf %get3A_794, %mul3A_795 : vector<16xf32>
        %add3A_797 = arith.constant 12 : i32
        %add3A_798 = arith.addi %mul3A_153, %add3A_797 : i32
        %swap3A_799 = arith.index_cast %add3A_798 : i32 to index
        %swap3A_800 = arith.constant 48 : index
        %swap3A_801 = tpu.vector_load %arg13[%swap3A_799, %swap3A_800] {strides = array<i32>} : memref<128x64xf32, #tpu.memory_space<vmem>>, vector<16xf32>,
        tpu.vector_store %arg13[%swap3A_799, %swap3A_800], %mul3A_796 {strides = array<i32>} : memref<128x64xf32, #tpu.memory_space<vmem>>, vector<16xf32>,
        %slice3A_802 = vector.extract_strided_slice %get3A_151 {offsets = [13], sizes = [1], strides = [1]} : vector<16xf32> to vector<1xf32>
        %squeeze3A_803 = vector.extract %slice3A_802[0] : f32 from vector<1xf32>
        %add3A_804 = arith.constant 13 : i32
        %add3A_805 = arith.addi %mul3A_153, %add3A_804 : i32
        %get3A_806 = arith.index_cast %add3A_805 : i32 to index
        %get3A_807 = arith.constant 0 : index
        %get3A_808 = tpu.vector_load %arg13[%get3A_806, %get3A_807] {strides = array<i32>} : memref<128x64xf32, #tpu.memory_space<vmem>>, vector<16xf32>,
        %mul3A_809 = vector.broadcast %squeeze3A_803 : f32 to vector<16xf32>
        %mul3A_810 = arith.mulf %get3A_808, %mul3A_809 : vector<16xf32>
        %add3A_811 = arith.constant 13 : i32
        %add3A_812 = arith.addi %mul3A_153, %add3A_811 : i32
        %swap3A_813 = arith.index_cast %add3A_812 : i32 to index
        %swap3A_814 = arith.constant 0 : index
        %swap3A_815 = tpu.vector_load %arg13[%swap3A_813, %swap3A_814] {strides = array<i32>} : memref<128x64xf32, #tpu.memory_space<vmem>>, vector<16xf32>,
        tpu.vector_store %arg13[%swap3A_813, %swap3A_814], %mul3A_810 {strides = array<i32>} : memref<128x64xf32, #tpu.memory_space<vmem>>, vector<16xf32>,
        %add3A_816 = arith.constant 13 : i32
        %add3A_817 = arith.addi %mul3A_153, %add3A_816 : i32
        %get3A_818 = arith.index_cast %add3A_817 : i32 to index
        %get3A_819 = arith.constant 16 : index
        %get3A_820 = tpu.vector_load %arg13[%get3A_818, %get3A_819] {strides = array<i32>} : memref<128x64xf32, #tpu.memory_space<vmem>>, vector<16xf32>,
        %mul3A_821 = vector.broadcast %squeeze3A_803 : f32 to vector<16xf32>
        %mul3A_822 = arith.mulf %get3A_820, %mul3A_821 : vector<16xf32>
        %add3A_823 = arith.constant 13 : i32
        %add3A_824 = arith.addi %mul3A_153, %add3A_823 : i32
        %swap3A_825 = arith.index_cast %add3A_824 : i32 to index
        %swap3A_826 = arith.constant 16 : index
        %swap3A_827 = tpu.vector_load %arg13[%swap3A_825, %swap3A_826] {strides = array<i32>} : memref<128x64xf32, #tpu.memory_space<vmem>>, vector<16xf32>,
        tpu.vector_store %arg13[%swap3A_825, %swap3A_826], %mul3A_822 {strides = array<i32>} : memref<128x64xf32, #tpu.memory_space<vmem>>, vector<16xf32>,
        %add3A_828 = arith.constant 13 : i32
        %add3A_829 = arith.addi %mul3A_153, %add3A_828 : i32
        %get3A_830 = arith.index_cast %add3A_829 : i32 to index
        %get3A_831 = arith.constant 32 : index
        %get3A_832 = tpu.vector_load %arg13[%get3A_830, %get3A_831] {strides = array<i32>} : memref<128x64xf32, #tpu.memory_space<vmem>>, vector<16xf32>,
        %mul3A_833 = vector.broadcast %squeeze3A_803 : f32 to vector<16xf32>
        %mul3A_834 = arith.mulf %get3A_832, %mul3A_833 : vector<16xf32>
        %add3A_835 = arith.constant 13 : i32
        %add3A_836 = arith.addi %mul3A_153, %add3A_835 : i32
        %swap3A_837 = arith.index_cast %add3A_836 : i32 to index
        %swap3A_838 = arith.constant 32 : index
        %swap3A_839 = tpu.vector_load %arg13[%swap3A_837, %swap3A_838] {strides = array<i32>} : memref<128x64xf32, #tpu.memory_space<vmem>>, vector<16xf32>,
        tpu.vector_store %arg13[%swap3A_837, %swap3A_838], %mul3A_834 {strides = array<i32>} : memref<128x64xf32, #tpu.memory_space<vmem>>, vector<16xf32>,
        %add3A_840 = arith.constant 13 : i32
        %add3A_841 = arith.addi %mul3A_153, %add3A_840 : i32
        %get3A_842 = arith.index_cast %add3A_841 : i32 to index
        %get3A_843 = arith.constant 48 : index
        %get3A_844 = tpu.vector_load %arg13[%get3A_842, %get3A_843] {strides = array<i32>} : memref<128x64xf32, #tpu.memory_space<vmem>>, vector<16xf32>,
        %mul3A_845 = vector.broadcast %squeeze3A_803 : f32 to vector<16xf32>
        %mul3A_846 = arith.mulf %get3A_844, %mul3A_845 : vector<16xf32>
        %add3A_847 = arith.constant 13 : i32
        %add3A_848 = arith.addi %mul3A_153, %add3A_847 : i32
        %swap3A_849 = arith.index_cast %add3A_848 : i32 to index
        %swap3A_850 = arith.constant 48 : index
        %swap3A_851 = tpu.vector_load %arg13[%swap3A_849, %swap3A_850] {strides = array<i32>} : memref<128x64xf32, #tpu.memory_space<vmem>>, vector<16xf32>,
        tpu.vector_store %arg13[%swap3A_849, %swap3A_850], %mul3A_846 {strides = array<i32>} : memref<128x64xf32, #tpu.memory_space<vmem>>, vector<16xf32>,
        %slice3A_852 = vector.extract_strided_slice %get3A_151 {offsets = [14], sizes = [1], strides = [1]} : vector<16xf32> to vector<1xf32>
        %squeeze3A_853 = vector.extract %slice3A_852[0] : f32 from vector<1xf32>
        %add3A_854 = arith.constant 14 : i32
        %add3A_855 = arith.addi %mul3A_153, %add3A_854 : i32
        %get3A_856 = arith.index_cast %add3A_855 : i32 to index
        %get3A_857 = arith.constant 0 : index
        %get3A_858 = tpu.vector_load %arg13[%get3A_856, %get3A_857] {strides = array<i32>} : memref<128x64xf32, #tpu.memory_space<vmem>>, vector<16xf32>,
        %mul3A_859 = vector.broadcast %squeeze3A_853 : f32 to vector<16xf32>
        %mul3A_860 = arith.mulf %get3A_858, %mul3A_859 : vector<16xf32>
        %add3A_861 = arith.constant 14 : i32
        %add3A_862 = arith.addi %mul3A_153, %add3A_861 : i32
        %swap3A_863 = arith.index_cast %add3A_862 : i32 to index
        %swap3A_864 = arith.constant 0 : index
        %swap3A_865 = tpu.vector_load %arg13[%swap3A_863, %swap3A_864] {strides = array<i32>} : memref<128x64xf32, #tpu.memory_space<vmem>>, vector<16xf32>,
        tpu.vector_store %arg13[%swap3A_863, %swap3A_864], %mul3A_860 {strides = array<i32>} : memref<128x64xf32, #tpu.memory_space<vmem>>, vector<16xf32>,
        %add3A_866 = arith.constant 14 : i32
        %add3A_867 = arith.addi %mul3A_153, %add3A_866 : i32
        %get3A_868 = arith.index_cast %add3A_867 : i32 to index
        %get3A_869 = arith.constant 16 : index
        %get3A_870 = tpu.vector_load %arg13[%get3A_868, %get3A_869] {strides = array<i32>} : memref<128x64xf32, #tpu.memory_space<vmem>>, vector<16xf32>,
        %mul3A_871 = vector.broadcast %squeeze3A_853 : f32 to vector<16xf32>
        %mul3A_872 = arith.mulf %get3A_870, %mul3A_871 : vector<16xf32>
        %add3A_873 = arith.constant 14 : i32
        %add3A_874 = arith.addi %mul3A_153, %add3A_873 : i32
        %swap3A_875 = arith.index_cast %add3A_874 : i32 to index
        %swap3A_876 = arith.constant 16 : index
        %swap3A_877 = tpu.vector_load %arg13[%swap3A_875, %swap3A_876] {strides = array<i32>} : memref<128x64xf32, #tpu.memory_space<vmem>>, vector<16xf32>,
        tpu.vector_store %arg13[%swap3A_875, %swap3A_876], %mul3A_872 {strides = array<i32>} : memref<128x64xf32, #tpu.memory_space<vmem>>, vector<16xf32>,
        %add3A_878 = arith.constant 14 : i32
        %add3A_879 = arith.addi %mul3A_153, %add3A_878 : i32
        %get3A_880 = arith.index_cast %add3A_879 : i32 to index
        %get3A_881 = arith.constant 32 : index
        %get3A_882 = tpu.vector_load %arg13[%get3A_880, %get3A_881] {strides = array<i32>} : memref<128x64xf32, #tpu.memory_space<vmem>>, vector<16xf32>,
        %mul3A_883 = vector.broadcast %squeeze3A_853 : f32 to vector<16xf32>
        %mul3A_884 = arith.mulf %get3A_882, %mul3A_883 : vector<16xf32>
        %add3A_885 = arith.constant 14 : i32
        %add3A_886 = arith.addi %mul3A_153, %add3A_885 : i32
        %swap3A_887 = arith.index_cast %add3A_886 : i32 to index
        %swap3A_888 = arith.constant 32 : index
        %swap3A_889 = tpu.vector_load %arg13[%swap3A_887, %swap3A_888] {strides = array<i32>} : memref<128x64xf32, #tpu.memory_space<vmem>>, vector<16xf32>,
        tpu.vector_store %arg13[%swap3A_887, %swap3A_888], %mul3A_884 {strides = array<i32>} : memref<128x64xf32, #tpu.memory_space<vmem>>, vector<16xf32>,
        %add3A_890 = arith.constant 14 : i32
        %add3A_891 = arith.addi %mul3A_153, %add3A_890 : i32
        %get3A_892 = arith.index_cast %add3A_891 : i32 to index
        %get3A_893 = arith.constant 48 : index
        %get3A_894 = tpu.vector_load %arg13[%get3A_892, %get3A_893] {strides = array<i32>} : memref<128x64xf32, #tpu.memory_space<vmem>>, vector<16xf32>,
        %mul3A_895 = vector.broadcast %squeeze3A_853 : f32 to vector<16xf32>
        %mul3A_896 = arith.mulf %get3A_894, %mul3A_895 : vector<16xf32>
        %add3A_897 = arith.constant 14 : i32
        %add3A_898 = arith.addi %mul3A_153, %add3A_897 : i32
        %swap3A_899 = arith.index_cast %add3A_898 : i32 to index
        %swap3A_900 = arith.constant 48 : index
        %swap3A_901 = tpu.vector_load %arg13[%swap3A_899, %swap3A_900] {strides = array<i32>} : memref<128x64xf32, #tpu.memory_space<vmem>>, vector<16xf32>,
        tpu.vector_store %arg13[%swap3A_899, %swap3A_900], %mul3A_896 {strides = array<i32>} : memref<128x64xf32, #tpu.memory_space<vmem>>, vector<16xf32>,
        %slice3A_902 = vector.extract_strided_slice %get3A_151 {offsets = [15], sizes = [1], strides = [1]} : vector<16xf32> to vector<1xf32>
        %squeeze3A_903 = vector.extract %slice3A_902[0] : f32 from vector<1xf32>
        %add3A_904 = arith.constant 15 : i32
        %add3A_905 = arith.addi %mul3A_153, %add3A_904 : i32
        %get3A_906 = arith.index_cast %add3A_905 : i32 to index
        %get3A_907 = arith.constant 0 : index
        %get3A_908 = tpu.vector_load %arg13[%get3A_906, %get3A_907] {strides = array<i32>} : memref<128x64xf32, #tpu.memory_space<vmem>>, vector<16xf32>,
        %mul3A_909 = vector.broadcast %squeeze3A_903 : f32 to vector<16xf32>
        %mul3A_910 = arith.mulf %get3A_908, %mul3A_909 : vector<16xf32>
        %add3A_911 = arith.constant 15 : i32
        %add3A_912 = arith.addi %mul3A_153, %add3A_911 : i32
        %swap3A_913 = arith.index_cast %add3A_912 : i32 to index
        %swap3A_914 = arith.constant 0 : index
        %swap3A_915 = tpu.vector_load %arg13[%swap3A_913, %swap3A_914] {strides = array<i32>} : memref<128x64xf32, #tpu.memory_space<vmem>>, vector<16xf32>,
        tpu.vector_store %arg13[%swap3A_913, %swap3A_914], %mul3A_910 {strides = array<i32>} : memref<128x64xf32, #tpu.memory_space<vmem>>, vector<16xf32>,
        %add3A_916 = arith.constant 15 : i32
        %add3A_917 = arith.addi %mul3A_153, %add3A_916 : i32
        %get3A_918 = arith.index_cast %add3A_917 : i32 to index
        %get3A_919 = arith.constant 16 : index
        %get3A_920 = tpu.vector_load %arg13[%get3A_918, %get3A_919] {strides = array<i32>} : memref<128x64xf32, #tpu.memory_space<vmem>>, vector<16xf32>,
        %mul3A_921 = vector.broadcast %squeeze3A_903 : f32 to vector<16xf32>
        %mul3A_922 = arith.mulf %get3A_920, %mul3A_921 : vector<16xf32>
        %add3A_923 = arith.constant 15 : i32
        %add3A_924 = arith.addi %mul3A_153, %add3A_923 : i32
        %swap3A_925 = arith.index_cast %add3A_924 : i32 to index
        %swap3A_926 = arith.constant 16 : index
        %swap3A_927 = tpu.vector_load %arg13[%swap3A_925, %swap3A_926] {strides = array<i32>} : memref<128x64xf32, #tpu.memory_space<vmem>>, vector<16xf32>,
        tpu.vector_store %arg13[%swap3A_925, %swap3A_926], %mul3A_922 {strides = array<i32>} : memref<128x64xf32, #tpu.memory_space<vmem>>, vector<16xf32>,
        %add3A_928 = arith.constant 15 : i32
        %add3A_929 = arith.addi %mul3A_153, %add3A_928 : i32
        %get3A_930 = arith.index_cast %add3A_929 : i32 to index
        %get3A_931 = arith.constant 32 : index
        %get3A_932 = tpu.vector_load %arg13[%get3A_930, %get3A_931] {strides = array<i32>} : memref<128x64xf32, #tpu.memory_space<vmem>>, vector<16xf32>,
        %mul3A_933 = vector.broadcast %squeeze3A_903 : f32 to vector<16xf32>
        %mul3A_934 = arith.mulf %get3A_932, %mul3A_933 : vector<16xf32>
        %add3A_935 = arith.constant 15 : i32
        %add3A_936 = arith.addi %mul3A_153, %add3A_935 : i32
        %swap3A_937 = arith.index_cast %add3A_936 : i32 to index
        %swap3A_938 = arith.constant 32 : index
        %swap3A_939 = tpu.vector_load %arg13[%swap3A_937, %swap3A_938] {strides = array<i32>} : memref<128x64xf32, #tpu.memory_space<vmem>>, vector<16xf32>,
        tpu.vector_store %arg13[%swap3A_937, %swap3A_938], %mul3A_934 {strides = array<i32>} : memref<128x64xf32, #tpu.memory_space<vmem>>, vector<16xf32>,
        %add3A_940 = arith.constant 15 : i32
        %add3A_941 = arith.addi %mul3A_153, %add3A_940 : i32
        %get3A_942 = arith.index_cast %add3A_941 : i32 to index
        %get3A_943 = arith.constant 48 : index
        %get3A_944 = tpu.vector_load %arg13[%get3A_942, %get3A_943] {strides = array<i32>} : memref<128x64xf32, #tpu.memory_space<vmem>>, vector<16xf32>,
        %mul3A_945 = vector.broadcast %squeeze3A_903 : f32 to vector<16xf32>
        %mul3A_946 = arith.mulf %get3A_944, %mul3A_945 : vector<16xf32>
        %add3A_947 = arith.constant 15 : i32
        %add3A_948 = arith.addi %mul3A_153, %add3A_947 : i32
        %swap3A_949 = arith.index_cast %add3A_948 : i32 to index
        %swap3A_950 = arith.constant 48 : index
        %swap3A_951 = tpu.vector_load %arg13[%swap3A_949, %swap3A_950] {strides = array<i32>} : memref<128x64xf32, #tpu.memory_space<vmem>>, vector<16xf32>,
        tpu.vector_store %arg13[%swap3A_949, %swap3A_950], %mul3A_946 {strides = array<i32>} : memref<128x64xf32, #tpu.memory_space<vmem>>, vector<16xf32>,
      }
      %scan3A_146 = arith.constant 8 : i32
      "tpu.region"() ({
        %run_scoped3A = tpu.sem_alloc : memref<!tpu.dma_semaphore, #tpu.memory_space<semaphore_mem>>
        %dma_start3A_147 = arith.constant 0 : i32
        %dma_start3A_148 = tpu.memref_slice %arg10[%scan3A_13, %dma_start3A_147] : memref<81x128xi32, #tpu.memory_space<vmem>> -> memref<1x128xi32, #tpu.memory_space<vmem>>
        %dma_start3A_149 = tpu.memref_squeeze %dma_start3A_148 : memref<1x128xi32, #tpu.memory_space<vmem>> -> memref<128xi32, #tpu.memory_space<vmem>>
        %dma_start3A_150 = arith.constant 0 : i32
        %dma_start3A_151 = arith.constant 0 : i32
        %dma_start3A_152 = tpu.memref_slice %arg15[%dma_start3A_150, %dma_start3A_151] : memref<10240x64xf32, #tpu.memory_space<vmem_shared>> -> memref<10240x64xf32, #tpu.memory_space<vmem_shared>>
        tpu.enqueue_indirect_dma source(%arg13 : memref<128x64xf32, #tpu.memory_space<vmem>>) target(%dma_start3A_152 : memref<10240x64xf32, #tpu.memory_space<vmem_shared>>) offsets(%dma_start3A_149 : memref<128xi32, #tpu.memory_space<vmem>>) semaphore(%run_scoped3A : memref<!tpu.dma_semaphore, #tpu.memory_space<semaphore_mem>>) {add = true}
        %dma_wait3A_153 = arith.constant 0 : i32
        %dma_wait3A_154 = tpu.memref_slice %arg10[%scan3A_13, %dma_wait3A_153] : memref<81x128xi32, #tpu.memory_space<vmem>> -> memref<1x128xi32, #tpu.memory_space<vmem>>
        %dma_wait3A_155 = tpu.memref_squeeze %dma_wait3A_154 : memref<1x128xi32, #tpu.memory_space<vmem>> -> memref<128xi32, #tpu.memory_space<vmem>>
        %dma_wait3A_156 = arith.constant 0 : i32
        %dma_wait3A_157 = arith.constant 0 : i32
        %dma_wait3A_158 = tpu.memref_slice %arg15[%dma_wait3A_156, %dma_wait3A_157] : memref<10240x64xf32, #tpu.memory_space<vmem_shared>> -> memref<10240x64xf32, #tpu.memory_space<vmem_shared>>
        tpu.wait_indirect_dma semaphore(%run_scoped3A : memref<!tpu.dma_semaphore, #tpu.memory_space<semaphore_mem>>) src(%arg13 : memref<128x64xf32, #tpu.memory_space<vmem>>) dst(%dma_wait3A_158 : memref<10240x64xf32, #tpu.memory_space<vmem_shared>>)
        tpu.yield
      }) : () -> ()
    }
    %scan3A_7 = arith.constant 81 : i32
    %barrier3A_8 = arith.constant 0 : index
    tpu.barrier barrier_id(%barrier3A_8)
    %mul3A_9 = arith.constant 640 : i32
    %mul3A_10 = arith.muli %arg1, %mul3A_9 : i32
    %mul3A_11 = arith.constant 640 : i32
    %mul3A_12 = arith.muli %arg1, %mul3A_11 : i32
    "tpu.region"() ({
      %run_scoped3A = tpu.sem_alloc : memref<!tpu.dma_semaphore, #tpu.memory_space<semaphore_mem>>
      %dma_start3A = arith.constant 0 : i32
      %dma_start3A_13 = tpu.memref_slice %arg8[%arg0, %mul3A_12, %dma_start3A] : memref<2x10240x64xf32, #tpu.memory_space<hbm>> -> memref<1x640x64xf32, #tpu.memory_space<hbm>>
      %dma_start3A_14 = tpu.memref_squeeze %dma_start3A_13 : memref<1x640x64xf32, #tpu.memory_space<hbm>> -> memref<640x64xf32, #tpu.memory_space<hbm>>
      %dma_start3A_15 = arith.constant 0 : i32
      %dma_start3A_16 = tpu.memref_slice %arg15[%mul3A_10, %dma_start3A_15] : memref<10240x64xf32, #tpu.memory_space<vmem_shared>> -> memref<640x64xf32, #tpu.memory_space<vmem_shared>>
      tpu.enqueue_dma source(%dma_start3A_16 : memref<640x64xf32, #tpu.memory_space<vmem_shared>>) target(%dma_start3A_14 : memref<640x64xf32, #tpu.memory_space<hbm>>) target_semaphore(%run_scoped3A : memref<!tpu.dma_semaphore, #tpu.memory_space<semaphore_mem>>)
      %dma_wait3A = arith.constant 0 : i32
      %dma_wait3A_17 = tpu.memref_slice %arg8[%arg0, %mul3A_12, %dma_wait3A] : memref<2x10240x64xf32, #tpu.memory_space<hbm>> -> memref<1x640x64xf32, #tpu.memory_space<hbm>>
      %dma_wait3A_18 = tpu.memref_squeeze %dma_wait3A_17 : memref<1x640x64xf32, #tpu.memory_space<hbm>> -> memref<640x64xf32, #tpu.memory_space<hbm>>
      %dma_wait3A_19 = arith.constant 0 : i32
      %dma_wait3A_20 = tpu.memref_slice %arg15[%mul3A_10, %dma_wait3A_19] : memref<10240x64xf32, #tpu.memory_space<vmem_shared>> -> memref<640x64xf32, #tpu.memory_space<vmem_shared>>
      tpu.wait_dma2 semaphore(%run_scoped3A : memref<!tpu.dma_semaphore, #tpu.memory_space<semaphore_mem>>) src(%dma_wait3A_20 : memref<640x64xf32, #tpu.memory_space<vmem_shared>>) dst(%dma_wait3A_18 : memref<640x64xf32, #tpu.memory_space<hbm>>)
      tpu.yield
    }) : () -> ()
    return
  }
}

module attributes {stable_mosaic.version = 14 : i64} {
  func.func @_mm_body(%arg0: i32, %arg1: memref<1024x128xf32, #tpu.memory_space<vmem>>, %arg2: memref<128x64xf32, #tpu.memory_space<vmem>>, %arg3: memref<1024x64xf32, #tpu.memory_space<vmem>>) attributes {dimension_semantics = [#tpu.dimension_semantics<arbitrary>], iteration_bounds = array<i64: 10>, scalar_prefetch = 0 : i64, scratch_operands = 0 : i64, tpu.core_type = #tpu.core_type<tc>, window_params = [{transform_indices = @transform_0, window_bounds = array<i64: 1024, 128>}, {pipeline_mode = #tpu.pipeline_mode<synchronous>, transform_indices = @transform_1, window_bounds = array<i64: 128, 64>}, {transform_indices = @transform_2, window_bounds = array<i64: 1024, 64>}]} {
    %get3A = arith.constant 0 : index
    %get3A_0 = arith.constant 0 : index
    %get3A_1 = vector.load %arg1[%get3A, %get3A_0] : memref<1024x128xf32, #tpu.memory_space<vmem>>, vector<1024x128xf32>
    %get3A_2 = arith.constant 0 : index
    %get3A_3 = arith.constant 0 : index
    %get3A_4 = vector.load %arg2[%get3A_2, %get3A_3] : memref<128x64xf32, #tpu.memory_space<vmem>>, vector<128x64xf32>
    %dot_general3A = arith.constant dense<0.000000e+00> : vector<1024x64xf32>
    %dot_general3A_5 = tpu.matmul %get3A_1, %get3A_4, %dot_general3A {dimension_numbers = #tpu.dot_dimension_numbers<[1], [0], [0], [1], [0, 0, 1, 1], [], []>, transpose_lhs_hint = false} : vector<1024x128xf32>, vector<128x64xf32>, vector<1024x64xf32> -> vector<1024x64xf32>
    %swap3A = arith.constant 0 : index
    %swap3A_6 = arith.constant 0 : index
    %swap3A_7 = vector.load %arg3[%swap3A, %swap3A_6] : memref<1024x64xf32, #tpu.memory_space<vmem>>, vector<1024x64xf32>
    tpu.vector_store %arg3[%swap3A, %swap3A_6], %dot_general3A_5 {strides = array<i32>} : memref<1024x64xf32, #tpu.memory_space<vmem>>, vector<1024x64xf32>,
    return
  }
  func.func @transform_0(%arg0: i32) -> (i32, i32) {
    %c0_i32 = arith.constant 0 : i32
    %c0_i32_0 = arith.constant 0 : i32
    return %arg0, %c0_i32 : i32, i32
  }
  func.func @transform_1(%arg0: i32) -> (i32, i32) {
    %c0_i32 = arith.constant 0 : i32
    %c0_i32_0 = arith.constant 0 : i32
    %c0_i32_1 = arith.constant 0 : i32
    return %c0_i32, %c0_i32_0 : i32, i32
  }
  func.func @transform_2(%arg0: i32) -> (i32, i32) {
    %c0_i32 = arith.constant 0 : i32
    %c0_i32_0 = arith.constant 0 : i32
    return %arg0, %c0_i32 : i32, i32
  }
}

module attributes {stable_mosaic.version = 14 : i64} {
  func.func @_dis_body(%arg0: memref<2x80x128xf32, #tpu.memory_space<vmem>>, %arg1: memref<80x128xf32, #tpu.memory_space<vmem>>) attributes {dimension_semantics = [], scalar_prefetch = 0 : i64, scratch_operands = 0 : i64, tpu.core_type = #tpu.core_type<tc>} {
    %get3A = arith.constant 0 : index
    %get3A_0 = arith.constant 0 : index
    %get3A_1 = arith.constant 0 : index
    %get3A_2 = vector.load %arg0[%get3A, %get3A_0, %get3A_1] : memref<2x80x128xf32, #tpu.memory_space<vmem>>, vector<1x80x128xf32>
    %get3A_3 = vector.shape_cast %get3A_2 : vector<1x80x128xf32> to vector<80x128xf32>
    %get3A_4 = arith.constant 1 : index
    %get3A_5 = arith.constant 0 : index
    %get3A_6 = arith.constant 0 : index
    %get3A_7 = vector.load %arg0[%get3A_4, %get3A_5, %get3A_6] : memref<2x80x128xf32, #tpu.memory_space<vmem>>, vector<1x80x128xf32>
    %get3A_8 = vector.shape_cast %get3A_7 : vector<1x80x128xf32> to vector<80x128xf32>
    %add3A = arith.addf %get3A_3, %get3A_8 : vector<80x128xf32>
    %rsqrt3A = math.rsqrt %add3A : vector<80x128xf32>
    %swap3A = arith.constant 0 : index
    %swap3A_9 = arith.constant 0 : index
    %swap3A_10 = vector.load %arg1[%swap3A, %swap3A_9] : memref<80x128xf32, #tpu.memory_space<vmem>>, vector<80x128xf32>
    tpu.vector_store %arg1[%swap3A, %swap3A_9], %rsqrt3A {strides = array<i32>} : memref<80x128xf32, #tpu.memory_space<vmem>>, vector<80x128xf32>,
    return
  }
}

module attributes {stable_mosaic.version = 14 : i64} {
  func.func @_mid_body(%arg0: i32, %arg1: memref<2x1024x64xf32, #tpu.memory_space<vmem>>, %arg2: memref<1x64xf32, #tpu.memory_space<vmem>>, %arg3: memref<64x64xf32, #tpu.memory_space<vmem>>, %arg4: memref<1024x64xf32, #tpu.memory_space<vmem>>) attributes {dimension_semantics = [#tpu.dimension_semantics<arbitrary>], iteration_bounds = array<i64: 10>, scalar_prefetch = 0 : i64, scratch_operands = 0 : i64, tpu.core_type = #tpu.core_type<tc>, window_params = [{transform_indices = @transform_0, window_bounds = array<i64: 2, 1024, 64>}, {pipeline_mode = #tpu.pipeline_mode<synchronous>, transform_indices = @transform_1, window_bounds = array<i64: 1, 64>}, {pipeline_mode = #tpu.pipeline_mode<synchronous>, transform_indices = @transform_2, window_bounds = array<i64: 64, 64>}, {transform_indices = @transform_3, window_bounds = array<i64: 1024, 64>}]} {
    %get3A = arith.constant 0 : index
    %get3A_0 = arith.constant 0 : index
    %get3A_1 = arith.constant 0 : index
    %get3A_2 = vector.load %arg1[%get3A, %get3A_0, %get3A_1] : memref<2x1024x64xf32, #tpu.memory_space<vmem>>, vector<1x1024x64xf32>
    %get3A_3 = vector.shape_cast %get3A_2 : vector<1x1024x64xf32> to vector<1024x64xf32>
    %get3A_4 = arith.constant 1 : index
    %get3A_5 = arith.constant 0 : index
    %get3A_6 = arith.constant 0 : index
    %get3A_7 = vector.load %arg1[%get3A_4, %get3A_5, %get3A_6] : memref<2x1024x64xf32, #tpu.memory_space<vmem>>, vector<1x1024x64xf32>
    %get3A_8 = vector.shape_cast %get3A_7 : vector<1x1024x64xf32> to vector<1024x64xf32>
    %add3A = arith.addf %get3A_3, %get3A_8 : vector<1024x64xf32>
    %get3A_9 = arith.constant 0 : index
    %get3A_10 = arith.constant 0 : index
    %get3A_11 = vector.load %arg2[%get3A_9, %get3A_10] : memref<1x64xf32, #tpu.memory_space<vmem>>, vector<1x64xf32>
    %add3A_12 = vector.broadcast %get3A_11 : vector<1x64xf32> to vector<1024x64xf32>
    %add3A_13 = arith.addf %add3A, %add3A_12 : vector<1024x64xf32>
    %max3A = arith.constant 0.000000e+00 : f32
    %max3A_14 = vector.broadcast %max3A : f32 to vector<1024x64xf32>
    %max3A_15 = arith.maximumf %add3A_13, %max3A_14 : vector<1024x64xf32>
    %get3A_16 = arith.constant 0 : index
    %get3A_17 = arith.constant 0 : index
    %get3A_18 = vector.load %arg3[%get3A_16, %get3A_17] : memref<64x64xf32, #tpu.memory_space<vmem>>, vector<64x64xf32>
    %dot_general3A = arith.constant dense<0.000000e+00> : vector<1024x64xf32>
    %dot_general3A_19 = tpu.matmul %max3A_15, %get3A_18, %dot_general3A {dimension_numbers = #tpu.dot_dimension_numbers<[1], [0], [0], [1], [0, 0, 1, 1], [], []>, transpose_lhs_hint = false} : vector<1024x64xf32>, vector<64x64xf32>, vector<1024x64xf32> -> vector<1024x64xf32>
    %swap3A = arith.constant 0 : index
    %swap3A_20 = arith.constant 0 : index
    %swap3A_21 = vector.load %arg4[%swap3A, %swap3A_20] : memref<1024x64xf32, #tpu.memory_space<vmem>>, vector<1024x64xf32>
    tpu.vector_store %arg4[%swap3A, %swap3A_20], %dot_general3A_19 {strides = array<i32>} : memref<1024x64xf32, #tpu.memory_space<vmem>>, vector<1024x64xf32>,
    return
  }
  func.func @transform_0(%arg0: i32) -> (i32, i32, i32) {
    %c0_i32 = arith.constant 0 : i32
    %c0_i32_0 = arith.constant 0 : i32
    %c0_i32_1 = arith.constant 0 : i32
    return %c0_i32, %arg0, %c0_i32_0 : i32, i32, i32
  }
  func.func @transform_1(%arg0: i32) -> (i32, i32) {
    %c0_i32 = arith.constant 0 : i32
    %c0_i32_0 = arith.constant 0 : i32
    %c0_i32_1 = arith.constant 0 : i32
    return %c0_i32, %c0_i32_0 : i32, i32
  }
  func.func @transform_2(%arg0: i32) -> (i32, i32) {
    %c0_i32 = arith.constant 0 : i32
    %c0_i32_0 = arith.constant 0 : i32
    %c0_i32_1 = arith.constant 0 : i32
    return %c0_i32, %c0_i32_0 : i32, i32
  }
  func.func @transform_3(%arg0: i32) -> (i32, i32) {
    %c0_i32 = arith.constant 0 : i32
    %c0_i32_0 = arith.constant 0 : i32
    return %arg0, %c0_i32 : i32, i32
  }
}

module attributes {stable_mosaic.version = 14 : i64} {
  func.func @_fin_body(%arg0: i32, %arg1: memref<2x1024x64xf32, #tpu.memory_space<vmem>>, %arg2: memref<1x64xf32, #tpu.memory_space<vmem>>, %arg3: memref<1024x64xf32, #tpu.memory_space<vmem>>) attributes {dimension_semantics = [#tpu.dimension_semantics<arbitrary>], iteration_bounds = array<i64: 10>, scalar_prefetch = 0 : i64, scratch_operands = 0 : i64, tpu.core_type = #tpu.core_type<tc>, window_params = [{transform_indices = @transform_0, window_bounds = array<i64: 2, 1024, 64>}, {pipeline_mode = #tpu.pipeline_mode<synchronous>, transform_indices = @transform_1, window_bounds = array<i64: 1, 64>}, {transform_indices = @transform_2, window_bounds = array<i64: 1024, 64>}]} {
    %get3A = arith.constant 0 : index
    %get3A_0 = arith.constant 0 : index
    %get3A_1 = arith.constant 0 : index
    %get3A_2 = vector.load %arg1[%get3A, %get3A_0, %get3A_1] : memref<2x1024x64xf32, #tpu.memory_space<vmem>>, vector<1x1024x64xf32>
    %get3A_3 = vector.shape_cast %get3A_2 : vector<1x1024x64xf32> to vector<1024x64xf32>
    %get3A_4 = arith.constant 1 : index
    %get3A_5 = arith.constant 0 : index
    %get3A_6 = arith.constant 0 : index
    %get3A_7 = vector.load %arg1[%get3A_4, %get3A_5, %get3A_6] : memref<2x1024x64xf32, #tpu.memory_space<vmem>>, vector<1x1024x64xf32>
    %get3A_8 = vector.shape_cast %get3A_7 : vector<1x1024x64xf32> to vector<1024x64xf32>
    %add3A = arith.addf %get3A_3, %get3A_8 : vector<1024x64xf32>
    %get3A_9 = arith.constant 0 : index
    %get3A_10 = arith.constant 0 : index
    %get3A_11 = vector.load %arg2[%get3A_9, %get3A_10] : memref<1x64xf32, #tpu.memory_space<vmem>>, vector<1x64xf32>
    %add3A_12 = vector.broadcast %get3A_11 : vector<1x64xf32> to vector<1024x64xf32>
    %add3A_13 = arith.addf %add3A, %add3A_12 : vector<1024x64xf32>
    %swap3A = arith.constant 0 : index
    %swap3A_14 = arith.constant 0 : index
    %swap3A_15 = vector.load %arg3[%swap3A, %swap3A_14] : memref<1024x64xf32, #tpu.memory_space<vmem>>, vector<1024x64xf32>
    tpu.vector_store %arg3[%swap3A, %swap3A_14], %add3A_13 {strides = array<i32>} : memref<1024x64xf32, #tpu.memory_space<vmem>>, vector<1024x64xf32>,
    return
  }
  func.func @transform_0(%arg0: i32) -> (i32, i32, i32) {
    %c0_i32 = arith.constant 0 : i32
    %c0_i32_0 = arith.constant 0 : i32
    %c0_i32_1 = arith.constant 0 : i32
    return %c0_i32, %arg0, %c0_i32_0 : i32, i32, i32
  }
  func.func @transform_1(%arg0: i32) -> (i32, i32) {
    %c0_i32 = arith.constant 0 : i32
    %c0_i32_0 = arith.constant 0 : i32
    %c0_i32_1 = arith.constant 0 : i32
    return %c0_i32, %c0_i32_0 : i32, i32
  }
  func.func @transform_2(%arg0: i32) -> (i32, i32) {
    %c0_i32 = arith.constant 0 : i32
    %c0_i32_0 = arith.constant 0 : i32
    return %arg0, %c0_i32 : i32, i32
  }
}

</mosaic_0001>

<sc_bundles>
// kernel: kernel.12.cloned.1.call-start
scs
__scs_entry_jumppad:
0x0: {  	(pc) =	sbr.rel $0x88, $3  }
0x1: {  	(tag) =	ssettag $0x0;
	lr =	simm.s32 $0x1  }
0x2: {  	[smem:$0x3F9A] =	sst lr;
	_ =	strace $0xD0000000  }
0x3: {  	_ = 	snop  }
0x4: {  	_ = 	snop  }
0x5: {  	_ = 	snop  }
0x6: {  	_ = 	snop  }
0x7: {  	_ = 	snop  }
__scs_overlays_trampoline_lowered:
0x8: {  	[smem:$0x3FA9] =	sst s0  }
0x9: {  	[smem:$0x3FAA] =	sst s1  }
0xa: {  	[smem:$0x3FAB] =	sst s2  }
0xb: {  	[smem:$0x3FAC] =	sst s3  }
0xc: {  	[smem:$0x3FAD] =	sst s4  }
0xd: {  	[smem:$0x3FAE] =	sst s5  }
0xe: {  	[smem:$0x3FAF] =	sst s6  }
0xf: {  	[smem:$0x3FB0] =	sst s7  }
0x10: {  	[smem:$0x3FB1] =	sst s8  }
0x11: {  	[smem:$0x3FB2] =	sst s9;
	s0 =	simm.s32 @!p0 $0x0  }
0x12: {  	s1 =	sld [smem:$0x3F98];
	s0 =	simm.s32 @p0 $0x1  }
0x13: {  	[smem:$0x3FB3] =	sst s0;
	s0 =	simm.s32 @!p1 $0x0  }
0x14: {  	s2 =	sld [smem:$0x3F97];
	s0 =	simm.s32 @p1 $0x1  }
0x15: {  	[smem:$0x3FB4] =	sst s0;
	s0 =	simm.s32 @!p2 $0x0  }
0x16: {  	s3 =	sld [smem:$0x3FDB];
	s0 =	simm.s32 @p2 $0x1  }
0x17: {  	s4 =	simm.s32 $0x1BF5;
	[smem:$0x3FB6] =	sst s0  }
0x18: {  	s0 =	sld [smem:$0x3F99];
	_ =	swait.ge [sflag:s4], $0x0  }
0x19: {  	s7 =	sld [smem:$0x3F9A]  }
0x1a: {  	s8 =	sadd.s32 $0xFFFFE003, lr  }
0x1b: {  	s9 =	sadd.s32 $0xFFFFFEF7, lr;
	s5 =	simm.s32 $0xFFFFFFFF;
	p2 =	slt.u32 s8, $0xFFFFF086  }
0x1c: {  	p1 =	slt.u32 s9, $0xF7A;
	s5 =	simm.s32 @!p2 $0x0  }
0x1d: {  	s5 =	simm.s32 @p1 $0x1;
	p0 =	seq.s32 s7, s2  }
0x1e: {  	s7 =	smul.u32 @!p0 $0xF7A, s2;
	p2 =	seq.s32 @!p0 s5, $0x0  }
0x1f: {  	s9 =	smul.u32 $0xF7A, s1;
	s8 =	simm.s32 @!p0 $0x1BF5;
	p2 =	por !p2, p0  }
0x20: {  	[sflag:s8] =	ssyncset.s32 @!p0 $0xFFFFF086;
	s6 =	sadd.s32 @!p0 s3, s7;
	s7 =	simm.s32 @!p0 $0x108  }
0x21: {  	s3 =	sadd.s32 s3, s9;
	s6 =	sadd.s32 @!p0 $0x88, s6;
	s7 =	simm.s32 @p2 $0x1082  }
0x22: {  	[simem:s7], [sflag:s8] =	dma.local @!p0 [hbm:s6], $0xF7A  }
0x23: {  	s9 =	sor.u32 $0xD0000000, s2;
	s6 =	simm.s32 $0x108;
	_ =	swait.ge @!p0 [sflag:s8], $0x0  }
0x24: {  	s3 =	sadd.s32 $0x88, s3;
	s6 =	simm.s32 @!p1 $0x1082;
	[sflag:s4] =	ssyncset.s32 $0xFFFFF086  }
0x25: {  	[simem:s6], [sflag:s4] =	dma.local [hbm:s3], $0xF7A  }
0x26: {  	[smem:$0x3F9A] =	sst s1;
	(tag) =	ssettag s2;
	_ =	strace s9  }
0x27: {  	s1 =	sld [smem:$0x3FAA]  }
0x28: {  	s2 =	sld [smem:$0x3FAB]  }
0x29: {  	s4 =	sld [smem:$0x3FAD]  }
0x2a: {  	p0 =	seq.s32 s5, $0x0;
	s5 =	sld [smem:$0x3FAE]  }
0x2b: {  	s6 =	sld [smem:$0x3FAF]  }
0x2c: {  	s7 =	sld [smem:$0x3FB0]  }
0x2d: {  	s3 =	simm.s32 $0x108;
	s8 =	sld [smem:$0x3FB1]  }
0x2e: {  	s3 =	simm.s32 @!p0 $0x1082;
	s9 =	sld [smem:$0x3FB2]  }
0x2f: {  	lr =	sadd.s32 s0, s3;
	s0 =	sld [smem:$0x3FA9]  }
0x30: {  	s3 =	sld [smem:$0x3FAC]  }
0x31: {  	[smem:$0x3FB5] =	sst s10  }
0x32: {  	s10 =	sld [smem:$0x3FB3];
	_ =	sdelay $0x3  }
0x33: {  	p0 =	seq.s32 s10, $0x1;
	s10 =	sld [smem:$0x3FB5];
	_ =	sdelay $0x3  }
0x34: {  	[smem:$0x3FB5] =	sst s10  }
0x35: {  	s10 =	sld [smem:$0x3FB4];
	_ =	sdelay $0x3  }
0x36: {  	p1 =	seq.s32 s10, $0x1;
	s10 =	sld [smem:$0x3FB5];
	_ =	sdelay $0x3  }
0x37: {  	[smem:$0x3FB5] =	sst s10  }
0x38: {  	s10 =	sld [smem:$0x3FB6]  }
0x39: {  	_ = 	snop;
	(pc) =	sbr.ind lr, $3  }
0x3a: {  	_ = 	snop  }
0x3b: {  	_ = 	snop  }
0x3c: {  	p2 =	seq.s32 s10, $0x1;
	s10 =	sld [smem:$0x3FB5]  }
0x3d: {  	_ =	shalt  }
0x3e: {  	_ =	shalt  }
0x3f: {  	_ =	shalt  }
0x40: {  	_ =	shalt  }
0x41: {  	_ =	shalt  }
0x42: {  	_ =	shalt  }
0x43: {  	_ =	shalt  }
0x44: {  	_ =	shalt  }
0x45: {  	_ =	shalt  }
0x46: {  	_ =	shalt  }
0x47: {  	_ =	shalt  }
0x48: {  	_ =	shalt  }
0x49: {  	_ =	shalt  }
0x4a: {  	_ =	shalt  }
0x4b: {  	_ =	shalt  }
0x4c: {  	_ =	shalt  }
0x4d: {  	_ =	shalt  }
0x4e: {  	_ =	shalt  }
0x4f: {  	_ =	shalt  }
0x50: {  	_ =	shalt  }
0x51: {  	_ =	shalt  }
0x52: {  	_ =	shalt  }
0x53: {  	_ =	shalt  }
0x54: {  	_ =	shalt  }
0x55: {  	_ =	shalt  }
0x56: {  	_ =	shalt  }
0x57: {  	_ =	shalt  }
0x58: {  	_ =	shalt  }
0x59: {  	_ =	shalt  }
0x5a: {  	_ =	shalt  }
0x5b: {  	_ =	shalt  }
0x5c: {  	_ =	shalt  }
0x5d: {  	_ =	shalt  }
0x5e: {  	_ =	shalt  }
0x5f: {  	_ =	shalt  }
0x60: {  	_ =	shalt  }
0x61: {  	_ =	shalt  }
0x62: {  	_ =	shalt  }
0x63: {  	_ =	shalt  }
0x64: {  	_ =	shalt  }
0x65: {  	_ =	shalt  }
0x66: {  	_ =	shalt  }
0x67: {  	_ =	shalt  }
0x68: {  	_ =	shalt  }
0x69: {  	_ =	shalt  }
0x6a: {  	_ =	shalt  }
0x6b: {  	_ =	shalt  }
0x6c: {  	_ =	shalt  }
0x6d: {  	_ =	shalt  }
0x6e: {  	_ =	shalt  }
0x6f: {  	_ =	shalt  }
0x70: {  	_ =	shalt  }
0x71: {  	_ =	shalt  }
0x72: {  	_ =	shalt  }
0x73: {  	_ =	shalt  }
0x74: {  	_ =	shalt  }
0x75: {  	_ =	shalt  }
0x76: {  	_ =	shalt  }
0x77: {  	_ =	shalt  }
0x78: {  	_ =	shalt  }
0x79: {  	_ =	shalt  }
0x7a: {  	_ =	shalt  }
0x7b: {  	_ =	shalt  }
0x7c: {  	_ =	shalt  }
0x7d: {  	_ =	shalt  }
0x7e: {  	_ =	shalt  }
0x7f: {  	_ =	shalt  }
0x80: {  	_ =	shalt  }
0x81: {  	_ =	shalt  }
0x82: {  	_ =	shalt  }
0x83: {  	_ =	shalt  }
0x84: {  	_ =	shalt  }
0x85: {  	_ =	shalt  }
0x86: {  	_ =	shalt  }
0x87: {  	_ =	shalt  }
.Lfunc_end0:
.L_simem_size_0:
called_computation.1_lowered:
.L_overlay_start_0:
0x88: {  	s2 =	sld [smem:$0x3FD9]  }
0x89: {  	s3 =	sld [smem:$0x3FFE];
	_ =	sdelay $0x1  }
0x8a: {  	s1 =	srdreg.scid  }
0x8b: {  	s0 =	sand.u32 $0x1, s1  }
0x8c: {  	s17 =	sshll.u32 s0, $0xA;
	s2 =	sadd.s32 s3, s2  }
0x8d: {  	s2 =	sadd.s32 s2, s17  }
0x8e: {  	[smem:$0x3FC1] =	sst s2  }
0x8f: {  	_ = 	snop  }
0x90: {  	s2 =	sld [smem:$0x3FD0];
	(tm) =	ssettm $0x1  }
0x91: {  	s18 =	sld [smem:$0x3FFB];
	_ =	sdelay $0x3  }
0x92: {  	_ =	strace s18  }
0x93: {  	s3 =	sld [smem:$0x3FFC];
	_ =	sdelay $0x3  }
0x94: {  	_ =	strace s3  }
0x95: {  	s3 =	sld [smem:$0x3FFD];
	_ =	sdelay $0x3  }
0x96: {  	_ =	strace s3  }
0x97: {  	_ =	strace $0x8FFFFFFF  }
0x98: {  	s19 =	sld [smem:$0x3FDB];
	_ =	sdelay $0x1  }
0x99: {  	s4 =	simm.s32 $_scs_section_size  }
0x9a: {  	s5 =	simm.s32 $_size__tile_overlayer_lowered;
	s6 =	simm.s32 $_tile_overlayer_lowered  }
0x9b: {  	s22 =	simm.s32 $0x1BFF;
	s21 =	sshll.u32 s6, $0x1;
	s3 =	sadd.s32 s4, s19  }
0x9c: {  	s7 =	simm.s32 $0x0;
	s20 =	sshll.u32 s5, $0x1;
	s5 =	sadd.s32 s21, s3  }
0x9d: {  	[timem:s7], [sflag:s22] =	dma.local [hbm:s5], s20  }
0x9e: {  	_ =	swait.ge [sflag:s22], s20  }
0x9f: {  	s4 =	ssub.s32 $0x0, s20;
	[sflag:s22] =	ssyncset.done $0x0  }
0xa0: {  	[sflag:s22] =	ssyncadd.s32 s4;
	_ =	sdelay $0x1  }
0xa1: {  	s23 =	simm.s32 $0x1B8B  }
0xa2: {  	_ =	swait.ge [sflag:s23], $0x1  }
0xa3: {  	[sflag:s23] =	ssyncset.done $0x0  }
0xa4: {  	s25 =	simm.s32 $0x1B8E;
	s24 =	sld [smem:$0x3FFE];
	[sflag:s23] =	ssyncadd.s32 $0xFFFFFFFF  }
0xa5: {  	s26 =	simm.s32 $execute0_lowered;
	[smem:$0x3FD2] =	sst s25  }
0xa6: {  	s5 =	sshll.u32 s26, $0x1;
	_ =	strace $0x80000049;
	[dreg:$0x1] =	wrdreg $0xFFFFFFFF  }
0xa7: {  	s28 =	simm.s32 $_size_execute0_lowered;
	s3 =	sadd.s32 s3, s5;
	[dreg:$0x0] =	wrdreg $0x0  }
0xa8: {  	s5 =	sshll.u32 s28, $0x1;
	[dreg:$0x2] =	wrdreg s3  }
0xa9: {  	[dreg:$0x3] =	wrdreg s5  }
0xaa: {  	[dreg:$0x4] =	wrdreg $0xC0  }
0xab: {  	_ =	task [dreg:s7], $0x5FFFF  }
0xac: {  	[dreg:$0x1] =	wrdreg $0xFFFFFFFF  }
0xad: {  	[dreg:$0x0] =	wrdreg $0x60  }
0xae: {  	[dreg:$0x2] =	wrdreg s24  }
0xaf: {  	[dreg:$0x3] =	wrdreg s2  }
0xb0: {  	[dreg:$0x4] =	wrdreg $0xC2000  }
0xb1: {  	[dreg:$0x5] =	wrdreg $0x9  }
0xb2: {  	_ =	task.clear_ibuf [dreg:s7], $0x6FFFF;
	_ =	strace $0x90000049  }
0xb3: {  	s29 =	simm.s32 $0x9;
	_ =	strace $0x8000004B  }
0xb4: {  	_ =	swait.ge [sflag:s29], $0x1  }
0xb5: {  	[sflag:s29] =	ssyncadd.s32 $0xFFFFFFFF  }
0xb6: {  	_ =	strace $0x9000004B  }
0xb7: {  	_ =	sfence  }
0xb8: {  	s30 =	sld [smem:$0x0];
	_ =	sdelay $0x2  }
0xb9: {  	s31 =	sshll.u32 s1, $0xD;
	s1 =	sshrl.u32 s1, $0x2  }
0xba: {  	s3 =	sand.u32 $0x4000, s31;
	s1 =	sadd.s32 s1, s30  }
0xbb: {  	s0 =	sor.u32 s3, s0;
	s1 =	sshll.u32 s1, $0x11  }
0xbc: {  	s0 =	sor.u32 s1, s0  }
0xbd: {  	s0 =	sadd.s32 $0x8F2B, s0  }
0xbe: {  	[sflag:s0] =	ssyncadd.remote.s32 $0x1  }
0xbf: {  	_ =	sfence.sel $0xFFFF  }
0xc0: {  	[dreg:$0x0] =	wrdreg $0xFFFFFFFF;
	(pc) =	sbr.abs _section_cstart, $3  }
0xc1: {  	[dreg:$0x1] =	wrdreg $0xFFFFFFFF  }
0xc2: {  	_ =	task.clear_ibuf [dreg:s7], $0x2FFFF;
	_ =	strace $0x9FFFFFFF  }
0xc3: {  	(tm) =	ssettm $0x7FFFFFFF  }
tec
execute0_lowered:
.L_overlay_start_1:
0x0: {  	(tag) =	ssettag $0x1  }
0x1: {  	s7 =	rddreg [dreg:$0x0]  }
0x2: {  	s1 =	srdreg.scid;
	s8 =	rddreg [dreg:$0x1]  }
0x3: {  	s0 =	stileid.u32;
	s2 =	rddreg [dreg:$0x2];
	s3 =	simm.s32 $0x0  }
0x4: {  	s14 =	simm.s32 $0x5100;
	s15 =	simm.s32 $0x7980;
	s18 =	simm.s32 $0x80  }
0x5: {  	s19 =	simm.s32 $0xA180;
	s20 =	simm.s32 $0x1;
	s21 =	simm.s32 $0x0  }
0x6: {  	s6 =	sand.u32 $0x1, s1;
	s30 =	sshll.u32 s0, $0x1;
	s10 =	smul.u32 $0xA000, s0  }
0x7: {  	[smem:$0x7FF] =	sst s3;
	s4 =	sadd.s32 $0x16C00, s7;
	s16 =	sshll.u32 s0, $0x6  }
0x8: {  	s1 =	sor.u32 s6, s30;
	s5 =	smul.u32 $0xA0000, s6;
	s13 =	ssub.s32 $0x2, s6  }
0x9: {  	s6 =	sadd.s32 $0x2AC00, s7;
	s16 =	sor.u32 $0x1C02, s16;
	s9 =	smul.u32 $0x510, s1  }
0xa: {  	s1 =	rddreg [dreg:$0x3];
	_ =	strace $0x8000004A;
	s31 =	sshrl.u32 s13, $0x1  }
0xb: {  	s17 =	sadd.s32 s10, s2;
	s12 =	sadd.s32 s10, s5;
	s5 =	sadd.s32 $0x16000, s7  }
0xc: {  	s13 =	ssub.s32 s13, s31;
	s17 =	sshrl.u32 s17, $0x3;
	s12 =	sshrl.u32 s12, $0x3  }
0xd: {  	s11 =	sadd.s32 s9, s7;
	s8 =	sadd.s32 s8, s9;
	s12 =	sadd.s32 s12, s7  }
0xe: {  	s7 =	sadd.s32 $0xBE00, s11;
	s9 =	sadd.s32 $0x1C00, s11;
	s11 =	smax.u32 s13, $0x1  }
0xf: {  	s13 =	simm.s32 $0x2880;
	s10 =	sadd.s32 $0x2C000, s12;
	s12 =	simm.s32 $0x2  }
.LBB2_1:
0x10: {  	[tilespmem:s3], [sflag:$0x2] =	stream.linear.gather [hbm4b:s7+s3], $0x2880, $0x38;
	[tilespmem:$0x16200] =	vst v63  }
0x11: {  	_ =	swait.ge [sflag:s12], $0x2880  }
0x12: {  	[sflag:s12] =	ssyncset.done $0x0  }
0x13: {  	[sflag:s12] =	ssyncadd.s32 $0xFFFFD780  }
0x14: {  	[tilespmem:s13], [sflag:$0x2] =	stream.linear.gather [hbm4b:s8+s3], $0x2880, $0x38;
	[tilespmem:$0x16200] =	vst v63  }
0x15: {  	_ =	swait.ge [sflag:s12], $0x2880  }
0x16: {  	[sflag:s12] =	ssyncset.done $0x0  }
0x17: {  	[sflag:s12] =	ssyncadd.s32 $0xFFFFD780  }
0x18: {  	[tilespmem:s14], [sflag:$0x2] =	stream.linear.gather [hbm4b:s9+s3], $0x2880, $0x38;
	[tilespmem:$0x16200] =	vst v63  }
0x19: {  	_ =	swait.ge [sflag:s12], $0x2880  }
0x1a: {  	[sflag:s12] =	ssyncset.done $0x0  }
0x1b: {  	[sflag:s12] =	ssyncadd.s32 $0xFFFFD780  }
0x1c: {  	[tilespmem:s15], [sflag:$0x2] =	stream.linear.gather [hbm4b:s5+s3], $0x2800, $0x38;
	[tilespmem:$0x16200] =	vst v63  }
0x1d: {  	_ =	swait.ge [sflag:s12], $0x2800  }
0x1e: {  	[sflag:s12] =	ssyncset.done $0x0  }
0x1f: {  	[sflag:s12] =	ssyncadd.s32 $0xFFFFD800  }
0x20: {  	[spmem:s17], [sflag:s16] =	dma.local [hbm:s6], $0x1400  }
0x21: {  	_ =	swait.ge [sflag:s12], $0x1400  }
0x22: {  	[sflag:s12] =	ssyncset.done $0x0  }
0x23: {  	[sflag:s12] =	ssyncadd.s32 $0xFFFFEC00  }
0x24: {  	s22 =	simm.s32 $0x0;
	[bflag:$0x0] =	sbarrier.arrive $0xFFFF  }
.LBB2_2:
0x25: {  	s23 =	sshll.u32 s22, $0x7  }
0x26: {  	v0 =	vld [tilespmem:s23+$0x0];
	_ =	sdelay $0x1  }
0x27: {  	v1 =	vld [tilespmem:s23+$0x2880];
	_ =	sdelay $0x4  }
0x28: {  	v2 =	vld [tilespmem:s23+$0x5100]  }
0x29: {  	v0 =	vld.idx.msk [tilespmem:v0+s15+$0x0], $0xffff;
	_ =	sdelay $0x1  }
0x2a: {  	v1 =	vld.idx.msk [tilespmem:v1+s15+$0x0], $0xffff;
	_ =	sdelay $0x2  }
0x2b: {  	v0 =	vmul.f32 v0, v2;
	_ =	sdelay $0x1  }
0x2c: {  	v0 =	vmul.f32 v1, v0;
	_ =	sdelay $0x1  }
0x2d: {  	[tilespmem:$0xC180] =	vst v0  }
0x2e: {  	v0 =	vld [tilespmem:s23+$0x10];
	_ =	sdelay $0x1  }
0x2f: {  	v50 =	vld [tilespmem:s23+$0x2890];
	_ =	sdelay $0x4  }
0x30: {  	v51 =	vld [tilespmem:s23+$0x5110]  }
0x31: {  	v0 =	vld.idx.msk [tilespmem:v0+s15+$0x0], $0xffff;
	_ =	sdelay $0x1  }
0x32: {  	v1 =	vld.idx.msk [tilespmem:v50+s15+$0x0], $0xffff;
	_ =	sdelay $0x2  }
0x33: {  	v0 =	vmul.f32 v0, v51;
	_ =	sdelay $0x1  }
0x34: {  	v0 =	vmul.f32 v1, v0;
	_ =	sdelay $0x1  }
0x35: {  	[tilespmem:$0xC190] =	vst v0  }
0x36: {  	v0 =	vld [tilespmem:s23+$0x20];
	_ =	sdelay $0x1  }
0x37: {  	v52 =	vld [tilespmem:s23+$0x28A0];
	_ =	sdelay $0x4  }
0x38: {  	v53 =	vld [tilespmem:s23+$0x5120]  }
0x39: {  	v0 =	vld.idx.msk [tilespmem:v0+s15+$0x0], $0xffff;
	_ =	sdelay $0x1  }
0x3a: {  	v1 =	vld.idx.msk [tilespmem:v52+s15+$0x0], $0xffff;
	_ =	sdelay $0x2  }
0x3b: {  	v0 =	vmul.f32 v0, v53;
	_ =	sdelay $0x1  }
0x3c: {  	v0 =	vmul.f32 v1, v0;
	_ =	sdelay $0x1  }
0x3d: {  	[tilespmem:$0xC1A0] =	vst v0  }
0x3e: {  	v0 =	vld [tilespmem:s23+$0x30];
	_ =	sdelay $0x1  }
0x3f: {  	v54 =	vld [tilespmem:s23+$0x28B0];
	_ =	sdelay $0x4  }
0x40: {  	v55 =	vld [tilespmem:s23+$0x5130]  }
0x41: {  	v0 =	vld.idx.msk [tilespmem:v0+s15+$0x0], $0xffff;
	_ =	sdelay $0x1  }
0x42: {  	v1 =	vld.idx.msk [tilespmem:v54+s15+$0x0], $0xffff;
	_ =	sdelay $0x2  }
0x43: {  	v0 =	vmul.f32 v0, v55;
	_ =	sdelay $0x1  }
0x44: {  	v0 =	vmul.f32 v1, v0;
	_ =	sdelay $0x1  }
0x45: {  	[tilespmem:$0xC1B0] =	vst v0  }
0x46: {  	v0 =	vld [tilespmem:s23+$0x40];
	_ =	sdelay $0x1  }
0x47: {  	v56 =	vld [tilespmem:s23+$0x28C0];
	_ =	sdelay $0x4  }
0x48: {  	v57 =	vld [tilespmem:s23+$0x5140]  }
0x49: {  	v0 =	vld.idx.msk [tilespmem:v0+s15+$0x0], $0xffff;
	_ =	sdelay $0x1  }
0x4a: {  	v1 =	vld.idx.msk [tilespmem:v56+s15+$0x0], $0xffff;
	_ =	sdelay $0x2  }
0x4b: {  	v0 =	vmul.f32 v0, v57;
	_ =	sdelay $0x1  }
0x4c: {  	v0 =	vmul.f32 v1, v0;
	_ =	sdelay $0x1  }
0x4d: {  	[tilespmem:$0xC1C0] =	vst v0  }
0x4e: {  	v0 =	vld [tilespmem:s23+$0x50];
	_ =	sdelay $0x1  }
0x4f: {  	v58 =	vld [tilespmem:s23+$0x28D0];
	_ =	sdelay $0x4  }
0x50: {  	v59 =	vld [tilespmem:s23+$0x5150]  }
0x51: {  	v0 =	vld.idx.msk [tilespmem:v0+s15+$0x0], $0xffff;
	_ =	sdelay $0x1  }
0x52: {  	v1 =	vld.idx.msk [tilespmem:v58+s15+$0x0], $0xffff;
	_ =	sdelay $0x2  }
0x53: {  	v0 =	vmul.f32 v0, v59;
	_ =	sdelay $0x1  }
0x54: {  	v0 =	vmul.f32 v1, v0;
	_ =	sdelay $0x1  }
0x55: {  	[tilespmem:$0xC1D0] =	vst v0  }
0x56: {  	v0 =	vld [tilespmem:s23+$0x60];
	_ =	sdelay $0x1  }
0x57: {  	v60 =	vld [tilespmem:s23+$0x28E0];
	_ =	sdelay $0x4  }
0x58: {  	v61 =	vld [tilespmem:s23+$0x5160]  }
0x59: {  	v0 =	vld.idx.msk [tilespmem:v0+s15+$0x0], $0xffff;
	_ =	sdelay $0x1  }
0x5a: {  	v1 =	vld.idx.msk [tilespmem:v60+s15+$0x0], $0xffff;
	_ =	sdelay $0x2  }
0x5b: {  	v0 =	vmul.f32 v0, v61;
	_ =	sdelay $0x1  }
0x5c: {  	v0 =	vmul.f32 v1, v0;
	_ =	sdelay $0x1  }
0x5d: {  	[tilespmem:$0xC1E0] =	vst v0  }
0x5e: {  	v0 =	vld [tilespmem:s23+$0x70];
	_ =	sdelay $0x1  }
0x5f: {  	v62 =	vld [tilespmem:s23+$0x28F0];
	_ =	sdelay $0x4  }
0x60: {  	v63 =	vld [tilespmem:s23+$0x5170]  }
0x61: {  	v0 =	vld.idx.msk [tilespmem:v0+s15+$0x0], $0xffff;
	_ =	sdelay $0x1  }
0x62: {  	v1 =	vld.idx.msk [tilespmem:v62+s15+$0x0], $0xffff;
	_ =	sdelay $0x2  }
0x63: {  	v0 =	vmul.f32 v0, v63;
	_ =	sdelay $0x1  }
0x64: {  	v0 =	vmul.f32 v1, v0;
	_ =	sdelay $0x1  }
0x65: {  	[tilespmem:$0xC1F0] =	vst v0  }
0x66: {  	[tilespmem:s19], [sflag:$0x1] =	stream.indirect.gather [hbm4b:s4+s18], $0x40, s23, s18, $0xb8;
	[tilespmem:$0x16200] =	vst v63  }
0x67: {  	_ =	swait.ge [sflag:s20], $0x2000  }
0x68: {  	s24 =	simm.s32 $0x0;
	[sflag:s20] =	ssyncset.done $0x0  }
0x69: {  	s25 =	simm.s32 $0xA380;
	s23 =	sadd.s32 $0x2880, s23;
	[sflag:s20] =	ssyncadd.s32 $0xFFFFE000  }
.LBB2_3:
0x6a: {  	s26 =	sshra.s32 s24, $0x2  }
0x6b: {  	v0 =	vld [tilespmem:s26+$0xC180];
	_ =	sdelay $0x1  }
0x6c: {  	v1 =	vld [tilespmem:s25+$0xFFFFFE00];
	_ =	sdelay $0x1  }
0x6d: {  	v47 =	vld [tilespmem:s25+$0xFFFFFE10]  }
0x6e: {  	v2 =	vbroadcast v0, $0x0  }
0x6f: {  	v48 =	vld [tilespmem:s25+$0xFFFFFE20]  }
0x70: {  	v1 =	vmul.f32 v2, v1  }
0x71: {  	v49 =	vld [tilespmem:s25+$0xFFFFFE30]  }
0x72: {  	[tilespmem:s25+$0xFFFFFE00] =	vst v1;
	v1 =	vmul.f32 v47, v2  }
0x73: {  	v50 =	vld [tilespmem:s25+$0xFFFFFE40]  }
0x74: {  	[tilespmem:s25+$0xFFFFFE10] =	vst v1;
	v1 =	vmul.f32 v48, v2  }
0x75: {  	v52 =	vld [tilespmem:s25+$0xFFFFFE50]  }
0x76: {  	v51 =	vbroadcast v0, $0x1;
	[tilespmem:s25+$0xFFFFFE20] =	vst v1;
	v1 =	vmul.f32 v49, v2  }
0x77: {  	v53 =	vld [tilespmem:s25+$0xFFFFFE60]  }
0x78: {  	[tilespmem:s25+$0xFFFFFE30] =	vst v1;
	v1 =	vmul.f32 v50, v51  }
0x79: {  	v54 =	vld [tilespmem:s25+$0xFFFFFE70]  }
0x7a: {  	[tilespmem:s25+$0xFFFFFE40] =	vst v1;
	v1 =	vmul.f32 v52, v51  }
0x7b: {  	v55 =	vld [tilespmem:s25+$0xFFFFFE80]  }
0x7c: {  	[tilespmem:s25+$0xFFFFFE50] =	vst v1;
	v1 =	vmul.f32 v53, v51  }
0x7d: {  	v57 =	vld [tilespmem:s25+$0xFFFFFE90]  }
0x7e: {  	v56 =	vbroadcast v0, $0x2;
	[tilespmem:s25+$0xFFFFFE60] =	vst v1;
	v1 =	vmul.f32 v54, v51  }
0x7f: {  	v58 =	vld [tilespmem:s25+$0xFFFFFEA0]  }
0x80: {  	[tilespmem:s25+$0xFFFFFE70] =	vst v1;
	v1 =	vmul.f32 v55, v56  }
0x81: {  	v59 =	vld [tilespmem:s25+$0xFFFFFEB0]  }
0x82: {  	[tilespmem:s25+$0xFFFFFE80] =	vst v1;
	v1 =	vmul.f32 v57, v56  }
0x83: {  	v60 =	vld [tilespmem:s25+$0xFFFFFEC0]  }
0x84: {  	[tilespmem:s25+$0xFFFFFE90] =	vst v1;
	v1 =	vmul.f32 v58, v56  }
0x85: {  	v62 =	vld [tilespmem:s25+$0xFFFFFED0]  }
0x86: {  	v61 =	vbroadcast v0, $0x3;
	[tilespmem:s25+$0xFFFFFEA0] =	vst v1;
	v1 =	vmul.f32 v59, v56  }
0x87: {  	v63 =	vld [tilespmem:s25+$0xFFFFFEE0]  }
0x88: {  	[tilespmem:s25+$0xFFFFFEB0] =	vst v1;
	v1 =	vmul.f32 v60, v61  }
0x89: {  	v4 =	vld [tilespmem:s25+$0xFFFFFEF0]  }
0x8a: {  	[tilespmem:s25+$0xFFFFFEC0] =	vst v1;
	v1 =	vmul.f32 v62, v61  }
0x8b: {  	v5 =	vld [tilespmem:s25+$0xFFFFFF00]  }
0x8c: {  	[tilespmem:s25+$0xFFFFFED0] =	vst v1;
	v1 =	vmul.f32 v63, v61  }
0x8d: {  	v7 =	vld [tilespmem:s25+$0xFFFFFF10]  }
0x8e: {  	v6 =	vbroadcast v0, $0x4;
	[tilespmem:s25+$0xFFFFFEE0] =	vst v1;
	v1 =	vmul.f32 v4, v61  }
0x8f: {  	v8 =	vld [tilespmem:s25+$0xFFFFFF20]  }
0x90: {  	[tilespmem:s25+$0xFFFFFEF0] =	vst v1;
	v1 =	vmul.f32 v5, v6  }
0x91: {  	v9 =	vld [tilespmem:s25+$0xFFFFFF30]  }
0x92: {  	[tilespmem:s25+$0xFFFFFF00] =	vst v1;
	v1 =	vmul.f32 v7, v6  }
0x93: {  	v10 =	vld [tilespmem:s25+$0xFFFFFF40]  }
0x94: {  	[tilespmem:s25+$0xFFFFFF10] =	vst v1;
	v1 =	vmul.f32 v8, v6  }
0x95: {  	v12 =	vld [tilespmem:s25+$0xFFFFFF50]  }
0x96: {  	v11 =	vbroadcast v0, $0x5;
	[tilespmem:s25+$0xFFFFFF20] =	vst v1;
	v1 =	vmul.f32 v9, v6  }
0x97: {  	v13 =	vld [tilespmem:s25+$0xFFFFFF60]  }
0x98: {  	[tilespmem:s25+$0xFFFFFF30] =	vst v1;
	v1 =	vmul.f32 v10, v11  }
0x99: {  	v14 =	vld [tilespmem:s25+$0xFFFFFF70]  }
0x9a: {  	[tilespmem:s25+$0xFFFFFF40] =	vst v1;
	v1 =	vmul.f32 v12, v11  }
0x9b: {  	v15 =	vld [tilespmem:s25+$0xFFFFFF80]  }
0x9c: {  	[tilespmem:s25+$0xFFFFFF50] =	vst v1;
	v1 =	vmul.f32 v13, v11  }
0x9d: {  	v17 =	vld [tilespmem:s25+$0xFFFFFF90]  }
0x9e: {  	v16 =	vbroadcast v0, $0x6;
	[tilespmem:s25+$0xFFFFFF60] =	vst v1;
	v1 =	vmul.f32 v14, v11  }
0x9f: {  	v18 =	vld [tilespmem:s25+$0xFFFFFFA0]  }
0xa0: {  	[tilespmem:s25+$0xFFFFFF70] =	vst v1;
	v1 =	vmul.f32 v15, v16  }
0xa1: {  	v19 =	vld [tilespmem:s25+$0xFFFFFFB0]  }
0xa2: {  	[tilespmem:s25+$0xFFFFFF80] =	vst v1;
	v1 =	vmul.f32 v17, v16  }
0xa3: {  	v20 =	vld [tilespmem:s25+$0xFFFFFFC0]  }
0xa4: {  	[tilespmem:s25+$0xFFFFFF90] =	vst v1;
	v1 =	vmul.f32 v18, v16  }
0xa5: {  	v22 =	vld [tilespmem:s25+$0xFFFFFFD0]  }
0xa6: {  	v21 =	vbroadcast v0, $0x7;
	[tilespmem:s25+$0xFFFFFFA0] =	vst v1;
	v1 =	vmul.f32 v19, v16  }
0xa7: {  	v23 =	vld [tilespmem:s25+$0xFFFFFFE0]  }
0xa8: {  	[tilespmem:s25+$0xFFFFFFB0] =	vst v1;
	v1 =	vmul.f32 v20, v21  }
0xa9: {  	v24 =	vld [tilespmem:s25+$0xFFFFFFF0]  }
0xaa: {  	[tilespmem:s25+$0xFFFFFFC0] =	vst v1;
	v1 =	vmul.f32 v22, v21  }
0xab: {  	v25 =	vld [tilespmem:s25+$0x0]  }
0xac: {  	[tilespmem:s25+$0xFFFFFFD0] =	vst v1;
	v1 =	vmul.f32 v23, v21  }
0xad: {  	v27 =	vld [tilespmem:s25+$0x10]  }
0xae: {  	v26 =	vbroadcast v0, $0x8;
	[tilespmem:s25+$0xFFFFFFE0] =	vst v1;
	v1 =	vmul.f32 v24, v21  }
0xaf: {  	v28 =	vld [tilespmem:s25+$0x20]  }
0xb0: {  	[tilespmem:s25+$0xFFFFFFF0] =	vst v1;
	v1 =	vmul.f32 v25, v26  }
0xb1: {  	v29 =	vld [tilespmem:s25+$0x30]  }
0xb2: {  	[tilespmem:s25+$0x0] =	vst v1;
	v1 =	vmul.f32 v27, v26  }
0xb3: {  	v30 =	vld [tilespmem:s25+$0x40]  }
0xb4: {  	[tilespmem:s25+$0x10] =	vst v1;
	v1 =	vmul.f32 v28, v26  }
0xb5: {  	v32 =	vld [tilespmem:s25+$0x50]  }
0xb6: {  	v31 =	vbroadcast v0, $0x9;
	[tilespmem:s25+$0x20] =	vst v1;
	v1 =	vmul.f32 v29, v26  }
0xb7: {  	v33 =	vld [tilespmem:s25+$0x60]  }
0xb8: {  	[tilespmem:s25+$0x30] =	vst v1;
	v1 =	vmul.f32 v30, v31  }
0xb9: {  	v34 =	vld [tilespmem:s25+$0x70]  }
0xba: {  	[tilespmem:s25+$0x40] =	vst v1;
	v1 =	vmul.f32 v32, v31  }
0xbb: {  	v35 =	vld [tilespmem:s25+$0x80]  }
0xbc: {  	[tilespmem:s25+$0x50] =	vst v1;
	v1 =	vmul.f32 v33, v31  }
0xbd: {  	v37 =	vld [tilespmem:s25+$0x90]  }
0xbe: {  	v36 =	vbroadcast v0, $0xA;
	[tilespmem:s25+$0x60] =	vst v1;
	v1 =	vmul.f32 v34, v31  }
0xbf: {  	v38 =	vld [tilespmem:s25+$0xA0]  }
0xc0: {  	[tilespmem:s25+$0x70] =	vst v1;
	v1 =	vmul.f32 v35, v36  }
0xc1: {  	v39 =	vld [tilespmem:s25+$0xB0]  }
0xc2: {  	[tilespmem:s25+$0x80] =	vst v1;
	v1 =	vmul.f32 v37, v36  }
0xc3: {  	v40 =	vld [tilespmem:s25+$0xC0]  }
0xc4: {  	[tilespmem:s25+$0x90] =	vst v1;
	v1 =	vmul.f32 v38, v36  }
0xc5: {  	v42 =	vld [tilespmem:s25+$0xD0]  }
0xc6: {  	v41 =	vbroadcast v0, $0xB;
	[tilespmem:s25+$0xA0] =	vst v1;
	v1 =	vmul.f32 v39, v36  }
0xc7: {  	v43 =	vld [tilespmem:s25+$0xE0]  }
0xc8: {  	[tilespmem:s25+$0xB0] =	vst v1;
	v1 =	vmul.f32 v40, v41  }
0xc9: {  	v44 =	vld [tilespmem:s25+$0xF0]  }
0xca: {  	[tilespmem:s25+$0xC0] =	vst v1;
	v1 =	vmul.f32 v42, v41  }
0xcb: {  	v45 =	vld [tilespmem:s25+$0x100]  }
0xcc: {  	[tilespmem:s25+$0xD0] =	vst v1;
	v1 =	vmul.f32 v43, v41  }
0xcd: {  	v47 =	vld [tilespmem:s25+$0x110]  }
0xce: {  	v46 =	vbroadcast v0, $0xC;
	[tilespmem:s25+$0xE0] =	vst v1;
	v1 =	vmul.f32 v44, v41  }
0xcf: {  	v48 =	vld [tilespmem:s25+$0x120]  }
0xd0: {  	[tilespmem:s25+$0xF0] =	vst v1;
	v1 =	vmul.f32 v45, v46  }
0xd1: {  	v49 =	vld [tilespmem:s25+$0x130]  }
0xd2: {  	[tilespmem:s25+$0x100] =	vst v1;
	v1 =	vmul.f32 v47, v46  }
0xd3: {  	v50 =	vld [tilespmem:s25+$0x140]  }
0xd4: {  	[tilespmem:s25+$0x110] =	vst v1;
	v1 =	vmul.f32 v48, v46  }
0xd5: {  	v52 =	vld [tilespmem:s25+$0x150]  }
0xd6: {  	v51 =	vbroadcast v0, $0xD;
	[tilespmem:s25+$0x120] =	vst v1;
	v1 =	vmul.f32 v49, v46  }
0xd7: {  	v53 =	vld [tilespmem:s25+$0x160]  }
0xd8: {  	[tilespmem:s25+$0x130] =	vst v1;
	v1 =	vmul.f32 v50, v51  }
0xd9: {  	v54 =	vld [tilespmem:s25+$0x170]  }
0xda: {  	[tilespmem:s25+$0x140] =	vst v1;
	v1 =	vmul.f32 v52, v51  }
0xdb: {  	v55 =	vld [tilespmem:s25+$0x180]  }
0xdc: {  	[tilespmem:s25+$0x150] =	vst v1;
	v1 =	vmul.f32 v53, v51  }
0xdd: {  	v57 =	vld [tilespmem:s25+$0x190]  }
0xde: {  	v56 =	vbroadcast v0, $0xE;
	[tilespmem:s25+$0x160] =	vst v1;
	v1 =	vmul.f32 v54, v51  }
0xdf: {  	v58 =	vld [tilespmem:s25+$0x1A0]  }
0xe0: {  	[tilespmem:s25+$0x170] =	vst v1;
	v1 =	vmul.f32 v55, v56  }
0xe1: {  	v59 =	vld [tilespmem:s25+$0x1B0]  }
0xe2: {  	[tilespmem:s25+$0x180] =	vst v1;
	v1 =	vmul.f32 v57, v56  }
0xe3: {  	v60 =	vld [tilespmem:s25+$0x1C0]  }
0xe4: {  	[tilespmem:s25+$0x190] =	vst v1;
	v1 =	vmul.f32 v58, v56  }
0xe5: {  	v61 =	vld [tilespmem:s25+$0x1D0]  }
0xe6: {  	v0 =	vbroadcast v0, $0xF;
	[tilespmem:s25+$0x1A0] =	vst v1;
	v1 =	vmul.f32 v59, v56  }
0xe7: {  	v62 =	vld [tilespmem:s25+$0x1E0]  }
0xe8: {  	v63 =	vld [tilespmem:s25+$0x1F0];
	[tilespmem:s25+$0x1B0] =	vst v1;
	v1 =	vmul.f32 v60, v0;
	_ =	sdelay $0x1  }
0xe9: {  	p0 =	sne.s32 s24, $0x1C0;
	[tilespmem:s25+$0x1C0] =	vst v1;
	v1 =	vmul.f32 v61, v0  }
.Ltmp0:
0xea: {  	_ = 	snop;
	(pc) =	sbr.rel @p0 .LBB2_3-.Ltmp0, $4  }
0xeb: {  	[tilespmem:s25+$0x1D0] =	vst v1;
	v1 =	vmul.f32 v62, v0  }
0xec: {  	v0 =	vmul.f32 v63, v0  }
0xed: {  	[tilespmem:s25+$0x1E0] =	vst v1  }
0xee: {  	s24 =	sadd.s32 $0x40, s24;
	[tilespmem:s25+$0x1F0] =	vst v0;
	s25 =	sadd.s32 $0x400, s25  }
0xef: {  	s22 =	sadd.s32 $0x1, s22  }
0xf0: {  	p0 =	sne.s32 s22, $0x51  }
.Ltmp1:
0xf1: {  	_ = 	snop;
	(pc) =	sbr.rel @p0 .LBB2_2-.Ltmp1, $4  }
0xf2: {  	[spmem:s2] =	stream.indirect.scatter.add.f32 [tilespmem:s19], [sflag:$0x2], $0x40, s23, s18, $0xb8;
	[tilespmem:$0x16200] =	vst v63  }
0xf3: {  	_ =	swait.ge [sflag:s12], $0x2000  }
0xf4: {  	[sflag:s12] =	ssyncset.done $0x0  }
0xf5: {  	[sflag:s12] =	ssyncadd.s32 $0xFFFFE000  }
0xf6: {  	s21 =	sadd.s32 $0x1, s21  }
0xf7: {  	p0 =	sne.s32 s21, s11  }
.Ltmp2:
0xf8: {  	[bflag:$0x0] =	sbarrier.arrive $0xFFFF;
	(pc) =	sbr.rel @p0 .LBB2_1-.Ltmp2, $4  }
0xf9: {  	[hbm:s10], [sflag:s16] =	dma.local [spmem:s17], $0x1400  }
0xfa: {  	_ =	swait.ge [sflag:s12], $0x1400  }
0xfb: {  	[sflag:s12] =	ssyncset.done $0x0  }
0xfc: {  	[sflag:s12] =	ssyncadd.s32 $0xFFFFEC00  }
0xfd: {  	_ =	sfence.sel $0x180000  }
0xfe: {  	[bflag:$0x0] =	sbarrier.arrive $0xFFFF  }
0xff: {  	p0 =	sne.s32 s0, $0x0;
	_ =	strace $0x9000004A  }
0x100: {  	s0 =	sadd.s32 @!p0 $0x100000, s1;
	[bflag:$0x2] =	sbarrier.arrive $0xFFFF  }
0x101: {  	[sflag:s0] =	ssyncadd.tile.s32 @!p0 $0x1;
	_ =	shalt  }
.Lfunc_end2:
_tile_overlayer_lowered:
.L_overlay_start_2:
0x102: {  	(tag) =	ssettag $0x2  }
0x103: {  	s0 =	rddreg [dreg:$0x0];
	s2 =	stileid.u32  }
0x104: {  	s1 =	rddreg [dreg:$0x1];
	p0 =	sne.s32 s2, $0x0  }
0x105: {  	s3 =	rddreg [dreg:$0x2];
	[bflag:$0x3] =	sbarrier.arrive $0xFFFF;
	s2 =	simm.s32 @!p0 $0x1C02  }
0x106: {  	[timem:s3], [sflag:s2] =	dma.local @!p0 [hbm:s0], s1  }
0x107: {  	s0 =	simm.s32 @!p0 $0x2  }
0x108: {  	_ =	swait.ge @!p0 [sflag:s0], s1  }
0x109: {  	s1 =	ssub.s32 @!p0 $0x0, s1;
	[sflag:s0] =	ssyncset.done @!p0 $0x0  }
0x10a: {  	[sflag:s0] =	ssyncadd.s32 @!p0 s1  }
0x10b: {  	[bflag:$0x3] =	sbarrier.arrive $0xFFFF  }
0x10c: {  	_ =	shalt  }

// kernel: kernel.15.cloned.1.call-start
scs
__scs_entry_jumppad:
0x0: {  	(pc) =	sbr.rel $0x88, $3  }
0x1: {  	(tag) =	ssettag $0x0;
	lr =	simm.s32 $0x1  }
0x2: {  	[smem:$0x3F9A] =	sst lr;
	_ =	strace $0xD0000000  }
0x3: {  	_ = 	snop  }
0x4: {  	_ = 	snop  }
0x5: {  	_ = 	snop  }
0x6: {  	_ = 	snop  }
0x7: {  	_ = 	snop  }
__scs_overlays_trampoline_lowered:
0x8: {  	[smem:$0x3FA9] =	sst s0  }
0x9: {  	[smem:$0x3FAA] =	sst s1  }
0xa: {  	[smem:$0x3FAB] =	sst s2  }
0xb: {  	[smem:$0x3FAC] =	sst s3  }
0xc: {  	[smem:$0x3FAD] =	sst s4  }
0xd: {  	[smem:$0x3FAE] =	sst s5  }
0xe: {  	[smem:$0x3FAF] =	sst s6  }
0xf: {  	[smem:$0x3FB0] =	sst s7  }
0x10: {  	[smem:$0x3FB1] =	sst s8  }
0x11: {  	[smem:$0x3FB2] =	sst s9;
	s0 =	simm.s32 @!p0 $0x0  }
0x12: {  	s1 =	sld [smem:$0x3F98];
	s0 =	simm.s32 @p0 $0x1  }
0x13: {  	[smem:$0x3FB3] =	sst s0;
	s0 =	simm.s32 @!p1 $0x0  }
0x14: {  	s2 =	sld [smem:$0x3F97];
	s0 =	simm.s32 @p1 $0x1  }
0x15: {  	[smem:$0x3FB4] =	sst s0;
	s0 =	simm.s32 @!p2 $0x0  }
0x16: {  	s3 =	sld [smem:$0x3FDB];
	s0 =	simm.s32 @p2 $0x1  }
0x17: {  	s4 =	simm.s32 $0x1BF5;
	[smem:$0x3FB6] =	sst s0  }
0x18: {  	s0 =	sld [smem:$0x3F99];
	_ =	swait.ge [sflag:s4], $0x0  }
0x19: {  	s7 =	sld [smem:$0x3F9A]  }
0x1a: {  	s8 =	sadd.s32 $0xFFFFE003, lr  }
0x1b: {  	s9 =	sadd.s32 $0xFFFFFEF7, lr;
	s5 =	simm.s32 $0xFFFFFFFF;
	p2 =	slt.u32 s8, $0xFFFFF086  }
0x1c: {  	p1 =	slt.u32 s9, $0xF7A;
	s5 =	simm.s32 @!p2 $0x0  }
0x1d: {  	s5 =	simm.s32 @p1 $0x1;
	p0 =	seq.s32 s7, s2  }
0x1e: {  	s7 =	smul.u32 @!p0 $0xF7A, s2;
	p2 =	seq.s32 @!p0 s5, $0x0  }
0x1f: {  	s9 =	smul.u32 $0xF7A, s1;
	s8 =	simm.s32 @!p0 $0x1BF5;
	p2 =	por !p2, p0  }
0x20: {  	[sflag:s8] =	ssyncset.s32 @!p0 $0xFFFFF086;
	s6 =	sadd.s32 @!p0 s3, s7;
	s7 =	simm.s32 @!p0 $0x108  }
0x21: {  	s3 =	sadd.s32 s3, s9;
	s6 =	sadd.s32 @!p0 $0x88, s6;
	s7 =	simm.s32 @p2 $0x1082  }
0x22: {  	[simem:s7], [sflag:s8] =	dma.local @!p0 [hbm:s6], $0xF7A  }
0x23: {  	s9 =	sor.u32 $0xD0000000, s2;
	s6 =	simm.s32 $0x108;
	_ =	swait.ge @!p0 [sflag:s8], $0x0  }
0x24: {  	s3 =	sadd.s32 $0x88, s3;
	s6 =	simm.s32 @!p1 $0x1082;
	[sflag:s4] =	ssyncset.s32 $0xFFFFF086  }
0x25: {  	[simem:s6], [sflag:s4] =	dma.local [hbm:s3], $0xF7A  }
0x26: {  	[smem:$0x3F9A] =	sst s1;
	(tag) =	ssettag s2;
	_ =	strace s9  }
0x27: {  	s1 =	sld [smem:$0x3FAA]  }
0x28: {  	s2 =	sld [smem:$0x3FAB]  }
0x29: {  	s4 =	sld [smem:$0x3FAD]  }
0x2a: {  	p0 =	seq.s32 s5, $0x0;
	s5 =	sld [smem:$0x3FAE]  }
0x2b: {  	s6 =	sld [smem:$0x3FAF]  }
0x2c: {  	s7 =	sld [smem:$0x3FB0]  }
0x2d: {  	s3 =	simm.s32 $0x108;
	s8 =	sld [smem:$0x3FB1]  }
0x2e: {  	s3 =	simm.s32 @!p0 $0x1082;
	s9 =	sld [smem:$0x3FB2]  }
0x2f: {  	lr =	sadd.s32 s0, s3;
	s0 =	sld [smem:$0x3FA9]  }
0x30: {  	s3 =	sld [smem:$0x3FAC]  }
0x31: {  	[smem:$0x3FB5] =	sst s10  }
0x32: {  	s10 =	sld [smem:$0x3FB3];
	_ =	sdelay $0x3  }
0x33: {  	p0 =	seq.s32 s10, $0x1;
	s10 =	sld [smem:$0x3FB5];
	_ =	sdelay $0x3  }
0x34: {  	[smem:$0x3FB5] =	sst s10  }
0x35: {  	s10 =	sld [smem:$0x3FB4];
	_ =	sdelay $0x3  }
0x36: {  	p1 =	seq.s32 s10, $0x1;
	s10 =	sld [smem:$0x3FB5];
	_ =	sdelay $0x3  }
0x37: {  	[smem:$0x3FB5] =	sst s10  }
0x38: {  	s10 =	sld [smem:$0x3FB6]  }
0x39: {  	_ = 	snop;
	(pc) =	sbr.ind lr, $3  }
0x3a: {  	_ = 	snop  }
0x3b: {  	_ = 	snop  }
0x3c: {  	p2 =	seq.s32 s10, $0x1;
	s10 =	sld [smem:$0x3FB5]  }
0x3d: {  	_ =	shalt  }
0x3e: {  	_ =	shalt  }
0x3f: {  	_ =	shalt  }
0x40: {  	_ =	shalt  }
0x41: {  	_ =	shalt  }
0x42: {  	_ =	shalt  }
0x43: {  	_ =	shalt  }
0x44: {  	_ =	shalt  }
0x45: {  	_ =	shalt  }
0x46: {  	_ =	shalt  }
0x47: {  	_ =	shalt  }
0x48: {  	_ =	shalt  }
0x49: {  	_ =	shalt  }
0x4a: {  	_ =	shalt  }
0x4b: {  	_ =	shalt  }
0x4c: {  	_ =	shalt  }
0x4d: {  	_ =	shalt  }
0x4e: {  	_ =	shalt  }
0x4f: {  	_ =	shalt  }
0x50: {  	_ =	shalt  }
0x51: {  	_ =	shalt  }
0x52: {  	_ =	shalt  }
0x53: {  	_ =	shalt  }
0x54: {  	_ =	shalt  }
0x55: {  	_ =	shalt  }
0x56: {  	_ =	shalt  }
0x57: {  	_ =	shalt  }
0x58: {  	_ =	shalt  }
0x59: {  	_ =	shalt  }
0x5a: {  	_ =	shalt  }
0x5b: {  	_ =	shalt  }
0x5c: {  	_ =	shalt  }
0x5d: {  	_ =	shalt  }
0x5e: {  	_ =	shalt  }
0x5f: {  	_ =	shalt  }
0x60: {  	_ =	shalt  }
0x61: {  	_ =	shalt  }
0x62: {  	_ =	shalt  }
0x63: {  	_ =	shalt  }
0x64: {  	_ =	shalt  }
0x65: {  	_ =	shalt  }
0x66: {  	_ =	shalt  }
0x67: {  	_ =	shalt  }
0x68: {  	_ =	shalt  }
0x69: {  	_ =	shalt  }
0x6a: {  	_ =	shalt  }
0x6b: {  	_ =	shalt  }
0x6c: {  	_ =	shalt  }
0x6d: {  	_ =	shalt  }
0x6e: {  	_ =	shalt  }
0x6f: {  	_ =	shalt  }
0x70: {  	_ =	shalt  }
0x71: {  	_ =	shalt  }
0x72: {  	_ =	shalt  }
0x73: {  	_ =	shalt  }
0x74: {  	_ =	shalt  }
0x75: {  	_ =	shalt  }
0x76: {  	_ =	shalt  }
0x77: {  	_ =	shalt  }
0x78: {  	_ =	shalt  }
0x79: {  	_ =	shalt  }
0x7a: {  	_ =	shalt  }
0x7b: {  	_ =	shalt  }
0x7c: {  	_ =	shalt  }
0x7d: {  	_ =	shalt  }
0x7e: {  	_ =	shalt  }
0x7f: {  	_ =	shalt  }
0x80: {  	_ =	shalt  }
0x81: {  	_ =	shalt  }
0x82: {  	_ =	shalt  }
0x83: {  	_ =	shalt  }
0x84: {  	_ =	shalt  }
0x85: {  	_ =	shalt  }
0x86: {  	_ =	shalt  }
0x87: {  	_ =	shalt  }
.Lfunc_end0:
.L_simem_size_0:
called_computation.2_lowered:
.L_overlay_start_0:
0x88: {  	s2 =	sld [smem:$0x3FD9]  }
0x89: {  	s3 =	sld [smem:$0x3FFE];
	_ =	sdelay $0x1  }
0x8a: {  	s1 =	srdreg.scid  }
0x8b: {  	s0 =	sand.u32 $0x1, s1  }
0x8c: {  	s17 =	sshll.u32 s0, $0xA;
	s2 =	sadd.s32 s3, s2  }
0x8d: {  	s2 =	sadd.s32 s2, s17  }
0x8e: {  	[smem:$0x3FC1] =	sst s2  }
0x8f: {  	_ = 	snop  }
0x90: {  	s2 =	sld [smem:$0x3FD0];
	(tm) =	ssettm $0x1  }
0x91: {  	s18 =	sld [smem:$0x3FFB];
	_ =	sdelay $0x3  }
0x92: {  	_ =	strace s18  }
0x93: {  	s3 =	sld [smem:$0x3FFC];
	_ =	sdelay $0x3  }
0x94: {  	_ =	strace s3  }
0x95: {  	s3 =	sld [smem:$0x3FFD];
	_ =	sdelay $0x3  }
0x96: {  	_ =	strace s3  }
0x97: {  	_ =	strace $0x8FFFFFFF  }
0x98: {  	s19 =	sld [smem:$0x3FDB];
	_ =	sdelay $0x1  }
0x99: {  	s4 =	simm.s32 $_scs_section_size  }
0x9a: {  	s5 =	simm.s32 $_size__tile_overlayer_lowered;
	s6 =	simm.s32 $_tile_overlayer_lowered  }
0x9b: {  	s22 =	simm.s32 $0x1BFF;
	s21 =	sshll.u32 s6, $0x1;
	s3 =	sadd.s32 s4, s19  }
0x9c: {  	s7 =	simm.s32 $0x0;
	s20 =	sshll.u32 s5, $0x1;
	s5 =	sadd.s32 s21, s3  }
0x9d: {  	[timem:s7], [sflag:s22] =	dma.local [hbm:s5], s20  }
0x9e: {  	_ =	swait.ge [sflag:s22], s20  }
0x9f: {  	s4 =	ssub.s32 $0x0, s20;
	[sflag:s22] =	ssyncset.done $0x0  }
0xa0: {  	[sflag:s22] =	ssyncadd.s32 s4;
	_ =	sdelay $0x1  }
0xa1: {  	s23 =	simm.s32 $0x1B8B  }
0xa2: {  	_ =	swait.ge [sflag:s23], $0x1  }
0xa3: {  	[sflag:s23] =	ssyncset.done $0x0  }
0xa4: {  	s25 =	simm.s32 $0x1B8E;
	s24 =	sld [smem:$0x3FFE];
	[sflag:s23] =	ssyncadd.s32 $0xFFFFFFFF  }
0xa5: {  	s26 =	simm.s32 $execute0_lowered;
	[smem:$0x3FD2] =	sst s25  }
0xa6: {  	s5 =	sshll.u32 s26, $0x1;
	_ =	strace $0x8000004C;
	[dreg:$0x1] =	wrdreg $0xFFFFFFFF  }
0xa7: {  	s28 =	simm.s32 $_size_execute0_lowered;
	s3 =	sadd.s32 s3, s5;
	[dreg:$0x0] =	wrdreg $0x0  }
0xa8: {  	s5 =	sshll.u32 s28, $0x1;
	[dreg:$0x2] =	wrdreg s3  }
0xa9: {  	[dreg:$0x3] =	wrdreg s5  }
0xaa: {  	[dreg:$0x4] =	wrdreg $0xC0  }
0xab: {  	_ =	task [dreg:s7], $0x5FFFF  }
0xac: {  	[dreg:$0x1] =	wrdreg $0xFFFFFFFF  }
0xad: {  	[dreg:$0x0] =	wrdreg $0x60  }
0xae: {  	[dreg:$0x2] =	wrdreg s24  }
0xaf: {  	[dreg:$0x3] =	wrdreg s2  }
0xb0: {  	[dreg:$0x4] =	wrdreg $0xC2000  }
0xb1: {  	[dreg:$0x5] =	wrdreg $0x9  }
0xb2: {  	_ =	task.clear_ibuf [dreg:s7], $0x6FFFF;
	_ =	strace $0x9000004C  }
0xb3: {  	s29 =	simm.s32 $0x9;
	_ =	strace $0x8000004E  }
0xb4: {  	_ =	swait.ge [sflag:s29], $0x1  }
0xb5: {  	[sflag:s29] =	ssyncadd.s32 $0xFFFFFFFF  }
0xb6: {  	_ =	strace $0x9000004E  }
0xb7: {  	_ =	sfence  }
0xb8: {  	s30 =	sld [smem:$0x0];
	_ =	sdelay $0x2  }
0xb9: {  	s31 =	sshll.u32 s1, $0xD;
	s1 =	sshrl.u32 s1, $0x2  }
0xba: {  	s3 =	sand.u32 $0x4000, s31;
	s1 =	sadd.s32 s1, s30  }
0xbb: {  	s0 =	sor.u32 s3, s0;
	s1 =	sshll.u32 s1, $0x11  }
0xbc: {  	s0 =	sor.u32 s1, s0  }
0xbd: {  	s0 =	sadd.s32 $0x8F2B, s0  }
0xbe: {  	[sflag:s0] =	ssyncadd.remote.s32 $0x1  }
0xbf: {  	_ =	sfence.sel $0xFFFF  }
0xc0: {  	[dreg:$0x0] =	wrdreg $0xFFFFFFFF;
	(pc) =	sbr.abs _section_cstart, $3  }
0xc1: {  	[dreg:$0x1] =	wrdreg $0xFFFFFFFF  }
0xc2: {  	_ =	task.clear_ibuf [dreg:s7], $0x2FFFF;
	_ =	strace $0x9FFFFFFF  }
0xc3: {  	(tm) =	ssettm $0x7FFFFFFF  }
tec
execute0_lowered:
.L_overlay_start_1:
0x0: {  	(tag) =	ssettag $0x1  }
0x1: {  	s7 =	rddreg [dreg:$0x0]  }
0x2: {  	s1 =	srdreg.scid;
	s8 =	rddreg [dreg:$0x1]  }
0x3: {  	s0 =	stileid.u32;
	s2 =	rddreg [dreg:$0x2];
	s3 =	simm.s32 $0x0  }
0x4: {  	s14 =	simm.s32 $0x5100;
	s15 =	simm.s32 $0x7980;
	s18 =	simm.s32 $0x80  }
0x5: {  	s19 =	simm.s32 $0xA180;
	s20 =	simm.s32 $0x1;
	s21 =	simm.s32 $0x0  }
0x6: {  	s6 =	sand.u32 $0x1, s1;
	s30 =	sshll.u32 s0, $0x1;
	s10 =	smul.u32 $0xA000, s0  }
0x7: {  	[smem:$0x7FF] =	sst s3;
	s4 =	sadd.s32 $0x16600, s7;
	s16 =	sshll.u32 s0, $0x6  }
0x8: {  	s1 =	sor.u32 s6, s30;
	s5 =	smul.u32 $0xA0000, s6;
	s13 =	ssub.s32 $0x2, s6  }
0x9: {  	s6 =	sadd.s32 $0x2AC00, s7;
	s16 =	sor.u32 $0x1C02, s16;
	s9 =	smul.u32 $0x510, s1  }
0xa: {  	s1 =	rddreg [dreg:$0x3];
	_ =	strace $0x8000004D;
	s31 =	sshrl.u32 s13, $0x1  }
0xb: {  	s17 =	sadd.s32 s10, s2;
	s12 =	sadd.s32 s10, s5;
	s5 =	sadd.s32 $0x16000, s7  }
0xc: {  	s13 =	ssub.s32 s13, s31;
	s17 =	sshrl.u32 s17, $0x3;
	s12 =	sshrl.u32 s12, $0x3  }
0xd: {  	s11 =	sadd.s32 s9, s7;
	s8 =	sadd.s32 s8, s9;
	s12 =	sadd.s32 s12, s7  }
0xe: {  	s7 =	sadd.s32 $0xBE00, s11;
	s9 =	sadd.s32 $0x1C00, s11;
	s11 =	smax.u32 s13, $0x1  }
0xf: {  	s13 =	simm.s32 $0x2880;
	s10 =	sadd.s32 $0x2C000, s12;
	s12 =	simm.s32 $0x2  }
.LBB2_1:
0x10: {  	[tilespmem:s3], [sflag:$0x2] =	stream.linear.gather [hbm4b:s7+s3], $0x2880, $0x38;
	[tilespmem:$0x16200] =	vst v63  }
0x11: {  	_ =	swait.ge [sflag:s12], $0x2880  }
0x12: {  	[sflag:s12] =	ssyncset.done $0x0  }
0x13: {  	[sflag:s12] =	ssyncadd.s32 $0xFFFFD780  }
0x14: {  	[tilespmem:s13], [sflag:$0x2] =	stream.linear.gather [hbm4b:s8+s3], $0x2880, $0x38;
	[tilespmem:$0x16200] =	vst v63  }
0x15: {  	_ =	swait.ge [sflag:s12], $0x2880  }
0x16: {  	[sflag:s12] =	ssyncset.done $0x0  }
0x17: {  	[sflag:s12] =	ssyncadd.s32 $0xFFFFD780  }
0x18: {  	[tilespmem:s14], [sflag:$0x2] =	stream.linear.gather [hbm4b:s9+s3], $0x2880, $0x38;
	[tilespmem:$0x16200] =	vst v63  }
0x19: {  	_ =	swait.ge [sflag:s12], $0x2880  }
0x1a: {  	[sflag:s12] =	ssyncset.done $0x0  }
0x1b: {  	[sflag:s12] =	ssyncadd.s32 $0xFFFFD780  }
0x1c: {  	[tilespmem:s15], [sflag:$0x2] =	stream.linear.gather [hbm4b:s5+s3], $0x2800, $0x38;
	[tilespmem:$0x16200] =	vst v63  }
0x1d: {  	_ =	swait.ge [sflag:s12], $0x2800  }
0x1e: {  	[sflag:s12] =	ssyncset.done $0x0  }
0x1f: {  	[sflag:s12] =	ssyncadd.s32 $0xFFFFD800  }
0x20: {  	[spmem:s17], [sflag:s16] =	dma.local [hbm:s6], $0x1400  }
0x21: {  	_ =	swait.ge [sflag:s12], $0x1400  }
0x22: {  	[sflag:s12] =	ssyncset.done $0x0  }
0x23: {  	[sflag:s12] =	ssyncadd.s32 $0xFFFFEC00  }
0x24: {  	s22 =	simm.s32 $0x0;
	[bflag:$0x0] =	sbarrier.arrive $0xFFFF  }
.LBB2_2:
0x25: {  	s23 =	sshll.u32 s22, $0x7  }
0x26: {  	v0 =	vld [tilespmem:s23+$0x0];
	_ =	sdelay $0x1  }
0x27: {  	v1 =	vld [tilespmem:s23+$0x2880];
	_ =	sdelay $0x4  }
0x28: {  	v2 =	vld [tilespmem:s23+$0x5100]  }
0x29: {  	v0 =	vld.idx.msk [tilespmem:v0+s15+$0x0], $0xffff;
	_ =	sdelay $0x1  }
0x2a: {  	v1 =	vld.idx.msk [tilespmem:v1+s15+$0x0], $0xffff;
	_ =	sdelay $0x2  }
0x2b: {  	v0 =	vmul.f32 v0, v2;
	_ =	sdelay $0x1  }
0x2c: {  	v0 =	vmul.f32 v1, v0;
	_ =	sdelay $0x1  }
0x2d: {  	[tilespmem:$0xC180] =	vst v0  }
0x2e: {  	v0 =	vld [tilespmem:s23+$0x10];
	_ =	sdelay $0x1  }
0x2f: {  	v50 =	vld [tilespmem:s23+$0x2890];
	_ =	sdelay $0x4  }
0x30: {  	v51 =	vld [tilespmem:s23+$0x5110]  }
0x31: {  	v0 =	vld.idx.msk [tilespmem:v0+s15+$0x0], $0xffff;
	_ =	sdelay $0x1  }
0x32: {  	v1 =	vld.idx.msk [tilespmem:v50+s15+$0x0], $0xffff;
	_ =	sdelay $0x2  }
0x33: {  	v0 =	vmul.f32 v0, v51;
	_ =	sdelay $0x1  }
0x34: {  	v0 =	vmul.f32 v1, v0;
	_ =	sdelay $0x1  }
0x35: {  	[tilespmem:$0xC190] =	vst v0  }
0x36: {  	v0 =	vld [tilespmem:s23+$0x20];
	_ =	sdelay $0x1  }
0x37: {  	v52 =	vld [tilespmem:s23+$0x28A0];
	_ =	sdelay $0x4  }
0x38: {  	v53 =	vld [tilespmem:s23+$0x5120]  }
0x39: {  	v0 =	vld.idx.msk [tilespmem:v0+s15+$0x0], $0xffff;
	_ =	sdelay $0x1  }
0x3a: {  	v1 =	vld.idx.msk [tilespmem:v52+s15+$0x0], $0xffff;
	_ =	sdelay $0x2  }
0x3b: {  	v0 =	vmul.f32 v0, v53;
	_ =	sdelay $0x1  }
0x3c: {  	v0 =	vmul.f32 v1, v0;
	_ =	sdelay $0x1  }
0x3d: {  	[tilespmem:$0xC1A0] =	vst v0  }
0x3e: {  	v0 =	vld [tilespmem:s23+$0x30];
	_ =	sdelay $0x1  }
0x3f: {  	v54 =	vld [tilespmem:s23+$0x28B0];
	_ =	sdelay $0x4  }
0x40: {  	v55 =	vld [tilespmem:s23+$0x5130]  }
0x41: {  	v0 =	vld.idx.msk [tilespmem:v0+s15+$0x0], $0xffff;
	_ =	sdelay $0x1  }
0x42: {  	v1 =	vld.idx.msk [tilespmem:v54+s15+$0x0], $0xffff;
	_ =	sdelay $0x2  }
0x43: {  	v0 =	vmul.f32 v0, v55;
	_ =	sdelay $0x1  }
0x44: {  	v0 =	vmul.f32 v1, v0;
	_ =	sdelay $0x1  }
0x45: {  	[tilespmem:$0xC1B0] =	vst v0  }
0x46: {  	v0 =	vld [tilespmem:s23+$0x40];
	_ =	sdelay $0x1  }
0x47: {  	v56 =	vld [tilespmem:s23+$0x28C0];
	_ =	sdelay $0x4  }
0x48: {  	v57 =	vld [tilespmem:s23+$0x5140]  }
0x49: {  	v0 =	vld.idx.msk [tilespmem:v0+s15+$0x0], $0xffff;
	_ =	sdelay $0x1  }
0x4a: {  	v1 =	vld.idx.msk [tilespmem:v56+s15+$0x0], $0xffff;
	_ =	sdelay $0x2  }
0x4b: {  	v0 =	vmul.f32 v0, v57;
	_ =	sdelay $0x1  }
0x4c: {  	v0 =	vmul.f32 v1, v0;
	_ =	sdelay $0x1  }
0x4d: {  	[tilespmem:$0xC1C0] =	vst v0  }
0x4e: {  	v0 =	vld [tilespmem:s23+$0x50];
	_ =	sdelay $0x1  }
0x4f: {  	v58 =	vld [tilespmem:s23+$0x28D0];
	_ =	sdelay $0x4  }
0x50: {  	v59 =	vld [tilespmem:s23+$0x5150]  }
0x51: {  	v0 =	vld.idx.msk [tilespmem:v0+s15+$0x0], $0xffff;
	_ =	sdelay $0x1  }
0x52: {  	v1 =	vld.idx.msk [tilespmem:v58+s15+$0x0], $0xffff;
	_ =	sdelay $0x2  }
0x53: {  	v0 =	vmul.f32 v0, v59;
	_ =	sdelay $0x1  }
0x54: {  	v0 =	vmul.f32 v1, v0;
	_ =	sdelay $0x1  }
0x55: {  	[tilespmem:$0xC1D0] =	vst v0  }
0x56: {  	v0 =	vld [tilespmem:s23+$0x60];
	_ =	sdelay $0x1  }
0x57: {  	v60 =	vld [tilespmem:s23+$0x28E0];
	_ =	sdelay $0x4  }
0x58: {  	v61 =	vld [tilespmem:s23+$0x5160]  }
0x59: {  	v0 =	vld.idx.msk [tilespmem:v0+s15+$0x0], $0xffff;
	_ =	sdelay $0x1  }
0x5a: {  	v1 =	vld.idx.msk [tilespmem:v60+s15+$0x0], $0xffff;
	_ =	sdelay $0x2  }
0x5b: {  	v0 =	vmul.f32 v0, v61;
	_ =	sdelay $0x1  }
0x5c: {  	v0 =	vmul.f32 v1, v0;
	_ =	sdelay $0x1  }
0x5d: {  	[tilespmem:$0xC1E0] =	vst v0  }
0x5e: {  	v0 =	vld [tilespmem:s23+$0x70];
	_ =	sdelay $0x1  }
0x5f: {  	v62 =	vld [tilespmem:s23+$0x28F0];
	_ =	sdelay $0x4  }
0x60: {  	v63 =	vld [tilespmem:s23+$0x5170]  }
0x61: {  	v0 =	vld.idx.msk [tilespmem:v0+s15+$0x0], $0xffff;
	_ =	sdelay $0x1  }
0x62: {  	v1 =	vld.idx.msk [tilespmem:v62+s15+$0x0], $0xffff;
	_ =	sdelay $0x2  }
0x63: {  	v0 =	vmul.f32 v0, v63;
	_ =	sdelay $0x1  }
0x64: {  	v0 =	vmul.f32 v1, v0;
	_ =	sdelay $0x1  }
0x65: {  	[tilespmem:$0xC1F0] =	vst v0  }
0x66: {  	[tilespmem:s19], [sflag:$0x1] =	stream.indirect.gather [hbm4b:s4+s18], $0x40, s23, s18, $0xb8;
	[tilespmem:$0x16200] =	vst v63  }
0x67: {  	_ =	swait.ge [sflag:s20], $0x2000  }
0x68: {  	s24 =	simm.s32 $0x0;
	[sflag:s20] =	ssyncset.done $0x0  }
0x69: {  	s25 =	simm.s32 $0xA380;
	s23 =	sadd.s32 $0x2880, s23;
	[sflag:s20] =	ssyncadd.s32 $0xFFFFE000  }
.LBB2_3:
0x6a: {  	s26 =	sshra.s32 s24, $0x2  }
0x6b: {  	v0 =	vld [tilespmem:s26+$0xC180];
	_ =	sdelay $0x1  }
0x6c: {  	v1 =	vld [tilespmem:s25+$0xFFFFFE00];
	_ =	sdelay $0x1  }
0x6d: {  	v47 =	vld [tilespmem:s25+$0xFFFFFE10]  }
0x6e: {  	v2 =	vbroadcast v0, $0x0  }
0x6f: {  	v48 =	vld [tilespmem:s25+$0xFFFFFE20]  }
0x70: {  	v1 =	vmul.f32 v2, v1  }
0x71: {  	v49 =	vld [tilespmem:s25+$0xFFFFFE30]  }
0x72: {  	[tilespmem:s25+$0xFFFFFE00] =	vst v1;
	v1 =	vmul.f32 v47, v2  }
0x73: {  	v50 =	vld [tilespmem:s25+$0xFFFFFE40]  }
0x74: {  	[tilespmem:s25+$0xFFFFFE10] =	vst v1;
	v1 =	vmul.f32 v48, v2  }
0x75: {  	v52 =	vld [tilespmem:s25+$0xFFFFFE50]  }
0x76: {  	v51 =	vbroadcast v0, $0x1;
	[tilespmem:s25+$0xFFFFFE20] =	vst v1;
	v1 =	vmul.f32 v49, v2  }
0x77: {  	v53 =	vld [tilespmem:s25+$0xFFFFFE60]  }
0x78: {  	[tilespmem:s25+$0xFFFFFE30] =	vst v1;
	v1 =	vmul.f32 v50, v51  }
0x79: {  	v54 =	vld [tilespmem:s25+$0xFFFFFE70]  }
0x7a: {  	[tilespmem:s25+$0xFFFFFE40] =	vst v1;
	v1 =	vmul.f32 v52, v51  }
0x7b: {  	v55 =	vld [tilespmem:s25+$0xFFFFFE80]  }
0x7c: {  	[tilespmem:s25+$0xFFFFFE50] =	vst v1;
	v1 =	vmul.f32 v53, v51  }
0x7d: {  	v57 =	vld [tilespmem:s25+$0xFFFFFE90]  }
0x7e: {  	v56 =	vbroadcast v0, $0x2;
	[tilespmem:s25+$0xFFFFFE60] =	vst v1;
	v1 =	vmul.f32 v54, v51  }
0x7f: {  	v58 =	vld [tilespmem:s25+$0xFFFFFEA0]  }
0x80: {  	[tilespmem:s25+$0xFFFFFE70] =	vst v1;
	v1 =	vmul.f32 v55, v56  }
0x81: {  	v59 =	vld [tilespmem:s25+$0xFFFFFEB0]  }
0x82: {  	[tilespmem:s25+$0xFFFFFE80] =	vst v1;
	v1 =	vmul.f32 v57, v56  }
0x83: {  	v60 =	vld [tilespmem:s25+$0xFFFFFEC0]  }
0x84: {  	[tilespmem:s25+$0xFFFFFE90] =	vst v1;
	v1 =	vmul.f32 v58, v56  }
0x85: {  	v62 =	vld [tilespmem:s25+$0xFFFFFED0]  }
0x86: {  	v61 =	vbroadcast v0, $0x3;
	[tilespmem:s25+$0xFFFFFEA0] =	vst v1;
	v1 =	vmul.f32 v59, v56  }
0x87: {  	v63 =	vld [tilespmem:s25+$0xFFFFFEE0]  }
0x88: {  	[tilespmem:s25+$0xFFFFFEB0] =	vst v1;
	v1 =	vmul.f32 v60, v61  }
0x89: {  	v4 =	vld [tilespmem:s25+$0xFFFFFEF0]  }
0x8a: {  	[tilespmem:s25+$0xFFFFFEC0] =	vst v1;
	v1 =	vmul.f32 v62, v61  }
0x8b: {  	v5 =	vld [tilespmem:s25+$0xFFFFFF00]  }
0x8c: {  	[tilespmem:s25+$0xFFFFFED0] =	vst v1;
	v1 =	vmul.f32 v63, v61  }
0x8d: {  	v7 =	vld [tilespmem:s25+$0xFFFFFF10]  }
0x8e: {  	v6 =	vbroadcast v0, $0x4;
	[tilespmem:s25+$0xFFFFFEE0] =	vst v1;
	v1 =	vmul.f32 v4, v61  }
0x8f: {  	v8 =	vld [tilespmem:s25+$0xFFFFFF20]  }
0x90: {  	[tilespmem:s25+$0xFFFFFEF0] =	vst v1;
	v1 =	vmul.f32 v5, v6  }
0x91: {  	v9 =	vld [tilespmem:s25+$0xFFFFFF30]  }
0x92: {  	[tilespmem:s25+$0xFFFFFF00] =	vst v1;
	v1 =	vmul.f32 v7, v6  }
0x93: {  	v10 =	vld [tilespmem:s25+$0xFFFFFF40]  }
0x94: {  	[tilespmem:s25+$0xFFFFFF10] =	vst v1;
	v1 =	vmul.f32 v8, v6  }
0x95: {  	v12 =	vld [tilespmem:s25+$0xFFFFFF50]  }
0x96: {  	v11 =	vbroadcast v0, $0x5;
	[tilespmem:s25+$0xFFFFFF20] =	vst v1;
	v1 =	vmul.f32 v9, v6  }
0x97: {  	v13 =	vld [tilespmem:s25+$0xFFFFFF60]  }
0x98: {  	[tilespmem:s25+$0xFFFFFF30] =	vst v1;
	v1 =	vmul.f32 v10, v11  }
0x99: {  	v14 =	vld [tilespmem:s25+$0xFFFFFF70]  }
0x9a: {  	[tilespmem:s25+$0xFFFFFF40] =	vst v1;
	v1 =	vmul.f32 v12, v11  }
0x9b: {  	v15 =	vld [tilespmem:s25+$0xFFFFFF80]  }
0x9c: {  	[tilespmem:s25+$0xFFFFFF50] =	vst v1;
	v1 =	vmul.f32 v13, v11  }
0x9d: {  	v17 =	vld [tilespmem:s25+$0xFFFFFF90]  }
0x9e: {  	v16 =	vbroadcast v0, $0x6;
	[tilespmem:s25+$0xFFFFFF60] =	vst v1;
	v1 =	vmul.f32 v14, v11  }
0x9f: {  	v18 =	vld [tilespmem:s25+$0xFFFFFFA0]  }
0xa0: {  	[tilespmem:s25+$0xFFFFFF70] =	vst v1;
	v1 =	vmul.f32 v15, v16  }
0xa1: {  	v19 =	vld [tilespmem:s25+$0xFFFFFFB0]  }
0xa2: {  	[tilespmem:s25+$0xFFFFFF80] =	vst v1;
	v1 =	vmul.f32 v17, v16  }
0xa3: {  	v20 =	vld [tilespmem:s25+$0xFFFFFFC0]  }
0xa4: {  	[tilespmem:s25+$0xFFFFFF90] =	vst v1;
	v1 =	vmul.f32 v18, v16  }
0xa5: {  	v22 =	vld [tilespmem:s25+$0xFFFFFFD0]  }
0xa6: {  	v21 =	vbroadcast v0, $0x7;
	[tilespmem:s25+$0xFFFFFFA0] =	vst v1;
	v1 =	vmul.f32 v19, v16  }
0xa7: {  	v23 =	vld [tilespmem:s25+$0xFFFFFFE0]  }
0xa8: {  	[tilespmem:s25+$0xFFFFFFB0] =	vst v1;
	v1 =	vmul.f32 v20, v21  }
0xa9: {  	v24 =	vld [tilespmem:s25+$0xFFFFFFF0]  }
0xaa: {  	[tilespmem:s25+$0xFFFFFFC0] =	vst v1;
	v1 =	vmul.f32 v22, v21  }
0xab: {  	v25 =	vld [tilespmem:s25+$0x0]  }
0xac: {  	[tilespmem:s25+$0xFFFFFFD0] =	vst v1;
	v1 =	vmul.f32 v23, v21  }
0xad: {  	v27 =	vld [tilespmem:s25+$0x10]  }
0xae: {  	v26 =	vbroadcast v0, $0x8;
	[tilespmem:s25+$0xFFFFFFE0] =	vst v1;
	v1 =	vmul.f32 v24, v21  }
0xaf: {  	v28 =	vld [tilespmem:s25+$0x20]  }
0xb0: {  	[tilespmem:s25+$0xFFFFFFF0] =	vst v1;
	v1 =	vmul.f32 v25, v26  }
0xb1: {  	v29 =	vld [tilespmem:s25+$0x30]  }
0xb2: {  	[tilespmem:s25+$0x0] =	vst v1;
	v1 =	vmul.f32 v27, v26  }
0xb3: {  	v30 =	vld [tilespmem:s25+$0x40]  }
0xb4: {  	[tilespmem:s25+$0x10] =	vst v1;
	v1 =	vmul.f32 v28, v26  }
0xb5: {  	v32 =	vld [tilespmem:s25+$0x50]  }
0xb6: {  	v31 =	vbroadcast v0, $0x9;
	[tilespmem:s25+$0x20] =	vst v1;
	v1 =	vmul.f32 v29, v26  }
0xb7: {  	v33 =	vld [tilespmem:s25+$0x60]  }
0xb8: {  	[tilespmem:s25+$0x30] =	vst v1;
	v1 =	vmul.f32 v30, v31  }
0xb9: {  	v34 =	vld [tilespmem:s25+$0x70]  }
0xba: {  	[tilespmem:s25+$0x40] =	vst v1;
	v1 =	vmul.f32 v32, v31  }
0xbb: {  	v35 =	vld [tilespmem:s25+$0x80]  }
0xbc: {  	[tilespmem:s25+$0x50] =	vst v1;
	v1 =	vmul.f32 v33, v31  }
0xbd: {  	v37 =	vld [tilespmem:s25+$0x90]  }
0xbe: {  	v36 =	vbroadcast v0, $0xA;
	[tilespmem:s25+$0x60] =	vst v1;
	v1 =	vmul.f32 v34, v31  }
0xbf: {  	v38 =	vld [tilespmem:s25+$0xA0]  }
0xc0: {  	[tilespmem:s25+$0x70] =	vst v1;
	v1 =	vmul.f32 v35, v36  }
0xc1: {  	v39 =	vld [tilespmem:s25+$0xB0]  }
0xc2: {  	[tilespmem:s25+$0x80] =	vst v1;
	v1 =	vmul.f32 v37, v36  }
0xc3: {  	v40 =	vld [tilespmem:s25+$0xC0]  }
0xc4: {  	[tilespmem:s25+$0x90] =	vst v1;
	v1 =	vmul.f32 v38, v36  }
0xc5: {  	v42 =	vld [tilespmem:s25+$0xD0]  }
0xc6: {  	v41 =	vbroadcast v0, $0xB;
	[tilespmem:s25+$0xA0] =	vst v1;
	v1 =	vmul.f32 v39, v36  }
0xc7: {  	v43 =	vld [tilespmem:s25+$0xE0]  }
0xc8: {  	[tilespmem:s25+$0xB0] =	vst v1;
	v1 =	vmul.f32 v40, v41  }
0xc9: {  	v44 =	vld [tilespmem:s25+$0xF0]  }
0xca: {  	[tilespmem:s25+$0xC0] =	vst v1;
	v1 =	vmul.f32 v42, v41  }
0xcb: {  	v45 =	vld [tilespmem:s25+$0x100]  }
0xcc: {  	[tilespmem:s25+$0xD0] =	vst v1;
	v1 =	vmul.f32 v43, v41  }
0xcd: {  	v47 =	vld [tilespmem:s25+$0x110]  }
0xce: {  	v46 =	vbroadcast v0, $0xC;
	[tilespmem:s25+$0xE0] =	vst v1;
	v1 =	vmul.f32 v44, v41  }
0xcf: {  	v48 =	vld [tilespmem:s25+$0x120]  }
0xd0: {  	[tilespmem:s25+$0xF0] =	vst v1;
	v1 =	vmul.f32 v45, v46  }
0xd1: {  	v49 =	vld [tilespmem:s25+$0x130]  }
0xd2: {  	[tilespmem:s25+$0x100] =	vst v1;
	v1 =	vmul.f32 v47, v46  }
0xd3: {  	v50 =	vld [tilespmem:s25+$0x140]  }
0xd4: {  	[tilespmem:s25+$0x110] =	vst v1;
	v1 =	vmul.f32 v48, v46  }
0xd5: {  	v52 =	vld [tilespmem:s25+$0x150]  }
0xd6: {  	v51 =	vbroadcast v0, $0xD;
	[tilespmem:s25+$0x120] =	vst v1;
	v1 =	vmul.f32 v49, v46  }
0xd7: {  	v53 =	vld [tilespmem:s25+$0x160]  }
0xd8: {  	[tilespmem:s25+$0x130] =	vst v1;
	v1 =	vmul.f32 v50, v51  }
0xd9: {  	v54 =	vld [tilespmem:s25+$0x170]  }
0xda: {  	[tilespmem:s25+$0x140] =	vst v1;
	v1 =	vmul.f32 v52, v51  }
0xdb: {  	v55 =	vld [tilespmem:s25+$0x180]  }
0xdc: {  	[tilespmem:s25+$0x150] =	vst v1;
	v1 =	vmul.f32 v53, v51  }
0xdd: {  	v57 =	vld [tilespmem:s25+$0x190]  }
0xde: {  	v56 =	vbroadcast v0, $0xE;
	[tilespmem:s25+$0x160] =	vst v1;
	v1 =	vmul.f32 v54, v51  }
0xdf: {  	v58 =	vld [tilespmem:s25+$0x1A0]  }
0xe0: {  	[tilespmem:s25+$0x170] =	vst v1;
	v1 =	vmul.f32 v55, v56  }
0xe1: {  	v59 =	vld [tilespmem:s25+$0x1B0]  }
0xe2: {  	[tilespmem:s25+$0x180] =	vst v1;
	v1 =	vmul.f32 v57, v56  }
0xe3: {  	v60 =	vld [tilespmem:s25+$0x1C0]  }
0xe4: {  	[tilespmem:s25+$0x190] =	vst v1;
	v1 =	vmul.f32 v58, v56  }
0xe5: {  	v61 =	vld [tilespmem:s25+$0x1D0]  }
0xe6: {  	v0 =	vbroadcast v0, $0xF;
	[tilespmem:s25+$0x1A0] =	vst v1;
	v1 =	vmul.f32 v59, v56  }
0xe7: {  	v62 =	vld [tilespmem:s25+$0x1E0]  }
0xe8: {  	v63 =	vld [tilespmem:s25+$0x1F0];
	[tilespmem:s25+$0x1B0] =	vst v1;
	v1 =	vmul.f32 v60, v0;
	_ =	sdelay $0x1  }
0xe9: {  	p0 =	sne.s32 s24, $0x1C0;
	[tilespmem:s25+$0x1C0] =	vst v1;
	v1 =	vmul.f32 v61, v0  }
.Ltmp0:
0xea: {  	_ = 	snop;
	(pc) =	sbr.rel @p0 .LBB2_3-.Ltmp0, $4  }
0xeb: {  	[tilespmem:s25+$0x1D0] =	vst v1;
	v1 =	vmul.f32 v62, v0  }
0xec: {  	v0 =	vmul.f32 v63, v0  }
0xed: {  	[tilespmem:s25+$0x1E0] =	vst v1  }
0xee: {  	s24 =	sadd.s32 $0x40, s24;
	[tilespmem:s25+$0x1F0] =	vst v0;
	s25 =	sadd.s32 $0x400, s25  }
0xef: {  	s22 =	sadd.s32 $0x1, s22  }
0xf0: {  	p0 =	sne.s32 s22, $0x51  }
.Ltmp1:
0xf1: {  	_ = 	snop;
	(pc) =	sbr.rel @p0 .LBB2_2-.Ltmp1, $4  }
0xf2: {  	[spmem:s2] =	stream.indirect.scatter.add.f32 [tilespmem:s19], [sflag:$0x2], $0x40, s23, s18, $0xb8;
	[tilespmem:$0x16200] =	vst v63  }
0xf3: {  	_ =	swait.ge [sflag:s12], $0x2000  }
0xf4: {  	[sflag:s12] =	ssyncset.done $0x0  }
0xf5: {  	[sflag:s12] =	ssyncadd.s32 $0xFFFFE000  }
0xf6: {  	s21 =	sadd.s32 $0x1, s21  }
0xf7: {  	p0 =	sne.s32 s21, s11  }
.Ltmp2:
0xf8: {  	[bflag:$0x0] =	sbarrier.arrive $0xFFFF;
	(pc) =	sbr.rel @p0 .LBB2_1-.Ltmp2, $4  }
0xf9: {  	[hbm:s10], [sflag:s16] =	dma.local [spmem:s17], $0x1400  }
0xfa: {  	_ =	swait.ge [sflag:s12], $0x1400  }
0xfb: {  	[sflag:s12] =	ssyncset.done $0x0  }
0xfc: {  	[sflag:s12] =	ssyncadd.s32 $0xFFFFEC00  }
0xfd: {  	_ =	sfence.sel $0x180000  }
0xfe: {  	[bflag:$0x0] =	sbarrier.arrive $0xFFFF  }
0xff: {  	p0 =	sne.s32 s0, $0x0;
	_ =	strace $0x9000004D  }
0x100: {  	s0 =	sadd.s32 @!p0 $0x100000, s1;
	[bflag:$0x2] =	sbarrier.arrive $0xFFFF  }
0x101: {  	[sflag:s0] =	ssyncadd.tile.s32 @!p0 $0x1;
	_ =	shalt  }
.Lfunc_end2:
_tile_overlayer_lowered:
.L_overlay_start_2:
0x102: {  	(tag) =	ssettag $0x2  }
0x103: {  	s0 =	rddreg [dreg:$0x0];
	s2 =	stileid.u32  }
0x104: {  	s1 =	rddreg [dreg:$0x1];
	p0 =	sne.s32 s2, $0x0  }
0x105: {  	s3 =	rddreg [dreg:$0x2];
	[bflag:$0x3] =	sbarrier.arrive $0xFFFF;
	s2 =	simm.s32 @!p0 $0x1C02  }
0x106: {  	[timem:s3], [sflag:s2] =	dma.local @!p0 [hbm:s0], s1  }
0x107: {  	s0 =	simm.s32 @!p0 $0x2  }
0x108: {  	_ =	swait.ge @!p0 [sflag:s0], s1  }
0x109: {  	s1 =	ssub.s32 @!p0 $0x0, s1;
	[sflag:s0] =	ssyncset.done @!p0 $0x0  }
0x10a: {  	[sflag:s0] =	ssyncadd.s32 @!p0 s1  }
0x10b: {  	[bflag:$0x3] =	sbarrier.arrive $0xFFFF  }
0x10c: {  	_ =	shalt  }

// kernel: kernel.9.cloned.1.call-start
scs
__scs_entry_jumppad:
0x0: {  	(pc) =	sbr.rel $0x88, $3  }
0x1: {  	(tag) =	ssettag $0x0;
	lr =	simm.s32 $0x1  }
0x2: {  	[smem:$0x3F9A] =	sst lr;
	_ =	strace $0xD0000000  }
0x3: {  	_ = 	snop  }
0x4: {  	_ = 	snop  }
0x5: {  	_ = 	snop  }
0x6: {  	_ = 	snop  }
0x7: {  	_ = 	snop  }
__scs_overlays_trampoline_lowered:
0x8: {  	[smem:$0x3FA9] =	sst s0  }
0x9: {  	[smem:$0x3FAA] =	sst s1  }
0xa: {  	[smem:$0x3FAB] =	sst s2  }
0xb: {  	[smem:$0x3FAC] =	sst s3  }
0xc: {  	[smem:$0x3FAD] =	sst s4  }
0xd: {  	[smem:$0x3FAE] =	sst s5  }
0xe: {  	[smem:$0x3FAF] =	sst s6  }
0xf: {  	[smem:$0x3FB0] =	sst s7  }
0x10: {  	[smem:$0x3FB1] =	sst s8  }
0x11: {  	[smem:$0x3FB2] =	sst s9;
	s0 =	simm.s32 @!p0 $0x0  }
0x12: {  	s1 =	sld [smem:$0x3F98];
	s0 =	simm.s32 @p0 $0x1  }
0x13: {  	[smem:$0x3FB3] =	sst s0;
	s0 =	simm.s32 @!p1 $0x0  }
0x14: {  	s2 =	sld [smem:$0x3F97];
	s0 =	simm.s32 @p1 $0x1  }
0x15: {  	[smem:$0x3FB4] =	sst s0;
	s0 =	simm.s32 @!p2 $0x0  }
0x16: {  	s3 =	sld [smem:$0x3FDB];
	s0 =	simm.s32 @p2 $0x1  }
0x17: {  	s4 =	simm.s32 $0x1BF5;
	[smem:$0x3FB6] =	sst s0  }
0x18: {  	s0 =	sld [smem:$0x3F99];
	_ =	swait.ge [sflag:s4], $0x0  }
0x19: {  	s7 =	sld [smem:$0x3F9A]  }
0x1a: {  	s8 =	sadd.s32 $0xFFFFE003, lr  }
0x1b: {  	s9 =	sadd.s32 $0xFFFFFEF7, lr;
	s5 =	simm.s32 $0xFFFFFFFF;
	p2 =	slt.u32 s8, $0xFFFFF086  }
0x1c: {  	p1 =	slt.u32 s9, $0xF7A;
	s5 =	simm.s32 @!p2 $0x0  }
0x1d: {  	s5 =	simm.s32 @p1 $0x1;
	p0 =	seq.s32 s7, s2  }
0x1e: {  	s7 =	smul.u32 @!p0 $0xF7A, s2;
	p2 =	seq.s32 @!p0 s5, $0x0  }
0x1f: {  	s9 =	smul.u32 $0xF7A, s1;
	s8 =	simm.s32 @!p0 $0x1BF5;
	p2 =	por !p2, p0  }
0x20: {  	[sflag:s8] =	ssyncset.s32 @!p0 $0xFFFFF086;
	s6 =	sadd.s32 @!p0 s3, s7;
	s7 =	simm.s32 @!p0 $0x108  }
0x21: {  	s3 =	sadd.s32 s3, s9;
	s6 =	sadd.s32 @!p0 $0x88, s6;
	s7 =	simm.s32 @p2 $0x1082  }
0x22: {  	[simem:s7], [sflag:s8] =	dma.local @!p0 [hbm:s6], $0xF7A  }
0x23: {  	s9 =	sor.u32 $0xD0000000, s2;
	s6 =	simm.s32 $0x108;
	_ =	swait.ge @!p0 [sflag:s8], $0x0  }
0x24: {  	s3 =	sadd.s32 $0x88, s3;
	s6 =	simm.s32 @!p1 $0x1082;
	[sflag:s4] =	ssyncset.s32 $0xFFFFF086  }
0x25: {  	[simem:s6], [sflag:s4] =	dma.local [hbm:s3], $0xF7A  }
0x26: {  	[smem:$0x3F9A] =	sst s1;
	(tag) =	ssettag s2;
	_ =	strace s9  }
0x27: {  	s1 =	sld [smem:$0x3FAA]  }
0x28: {  	s2 =	sld [smem:$0x3FAB]  }
0x29: {  	s4 =	sld [smem:$0x3FAD]  }
0x2a: {  	p0 =	seq.s32 s5, $0x0;
	s5 =	sld [smem:$0x3FAE]  }
0x2b: {  	s6 =	sld [smem:$0x3FAF]  }
0x2c: {  	s7 =	sld [smem:$0x3FB0]  }
0x2d: {  	s3 =	simm.s32 $0x108;
	s8 =	sld [smem:$0x3FB1]  }
0x2e: {  	s3 =	simm.s32 @!p0 $0x1082;
	s9 =	sld [smem:$0x3FB2]  }
0x2f: {  	lr =	sadd.s32 s0, s3;
	s0 =	sld [smem:$0x3FA9]  }
0x30: {  	s3 =	sld [smem:$0x3FAC]  }
0x31: {  	[smem:$0x3FB5] =	sst s10  }
0x32: {  	s10 =	sld [smem:$0x3FB3];
	_ =	sdelay $0x3  }
0x33: {  	p0 =	seq.s32 s10, $0x1;
	s10 =	sld [smem:$0x3FB5];
	_ =	sdelay $0x3  }
0x34: {  	[smem:$0x3FB5] =	sst s10  }
0x35: {  	s10 =	sld [smem:$0x3FB4];
	_ =	sdelay $0x3  }
0x36: {  	p1 =	seq.s32 s10, $0x1;
	s10 =	sld [smem:$0x3FB5];
	_ =	sdelay $0x3  }
0x37: {  	[smem:$0x3FB5] =	sst s10  }
0x38: {  	s10 =	sld [smem:$0x3FB6]  }
0x39: {  	_ = 	snop;
	(pc) =	sbr.ind lr, $3  }
0x3a: {  	_ = 	snop  }
0x3b: {  	_ = 	snop  }
0x3c: {  	p2 =	seq.s32 s10, $0x1;
	s10 =	sld [smem:$0x3FB5]  }
0x3d: {  	_ =	shalt  }
0x3e: {  	_ =	shalt  }
0x3f: {  	_ =	shalt  }
0x40: {  	_ =	shalt  }
0x41: {  	_ =	shalt  }
0x42: {  	_ =	shalt  }
0x43: {  	_ =	shalt  }
0x44: {  	_ =	shalt  }
0x45: {  	_ =	shalt  }
0x46: {  	_ =	shalt  }
0x47: {  	_ =	shalt  }
0x48: {  	_ =	shalt  }
0x49: {  	_ =	shalt  }
0x4a: {  	_ =	shalt  }
0x4b: {  	_ =	shalt  }
0x4c: {  	_ =	shalt  }
0x4d: {  	_ =	shalt  }
0x4e: {  	_ =	shalt  }
0x4f: {  	_ =	shalt  }
0x50: {  	_ =	shalt  }
0x51: {  	_ =	shalt  }
0x52: {  	_ =	shalt  }
0x53: {  	_ =	shalt  }
0x54: {  	_ =	shalt  }
0x55: {  	_ =	shalt  }
0x56: {  	_ =	shalt  }
0x57: {  	_ =	shalt  }
0x58: {  	_ =	shalt  }
0x59: {  	_ =	shalt  }
0x5a: {  	_ =	shalt  }
0x5b: {  	_ =	shalt  }
0x5c: {  	_ =	shalt  }
0x5d: {  	_ =	shalt  }
0x5e: {  	_ =	shalt  }
0x5f: {  	_ =	shalt  }
0x60: {  	_ =	shalt  }
0x61: {  	_ =	shalt  }
0x62: {  	_ =	shalt  }
0x63: {  	_ =	shalt  }
0x64: {  	_ =	shalt  }
0x65: {  	_ =	shalt  }
0x66: {  	_ =	shalt  }
0x67: {  	_ =	shalt  }
0x68: {  	_ =	shalt  }
0x69: {  	_ =	shalt  }
0x6a: {  	_ =	shalt  }
0x6b: {  	_ =	shalt  }
0x6c: {  	_ =	shalt  }
0x6d: {  	_ =	shalt  }
0x6e: {  	_ =	shalt  }
0x6f: {  	_ =	shalt  }
0x70: {  	_ =	shalt  }
0x71: {  	_ =	shalt  }
0x72: {  	_ =	shalt  }
0x73: {  	_ =	shalt  }
0x74: {  	_ =	shalt  }
0x75: {  	_ =	shalt  }
0x76: {  	_ =	shalt  }
0x77: {  	_ =	shalt  }
0x78: {  	_ =	shalt  }
0x79: {  	_ =	shalt  }
0x7a: {  	_ =	shalt  }
0x7b: {  	_ =	shalt  }
0x7c: {  	_ =	shalt  }
0x7d: {  	_ =	shalt  }
0x7e: {  	_ =	shalt  }
0x7f: {  	_ =	shalt  }
0x80: {  	_ =	shalt  }
0x81: {  	_ =	shalt  }
0x82: {  	_ =	shalt  }
0x83: {  	_ =	shalt  }
0x84: {  	_ =	shalt  }
0x85: {  	_ =	shalt  }
0x86: {  	_ =	shalt  }
0x87: {  	_ =	shalt  }
.Lfunc_end0:
.L_simem_size_0:
called_computation_lowered:
.L_overlay_start_0:
0x88: {  	s2 =	sld [smem:$0x3FD9]  }
0x89: {  	s3 =	sld [smem:$0x3FFE];
	_ =	sdelay $0x1  }
0x8a: {  	s1 =	srdreg.scid  }
0x8b: {  	s0 =	sand.u32 $0x1, s1  }
0x8c: {  	s17 =	sshll.u32 s0, $0xA;
	s2 =	sadd.s32 s3, s2  }
0x8d: {  	s2 =	sadd.s32 s2, s17  }
0x8e: {  	[smem:$0x3FC1] =	sst s2  }
0x8f: {  	_ = 	snop  }
0x90: {  	s2 =	sld [smem:$0x3FD0];
	(tm) =	ssettm $0x1  }
0x91: {  	s18 =	sld [smem:$0x3FFB];
	_ =	sdelay $0x3  }
0x92: {  	_ =	strace s18  }
0x93: {  	s3 =	sld [smem:$0x3FFC];
	_ =	sdelay $0x3  }
0x94: {  	_ =	strace s3  }
0x95: {  	s3 =	sld [smem:$0x3FFD];
	_ =	sdelay $0x3  }
0x96: {  	_ =	strace s3  }
0x97: {  	_ =	strace $0x8FFFFFFF  }
0x98: {  	s19 =	sld [smem:$0x3FDB];
	_ =	sdelay $0x1  }
0x99: {  	s4 =	simm.s32 $_scs_section_size  }
0x9a: {  	s5 =	simm.s32 $_size__tile_overlayer_lowered;
	s6 =	simm.s32 $_tile_overlayer_lowered  }
0x9b: {  	s22 =	simm.s32 $0x1BFF;
	s21 =	sshll.u32 s6, $0x1;
	s3 =	sadd.s32 s4, s19  }
0x9c: {  	s7 =	simm.s32 $0x0;
	s20 =	sshll.u32 s5, $0x1;
	s5 =	sadd.s32 s21, s3  }
0x9d: {  	[timem:s7], [sflag:s22] =	dma.local [hbm:s5], s20  }
0x9e: {  	_ =	swait.ge [sflag:s22], s20  }
0x9f: {  	s4 =	ssub.s32 $0x0, s20;
	[sflag:s22] =	ssyncset.done $0x0  }
0xa0: {  	[sflag:s22] =	ssyncadd.s32 s4;
	_ =	sdelay $0x1  }
0xa1: {  	s23 =	simm.s32 $0x1B8B  }
0xa2: {  	_ =	swait.ge [sflag:s23], $0x1  }
0xa3: {  	[sflag:s23] =	ssyncset.done $0x0  }
0xa4: {  	s25 =	simm.s32 $0x1B8E;
	s24 =	sld [smem:$0x3FFE];
	[sflag:s23] =	ssyncadd.s32 $0xFFFFFFFF  }
0xa5: {  	s26 =	simm.s32 $execute0_lowered;
	[smem:$0x3FD2] =	sst s25  }
0xa6: {  	s5 =	sshll.u32 s26, $0x1;
	_ =	strace $0x80000046;
	[dreg:$0x1] =	wrdreg $0xFFFFFFFF  }
0xa7: {  	s28 =	simm.s32 $_size_execute0_lowered;
	s3 =	sadd.s32 s3, s5;
	[dreg:$0x0] =	wrdreg $0x0  }
0xa8: {  	s5 =	sshll.u32 s28, $0x1;
	[dreg:$0x2] =	wrdreg s3  }
0xa9: {  	[dreg:$0x3] =	wrdreg s5  }
0xaa: {  	[dreg:$0x4] =	wrdreg $0xC0  }
0xab: {  	_ =	task [dreg:s7], $0x5FFFF  }
0xac: {  	[dreg:$0x1] =	wrdreg $0xFFFFFFFF  }
0xad: {  	[dreg:$0x0] =	wrdreg $0x60  }
0xae: {  	[dreg:$0x2] =	wrdreg s2  }
0xaf: {  	[dreg:$0x3] =	wrdreg s24  }
0xb0: {  	[dreg:$0x4] =	wrdreg $0x51000  }
0xb1: {  	[dreg:$0x5] =	wrdreg $0x9  }
0xb2: {  	_ =	task.clear_ibuf [dreg:s7], $0x6FFFF;
	_ =	strace $0x90000046  }
0xb3: {  	s29 =	simm.s32 $0x9;
	_ =	strace $0x80000048  }
0xb4: {  	_ =	swait.ge [sflag:s29], $0x1  }
0xb5: {  	[sflag:s29] =	ssyncadd.s32 $0xFFFFFFFF  }
0xb6: {  	_ =	strace $0x90000048  }
0xb7: {  	_ =	sfence  }
0xb8: {  	s30 =	sld [smem:$0x0];
	_ =	sdelay $0x2  }
0xb9: {  	s31 =	sshll.u32 s1, $0xD;
	s1 =	sshrl.u32 s1, $0x2  }
0xba: {  	s3 =	sand.u32 $0x4000, s31;
	s1 =	sadd.s32 s1, s30  }
0xbb: {  	s0 =	sor.u32 s3, s0;
	s1 =	sshll.u32 s1, $0x11  }
0xbc: {  	s0 =	sor.u32 s1, s0  }
0xbd: {  	s0 =	sadd.s32 $0x8F2B, s0  }
0xbe: {  	[sflag:s0] =	ssyncadd.remote.s32 $0x1  }
0xbf: {  	_ =	sfence.sel $0xFFFF  }
0xc0: {  	[dreg:$0x0] =	wrdreg $0xFFFFFFFF;
	(pc) =	sbr.abs _section_cstart, $3  }
0xc1: {  	[dreg:$0x1] =	wrdreg $0xFFFFFFFF  }
0xc2: {  	_ =	task.clear_ibuf [dreg:s7], $0x2FFFF;
	_ =	strace $0x9FFFFFFF  }
0xc3: {  	(tm) =	ssettm $0x7FFFFFFF  }
tec
execute0_lowered:
.L_overlay_start_1:
0x0: {  	(tag) =	ssettag $0x1  }
0x1: {  	s5 =	rddreg [dreg:$0x0]  }
0x2: {  	s6 =	rddreg [dreg:$0x1]  }
0x3: {  	s2 =	rddreg [dreg:$0x2]  }
0x4: {  	s0 =	rddreg [dreg:$0x3];
	s3 =	srdreg.scid  }
0x5: {  	s1 =	stileid.u32;
	s13 =	simm.s32 $0x80;
	s14 =	simm.s32 $0x0  }
0x6: {  	s4 =	sand.u32 $0x1, s3;
	s7 =	sshll.u32 s1, $0x1;
	s8 =	smul.u32 $0x280, s1  }
0x7: {  	s3 =	simm.s32 $0x0;
	s31 =	sshll.u32 s1, $0x6;
	s7 =	sor.u32 s4, s7  }
0x8: {  	s9 =	smul.u32 $0x2800, s4;
	[smem:$0x7FF] =	sst s3;
	s10 =	ssub.s32 $0x2, s4  }
0x9: {  	s4 =	sadd.s32 $0x16000, s6;
	s7 =	smul.u32 $0x510, s7;
	_ =	strace $0x80000047  }
0xa: {  	s12 =	sshrl.u32 s10, $0x1;
	s30 =	sadd.s32 s8, s2;
	s9 =	sadd.s32 s8, s9  }
0xb: {  	s10 =	ssub.s32 s10, s12;
	s12 =	sshrl.u32 s30, $0x3;
	s11 =	sadd.s32 s7, s6  }
0xc: {  	s9 =	sshrl.u32 s9, $0x3;
	s5 =	sadd.s32 s5, s7;
	s8 =	smax.u32 s10, $0x1  }
0xd: {  	s10 =	simm.s32 $0x2880;
	s9 =	sadd.s32 s9, s6;
	s6 =	sadd.s32 $0x1C00, s11  }
0xe: {  	s11 =	sor.u32 $0x1C01, s31;
	s7 =	sadd.s32 $0x16200, s9;
	s9 =	simm.s32 $0x1  }
.LBB2_1:
0xf: {  	[tilespmem:s3], [sflag:$0x1] =	stream.linear.gather [hbm4b:s5+s3], $0x2880, $0x38;
	[tilespmem:$0x5380] =	vst v63  }
0x10: {  	_ =	swait.ge [sflag:s9], $0x2880  }
0x11: {  	[sflag:s9] =	ssyncset.done $0x0  }
0x12: {  	[sflag:s9] =	ssyncadd.s32 $0xFFFFD780  }
0x13: {  	[tilespmem:s10], [sflag:$0x1] =	stream.linear.gather [hbm4b:s6+s3], $0x2880, $0x38;
	[tilespmem:$0x5380] =	vst v63  }
0x14: {  	_ =	swait.ge [sflag:s9], $0x2880  }
0x15: {  	[sflag:s9] =	ssyncset.done $0x0  }
0x16: {  	[sflag:s9] =	ssyncadd.s32 $0xFFFFD780  }
0x17: {  	[spmem:s12], [sflag:s11] =	dma.local [hbm:s4], $0x50  }
0x18: {  	_ =	swait.ge [sflag:s9], $0x50  }
0x19: {  	[sflag:s9] =	ssyncset.done $0x0  }
0x1a: {  	[sflag:s9] =	ssyncadd.s32 $0xFFFFFFB0  }
0x1b: {  	s15 =	simm.s32 $0x0;
	s16 =	simm.s32 $0x2880;
	[bflag:$0x0] =	sbarrier.arrive $0xFFFF  }
0x1c: {  	[spmem:s2] =	stream.indirect.scatter.add.f32 [tilespmem:s16], [sflag:$0x1], $0x1, s15, s13, $0xb8;
	[tilespmem:$0x5380] =	vst v63  }
0x1d: {  	s15 =	simm.s32 $0x200;
	_ =	swait.ge [sflag:s9], $0x80  }
.LBB2_2:
0x1e: {  	s16 =	sshra.s32 s15, $0x2;
	[sflag:s9] =	ssyncset.done $0x0;
	p0 =	sne.s32 s15, $0xA000  }
.Ltmp0:
0x1f: {  	s17 =	sadd.s32 $0x2880, s16;
	[sflag:s9] =	ssyncadd.s32 $0xFFFFFF80;
	(pc) =	sbr.rel @p0 .LBB2_2-.Ltmp0, $3  }
0x20: {  	[spmem:s2] =	stream.indirect.scatter.add.f32 [tilespmem:s17], [sflag:$0x1], $0x1, s16, s13, $0xb8;
	[tilespmem:$0x5380] =	vst v63  }
0x21: {  	s15 =	sadd.s32 $0x200, s15;
	_ =	sdelay $0x1  }
0x22: {  	_ =	swait.ge [sflag:s9], $0x80  }
0x23: {  	[sflag:s9] =	ssyncset.done $0x0;
	s14 =	sadd.s32 $0x1, s14  }
0x24: {  	[sflag:s9] =	ssyncadd.s32 $0xFFFFFF80;
	p0 =	sne.s32 s14, s8  }
.Ltmp1:
0x25: {  	[bflag:$0x0] =	sbarrier.arrive $0xFFFF;
	(pc) =	sbr.rel @p0 .LBB2_1-.Ltmp1, $4  }
0x26: {  	[hbm:s7], [sflag:s11] =	dma.local [spmem:s12], $0x50  }
0x27: {  	_ =	swait.ge [sflag:s9], $0x50  }
0x28: {  	[sflag:s9] =	ssyncset.done $0x0  }
0x29: {  	[sflag:s9] =	ssyncadd.s32 $0xFFFFFFB0  }
0x2a: {  	_ =	sfence.sel $0x180000  }
0x2b: {  	[bflag:$0x0] =	sbarrier.arrive $0xFFFF  }
0x2c: {  	p0 =	sne.s32 s1, $0x0;
	_ =	strace $0x90000047  }
0x2d: {  	s0 =	sadd.s32 @!p0 $0x100000, s0;
	[bflag:$0x2] =	sbarrier.arrive $0xFFFF  }
0x2e: {  	[sflag:s0] =	ssyncadd.tile.s32 @!p0 $0x1;
	_ =	shalt  }
.Lfunc_end2:
_tile_overlayer_lowered:
.L_overlay_start_2:
0x2f: {  	(tag) =	ssettag $0x2  }
0x30: {  	s0 =	rddreg [dreg:$0x0];
	s2 =	stileid.u32  }
0x31: {  	s1 =	rddreg [dreg:$0x1];
	p0 =	sne.s32 s2, $0x0  }
0x32: {  	s3 =	rddreg [dreg:$0x2];
	[bflag:$0x3] =	sbarrier.arrive $0xFFFF;
	s2 =	simm.s32 @!p0 $0x1C01  }
0x33: {  	[timem:s3], [sflag:s2] =	dma.local @!p0 [hbm:s0], s1  }
0x34: {  	s0 =	simm.s32 @!p0 $0x1  }
0x35: {  	_ =	swait.ge @!p0 [sflag:s0], s1  }
0x36: {  	s1 =	ssub.s32 @!p0 $0x0, s1;
	[sflag:s0] =	ssyncset.done @!p0 $0x0  }
0x37: {  	[sflag:s0] =	ssyncadd.s32 @!p0 s1  }
0x38: {  	[bflag:$0x3] =	sbarrier.arrive $0xFFFF  }
0x39: {  	_ =	shalt  }

</sc_bundles>
